<compile_context>
chip_gen: v7x
topology: tpu7x:2x2x1
jax: 0.10.2.dev20260603
libtpu: 0.0.44.dev20260713+nightly
codegen_flags: <defaults>
</compile_context>

<pallas_src>
import jax
import jax.numpy as jnp
import numpy as np
from jax.experimental import pallas as pl
from jax.experimental.pallas import tpu as pltpu

_RATE = 0.1
_SCALE = float(np.float32(1.0) / np.float32(1.0 - _RATE))
_THRESH = 838861
_K0 = 0
_K1 = 42
_KS2 = (_K0 ^ _K1 ^ 0x1BD11BDA)

_ROT1 = (13, 15, 26, 6)
_ROT2 = (17, 29, 16, 24)

_BLK_R2 = 512
_BLK_C2 = 128
_BLK = _BLK_R2 * _BLK_C2


def _rotl(x, d):
    return jax.lax.shift_left(x, jnp.int32(d)) | jax.lax.shift_right_logical(
        x, jnp.int32(32 - d)
    )


def _mix(x0, x1, rots):
    for r in rots:
        x0 = x0 + x1
        x1 = _rotl(x1, r) ^ x0
    return x0, x1


def _threefry_bits(p):
    ks0 = jnp.int32(_K0)
    ks1 = jnp.int32(_K1)
    ks2 = jnp.int32(_KS2)
    x0 = jnp.zeros_like(p) + ks0
    x1 = p + ks1
    x0, x1 = _mix(x0, x1, _ROT1)
    x0, x1 = x0 + ks1, x1 + (ks2 + jnp.int32(1))
    x0, x1 = _mix(x0, x1, _ROT2)
    x0, x1 = x0 + ks2, x1 + (ks0 + jnp.int32(2))
    x0, x1 = _mix(x0, x1, _ROT1)
    x0, x1 = x0 + ks0, x1 + (ks1 + jnp.int32(3))
    x0, x1 = _mix(x0, x1, _ROT2)
    x0, x1 = x0 + ks1, x1 + (ks2 + jnp.int32(4))
    x0, x1 = _mix(x0, x1, _ROT1)
    x0, x1 = x0 + ks2, x1 + (ks0 + jnp.int32(5))
    return x0 ^ x1


def _body(nblk, v_ref, o_ref):
    b = pl.program_id(0)
    row = jax.lax.broadcasted_iota(jnp.int32, (_BLK_R2, _BLK_C2), 0)
    col = jax.lax.broadcasted_iota(jnp.int32, (_BLK_R2, _BLK_C2), 1)
    p = b * _BLK + row * _BLK_C2 + col
    bits = _threefry_bits(p)
    keep = jax.lax.shift_right_logical(bits, jnp.int32(9)) >= jnp.int32(_THRESH)
    v = v_ref[...].reshape(_BLK_R2, _BLK_C2)
    res = jnp.where(keep, v * _SCALE, jnp.float32(0.0))
    o_ref[...] = res.reshape(_BLK)


def _tc_dropout(values, head, full_size=None):
    nblk = (head + _BLK - 1) // _BLK

    def body(v_ref, o_ref):
        _body(nblk, v_ref, o_ref)

    return pl.pallas_call(
        body,
        grid=(nblk,),
        in_specs=[pl.BlockSpec((_BLK,), lambda b: (b,))],
        out_specs=pl.BlockSpec((_BLK,), lambda b: (b,)),
        out_shape=jax.ShapeDtypeStruct((full_size or head,), jnp.float32),
    )(values)


from jax import lax
from jax.experimental.pallas import tpu_sc as plsc

_SC_CH = 4096
_SC_NW = 32
_SC_V = _SC_CH // 16


def _sc_dropout(values, start, count):
    nfull = count // _SC_CH
    tail_base = nfull * _SC_CH
    tail_len = count - tail_base
    tail_wid = nfull % _SC_NW
    tail_v = (tail_len + 15) // 16

    mesh = plsc.VectorSubcoreMesh(core_axis_name="c", subcore_axis_name="s")

    def body(v_hbm, o_hbm, vin, vout):
        c = lax.axis_index("c")
        s = lax.axis_index("s")
        wid = s * 2 + c

        def compute_chunk(gbase, nv):
            @plsc.parallel_loop(0, nv, unroll=8)
            def _(j):
                p = gbase + j * 16 + lax.iota(jnp.int32, 16)
                bits = _threefry_bits(p)
                keep = (
                    jax.lax.shift_right_logical(bits, jnp.int32(9))
                    >= jnp.int32(_THRESH)
                )
                x = vin[pl.ds(j * 16, 16)]
                vout[pl.ds(j * 16, 16)] = jnp.where(
                    keep, x * _SCALE, jnp.float32(0.0)
                )

        nt = (jnp.int32(nfull) - wid + jnp.int32(_SC_NW - 1)) // jnp.int32(_SC_NW)

        def one_chunk(t, _):
            lbase = (wid + t * _SC_NW) * _SC_CH
            pltpu.sync_copy(v_hbm.at[pl.ds(start + lbase, _SC_CH)], vin)
            compute_chunk(start + lbase, _SC_V)
            pltpu.sync_copy(vout, o_hbm.at[pl.ds(lbase, _SC_CH)])
            return 0

        lax.fori_loop(0, nt, one_chunk, 0)

        if tail_len:
            @pl.when(wid == tail_wid)
            def _tail():
                pltpu.sync_copy(
                    v_hbm.at[pl.ds(start + tail_base, tail_len)],
                    vin.at[pl.ds(0, tail_len)],
                )
                compute_chunk(jnp.int32(start + tail_base), tail_v)
                pltpu.sync_copy(
                    vout.at[pl.ds(0, tail_len)],
                    o_hbm.at[pl.ds(tail_base, tail_len)],
                )

    return pl.kernel(
        body,
        out_type=jax.ShapeDtypeStruct((count,), jnp.float32),
        mesh=mesh,
        scratch_types=[
            pltpu.VMEM((_SC_CH,), jnp.float32),
            pltpu.VMEM((_SC_CH,), jnp.float32),
        ],
    )(values)


_SPLIT = 32 * _BLK


def _tc_writeback(tmp, full):
    count = tmp.shape[0]
    nblk = (count + _BLK - 1) // _BLK
    off = _SPLIT // _BLK

    def body(t_ref, f_ref, o_ref):
        o_ref[...] = t_ref[...]

    return pl.pallas_call(
        body,
        grid=(nblk,),
        in_specs=[
            pl.BlockSpec((_BLK,), lambda b: (b,)),
            pl.BlockSpec(memory_space=pl.ANY),
        ],
        out_specs=pl.BlockSpec((_BLK,), lambda b: (b + off,)),
        out_shape=jax.ShapeDtypeStruct(full.shape, jnp.float32),
        input_output_aliases={1: 0},
    )(tmp, full)


def kernel(values, indices):
    nnz = values.shape[0]
    tail = _sc_dropout(values, _SPLIT, nnz - _SPLIT)
    head_full = _tc_dropout(values, _SPLIT, full_size=nnz)
    out = _tc_writeback(tail, head_full)
    return out, indices

# --- scband reference (transcript-rebuilt; emitter-appended) ---
"""Pipeline reference for scband-sparse-dropout-30133490549139 (READ-ONLY COPY).

The authoritative reference and input builder live on the scoring server;
editing this copy changes nothing except your own understanding.
"""

import jax, jax.numpy as jnp
import numpy as np

N = 16384
NNZ = 2684354
RATE = 0.1


def setup_inputs(seed: int = 0) -> dict:
    key = jax.random.key(seed)
    k1, k2 = jax.random.split(key)
    values = jax.random.normal(k1, (NNZ,), dtype=jnp.float32)
    indices = jax.random.randint(k2, (NNZ, 2), 0, N, dtype=jnp.int32)
    return {"values": values, "indices": indices}


def reference(values, indices):
    # SparseDropout.call with training=True.
    # tf.SparseTensor is represented as (indices, values). noise_shape = shape of values.
    # tf.sparse.retain(x, keep_mask) * scale  ==  values * keep_mask / keep_prob
    # (retain drops entries; scalar multiply scales remaining values; zeroing the
    #  dropped values is numerically identical for downstream dense math).
    keep_prob = 1.0 - RATE
    mask_key = jax.random.key(42)  # layer seed
    random_tensor = jax.random.uniform(mask_key, values.shape, dtype=values.dtype)
    keep_mask = random_tensor >= RATE
    out_values = jnp.where(keep_mask, values / keep_prob, jnp.zeros_like(values))
    return out_values, indices

if __name__ == "__main__":
    import jax
    _d = setup_inputs()
    print(jax.jit(kernel)(*tuple(_d.values())))

</pallas_src>

<mosaic_0001>
#map = affine_map<(d0, d1) -> (0)>
module attributes {stable_mosaic.version = 14 : i64} {
  func.func @body(%arg0: i32, %arg1: i32, %arg2: memref<2684354xf32, #tpu.memory_space<hbm>>, %arg3: memref<587202xf32, #tpu.memory_space<hbm>>, %arg4: memref<4096xf32, #tpu.memory_space<vmem>>, %arg5: memref<4096xf32, #tpu.memory_space<vmem>>) attributes {dimension_semantics = [#tpu.dimension_semantics<core_parallel>, #tpu.dimension_semantics<subcore_parallel>], iteration_bounds = array<i64: 2, 16>, scalar_prefetch = 0 : i64, scratch_operands = 2 : i64, tpu.core_type = #tpu.core_type<sc_vector_subcore>, window_params = [{transform_indices = #map}, {transform_indices = #map}]} {
    %mul3A = arith.constant 2 : i32
    %mul3A_0 = arith.muli %arg1, %mul3A : i32
    %add3A = arith.addi %mul3A_0, %arg0 : i32
    %sub3A = arith.constant 143 : i32
    %sub3A_1 = arith.subi %sub3A, %add3A : i32
    %add3A_2 = arith.constant 31 : i32
    %add3A_3 = arith.addi %sub3A_1, %add3A_2 : i32
    %jit3A = arith.constant 32 : i32
    %div3A = arith.divsi %add3A_3, %jit3A : i32
    %sign3A = arith.constant 0 : i32
    %sign3A_4 = arith.cmpi sgt, %add3A_3, %sign3A : i32
    %sign3A_5 = arith.extui %sign3A_4 : i1 to i32
    %sign3A_6 = arith.constant 0 : i32
    %sign3A_7 = arith.cmpi slt, %add3A_3, %sign3A_6 : i32
    %sign3A_8 = arith.extui %sign3A_7 : i1 to i32
    %sign3A_9 = arith.subi %sign3A_5, %sign3A_8 : i32
    %sign3A_10 = arith.constant 0 : i32
    %sign3A_11 = arith.cmpi sgt, %jit3A, %sign3A_10 : i32
    %sign3A_12 = arith.extui %sign3A_11 : i1 to i32
    %sign3A_13 = arith.constant 0 : i32
    %sign3A_14 = arith.cmpi slt, %jit3A, %sign3A_13 : i32
    %sign3A_15 = arith.extui %sign3A_14 : i1 to i32
    %sign3A_16 = arith.subi %sign3A_12, %sign3A_15 : i32
    %ne3A = arith.cmpi ne, %sign3A_9, %sign3A_16 : i32
    %rem3A = arith.remsi %add3A_3, %jit3A : i32
    %ne3A_17 = arith.constant 0 : i32
    %ne3A_18 = arith.cmpi ne, %rem3A, %ne3A_17 : i32
    %and3A = arith.andi %ne3A, %ne3A_18 : i1
    %sub3A_19 = arith.constant 1 : i32
    %sub3A_20 = arith.subi %div3A, %sub3A_19 : i32
    %select_n3A = arith.select %and3A, %sub3A_20, %div3A : i32
    %while3A = arith.constant 0 : i32
    %while3A_21 = arith.constant 0 : i32
    %while3A_22 = arith.subi %select_n3A, %while3A : i32
    %while3A_23 = arith.addi %while3A, %while3A_22 : i32
    %while3A_24 = arith.constant 1 : i32
    %while3A_25 = arith.divsi %while3A_22, %while3A_24 : i32
    %while3A_26 = arith.muli %while3A_25, %while3A_24 : i32
    %while3A_27 = arith.addi %while3A, %while3A_26 : i32
    %while3A_28 = arith.constant 1 : i32
    %while3A_29 = scf.for %while3A_34 = %while3A to %while3A_27 step %while3A_28 iter_args(%while3A_35 = %while3A_21) -> (i32)  : i32 {
      %mul3A_36 = arith.constant 32 : i32
      %mul3A_37 = arith.muli %while3A_34, %mul3A_36 : i32
      %add3A_38 = arith.addi %add3A, %mul3A_37 : i32
      %mul3A_39 = arith.constant 4096 : i32
      %mul3A_40 = arith.muli %add3A_38, %mul3A_39 : i32
      %add3A_41 = arith.constant 2097152 : i32
      %add3A_42 = arith.addi %add3A_41, %mul3A_40 : i32
      "tpu.region"() ({
        %run_scoped3A = tpu.sem_alloc : memref<!tpu.dma_semaphore, #tpu.memory_space<semaphore_mem>>
        %dma_start3A = tpu.memref_slice %arg2[%add3A_42] : memref<2684354xf32, #tpu.memory_space<hbm>> -> memref<4096xf32, #tpu.memory_space<hbm>>
        %dma_start3A_48 = tpu.memref_slice %arg2[%add3A_42] : memref<2684354xf32, #tpu.memory_space<hbm>> -> memref<4096xf32, #tpu.memory_space<hbm>>
        tpu.enqueue_dma source(%dma_start3A_48 : memref<4096xf32, #tpu.memory_space<hbm>>) target(%arg4 : memref<4096xf32, #tpu.memory_space<vmem>>) target_semaphore(%run_scoped3A : memref<!tpu.dma_semaphore, #tpu.memory_space<semaphore_mem>>)
        %dma_wait3A = tpu.memref_slice %arg2[%add3A_42] : memref<2684354xf32, #tpu.memory_space<hbm>> -> memref<4096xf32, #tpu.memory_space<hbm>>
        %dma_wait3A_49 = tpu.memref_slice %arg2[%add3A_42] : memref<2684354xf32, #tpu.memory_space<hbm>> -> memref<4096xf32, #tpu.memory_space<hbm>>
        tpu.wait_dma2 semaphore(%run_scoped3A : memref<!tpu.dma_semaphore, #tpu.memory_space<semaphore_mem>>) src(%dma_wait3A_49 : memref<4096xf32, #tpu.memory_space<hbm>>) dst(%arg4 : memref<4096xf32, #tpu.memory_space<vmem>>)
        tpu.yield
      }) : () -> ()
      %add3A_43 = arith.constant 2097152 : i32
      %add3A_44 = arith.addi %add3A_43, %mul3A_40 : i32
      %parallel_loop3A = arith.constant 0 : i32
      %parallel_loop3A_45 = arith.constant 256 : i32
      %parallel_loop3A_46 = arith.constant 1 : i32
      scf.for %parallel_loop3A_48 = %parallel_loop3A to %parallel_loop3A_45 step %parallel_loop3A_46  : i32 {
        %parallel_loop3A_49 = arith.constant 16 : i32
        %parallel_loop3A_50 = arith.muli %parallel_loop3A_48, %parallel_loop3A_49 : i32
        %parallel_loop3A_51 = arith.addi %add3A_44, %parallel_loop3A_50 : i32
        %parallel_loop3A_52 = tpu.iota {dimensions = array<i32: 0>} : vector<16xi32>
        %parallel_loop3A_53 = vector.broadcast %parallel_loop3A_51 : i32 to vector<16xi32>
        %parallel_loop3A_54 = arith.addi %parallel_loop3A_53, %parallel_loop3A_52 : vector<16xi32>
        %parallel_loop3A_55 = arith.constant 0 : i32
        %parallel_loop3A_56 = vector.broadcast %parallel_loop3A_55 : i32 to vector<16xi32>
        %parallel_loop3A_57 = arith.constant 0 : i32
        %parallel_loop3A_58 = vector.broadcast %parallel_loop3A_57 : i32 to vector<16xi32>
        %parallel_loop3A_59 = arith.addi %parallel_loop3A_56, %parallel_loop3A_58 : vector<16xi32>
        %parallel_loop3A_60 = arith.constant 42 : i32
        %parallel_loop3A_61 = vector.broadcast %parallel_loop3A_60 : i32 to vector<16xi32>
        %parallel_loop3A_62 = arith.addi %parallel_loop3A_54, %parallel_loop3A_61 : vector<16xi32>
        %parallel_loop3A_63 = arith.addi %parallel_loop3A_59, %parallel_loop3A_62 : vector<16xi32>
        %parallel_loop3A_64 = arith.constant 13 : i32
        %parallel_loop3A_65 = vector.broadcast %parallel_loop3A_64 : i32 to vector<16xi32>
        %parallel_loop3A_66 = arith.shli %parallel_loop3A_62, %parallel_loop3A_65 : vector<16xi32>
        %parallel_loop3A_67 = arith.constant 19 : i32
        %parallel_loop3A_68 = vector.broadcast %parallel_loop3A_67 : i32 to vector<16xi32>
        %parallel_loop3A_69 = arith.shrui %parallel_loop3A_62, %parallel_loop3A_68 : vector<16xi32>
        %parallel_loop3A_70 = arith.ori %parallel_loop3A_66, %parallel_loop3A_69 : vector<16xi32>
        %parallel_loop3A_71 = arith.xori %parallel_loop3A_70, %parallel_loop3A_63 : vector<16xi32>
        %parallel_loop3A_72 = arith.addi %parallel_loop3A_63, %parallel_loop3A_71 : vector<16xi32>
        %parallel_loop3A_73 = arith.constant 15 : i32
        %parallel_loop3A_74 = vector.broadcast %parallel_loop3A_73 : i32 to vector<16xi32>
        %parallel_loop3A_75 = arith.shli %parallel_loop3A_71, %parallel_loop3A_74 : vector<16xi32>
        %parallel_loop3A_76 = arith.constant 17 : i32
        %parallel_loop3A_77 = vector.broadcast %parallel_loop3A_76 : i32 to vector<16xi32>
        %parallel_loop3A_78 = arith.shrui %parallel_loop3A_71, %parallel_loop3A_77 : vector<16xi32>
        %parallel_loop3A_79 = arith.ori %parallel_loop3A_75, %parallel_loop3A_78 : vector<16xi32>
        %parallel_loop3A_80 = arith.xori %parallel_loop3A_79, %parallel_loop3A_72 : vector<16xi32>
        %parallel_loop3A_81 = arith.addi %parallel_loop3A_72, %parallel_loop3A_80 : vector<16xi32>
        %parallel_loop3A_82 = arith.constant 26 : i32
        %parallel_loop3A_83 = vector.broadcast %parallel_loop3A_82 : i32 to vector<16xi32>
        %parallel_loop3A_84 = arith.shli %parallel_loop3A_80, %parallel_loop3A_83 : vector<16xi32>
        %parallel_loop3A_85 = arith.constant 6 : i32
        %parallel_loop3A_86 = vector.broadcast %parallel_loop3A_85 : i32 to vector<16xi32>
        %parallel_loop3A_87 = arith.shrui %parallel_loop3A_80, %parallel_loop3A_86 : vector<16xi32>
        %parallel_loop3A_88 = arith.ori %parallel_loop3A_84, %parallel_loop3A_87 : vector<16xi32>
        %parallel_loop3A_89 = arith.xori %parallel_loop3A_88, %parallel_loop3A_81 : vector<16xi32>
        %parallel_loop3A_90 = arith.addi %parallel_loop3A_81, %parallel_loop3A_89 : vector<16xi32>
        %parallel_loop3A_91 = arith.constant 6 : i32
        %parallel_loop3A_92 = vector.broadcast %parallel_loop3A_91 : i32 to vector<16xi32>
        %parallel_loop3A_93 = arith.shli %parallel_loop3A_89, %parallel_loop3A_92 : vector<16xi32>
        %parallel_loop3A_94 = arith.constant 26 : i32
        %parallel_loop3A_95 = vector.broadcast %parallel_loop3A_94 : i32 to vector<16xi32>
        %parallel_loop3A_96 = arith.shrui %parallel_loop3A_89, %parallel_loop3A_95 : vector<16xi32>
        %parallel_loop3A_97 = arith.ori %parallel_loop3A_93, %parallel_loop3A_96 : vector<16xi32>
        %parallel_loop3A_98 = arith.xori %parallel_loop3A_97, %parallel_loop3A_90 : vector<16xi32>
        %parallel_loop3A_99 = arith.constant 42 : i32
        %parallel_loop3A_100 = vector.broadcast %parallel_loop3A_99 : i32 to vector<16xi32>
        %parallel_loop3A_101 = arith.addi %parallel_loop3A_90, %parallel_loop3A_100 : vector<16xi32>
        %parallel_loop3A_102 = arith.constant 466689008 : i32
        %parallel_loop3A_103 = arith.constant 1 : i32
        %parallel_loop3A_104 = arith.addi %parallel_loop3A_102, %parallel_loop3A_103 : i32
        %parallel_loop3A_105 = vector.broadcast %parallel_loop3A_104 : i32 to vector<16xi32>
        %parallel_loop3A_106 = arith.addi %parallel_loop3A_98, %parallel_loop3A_105 : vector<16xi32>
        %parallel_loop3A_107 = arith.addi %parallel_loop3A_101, %parallel_loop3A_106 : vector<16xi32>
        %parallel_loop3A_108 = arith.constant 17 : i32
        %parallel_loop3A_109 = vector.broadcast %parallel_loop3A_108 : i32 to vector<16xi32>
        %parallel_loop3A_110 = arith.shli %parallel_loop3A_106, %parallel_loop3A_109 : vector<16xi32>
        %parallel_loop3A_111 = arith.constant 15 : i32
        %parallel_loop3A_112 = vector.broadcast %parallel_loop3A_111 : i32 to vector<16xi32>
        %parallel_loop3A_113 = arith.shrui %parallel_loop3A_106, %parallel_loop3A_112 : vector<16xi32>
        %parallel_loop3A_114 = arith.ori %parallel_loop3A_110, %parallel_loop3A_113 : vector<16xi32>
        %parallel_loop3A_115 = arith.xori %parallel_loop3A_114, %parallel_loop3A_107 : vector<16xi32>
        %parallel_loop3A_116 = arith.addi %parallel_loop3A_107, %parallel_loop3A_115 : vector<16xi32>
        %parallel_loop3A_117 = arith.constant 29 : i32
        %parallel_loop3A_118 = vector.broadcast %parallel_loop3A_117 : i32 to vector<16xi32>
        %parallel_loop3A_119 = arith.shli %parallel_loop3A_115, %parallel_loop3A_118 : vector<16xi32>
        %parallel_loop3A_120 = arith.constant 3 : i32
        %parallel_loop3A_121 = vector.broadcast %parallel_loop3A_120 : i32 to vector<16xi32>
        %parallel_loop3A_122 = arith.shrui %parallel_loop3A_115, %parallel_loop3A_121 : vector<16xi32>
        %parallel_loop3A_123 = arith.ori %parallel_loop3A_119, %parallel_loop3A_122 : vector<16xi32>
        %parallel_loop3A_124 = arith.xori %parallel_loop3A_123, %parallel_loop3A_116 : vector<16xi32>
        %parallel_loop3A_125 = arith.addi %parallel_loop3A_116, %parallel_loop3A_124 : vector<16xi32>
        %parallel_loop3A_126 = arith.constant 16 : i32
        %parallel_loop3A_127 = vector.broadcast %parallel_loop3A_126 : i32 to vector<16xi32>
        %parallel_loop3A_128 = arith.shli %parallel_loop3A_124, %parallel_loop3A_127 : vector<16xi32>
        %parallel_loop3A_129 = arith.constant 16 : i32
        %parallel_loop3A_130 = vector.broadcast %parallel_loop3A_129 : i32 to vector<16xi32>
        %parallel_loop3A_131 = arith.shrui %parallel_loop3A_124, %parallel_loop3A_130 : vector<16xi32>
        %parallel_loop3A_132 = arith.ori %parallel_loop3A_128, %parallel_loop3A_131 : vector<16xi32>
        %parallel_loop3A_133 = arith.xori %parallel_loop3A_132, %parallel_loop3A_125 : vector<16xi32>
        %parallel_loop3A_134 = arith.addi %parallel_loop3A_125, %parallel_loop3A_133 : vector<16xi32>
        %parallel_loop3A_135 = arith.constant 24 : i32
        %parallel_loop3A_136 = vector.broadcast %parallel_loop3A_135 : i32 to vector<16xi32>
        %parallel_loop3A_137 = arith.shli %parallel_loop3A_133, %parallel_loop3A_136 : vector<16xi32>
        %parallel_loop3A_138 = arith.constant 8 : i32
        %parallel_loop3A_139 = vector.broadcast %parallel_loop3A_138 : i32 to vector<16xi32>
        %parallel_loop3A_140 = arith.shrui %parallel_loop3A_133, %parallel_loop3A_139 : vector<16xi32>
        %parallel_loop3A_141 = arith.ori %parallel_loop3A_137, %parallel_loop3A_140 : vector<16xi32>
        %parallel_loop3A_142 = arith.xori %parallel_loop3A_141, %parallel_loop3A_134 : vector<16xi32>
        %parallel_loop3A_143 = arith.constant 466689008 : i32
        %parallel_loop3A_144 = vector.broadcast %parallel_loop3A_143 : i32 to vector<16xi32>
        %parallel_loop3A_145 = arith.addi %parallel_loop3A_134, %parallel_loop3A_144 : vector<16xi32>
        %parallel_loop3A_146 = arith.constant 0 : i32
        %parallel_loop3A_147 = arith.constant 2 : i32
        %parallel_loop3A_148 = arith.addi %parallel_loop3A_146, %parallel_loop3A_147 : i32
        %parallel_loop3A_149 = vector.broadcast %parallel_loop3A_148 : i32 to vector<16xi32>
        %parallel_loop3A_150 = arith.addi %parallel_loop3A_142, %parallel_loop3A_149 : vector<16xi32>
        %parallel_loop3A_151 = arith.addi %parallel_loop3A_145, %parallel_loop3A_150 : vector<16xi32>
        %parallel_loop3A_152 = arith.constant 13 : i32
        %parallel_loop3A_153 = vector.broadcast %parallel_loop3A_152 : i32 to vector<16xi32>
        %parallel_loop3A_154 = arith.shli %parallel_loop3A_150, %parallel_loop3A_153 : vector<16xi32>
        %parallel_loop3A_155 = arith.constant 19 : i32
        %parallel_loop3A_156 = vector.broadcast %parallel_loop3A_155 : i32 to vector<16xi32>
        %parallel_loop3A_157 = arith.shrui %parallel_loop3A_150, %parallel_loop3A_156 : vector<16xi32>
        %parallel_loop3A_158 = arith.ori %parallel_loop3A_154, %parallel_loop3A_157 : vector<16xi32>
        %parallel_loop3A_159 = arith.xori %parallel_loop3A_158, %parallel_loop3A_151 : vector<16xi32>
        %parallel_loop3A_160 = arith.addi %parallel_loop3A_151, %parallel_loop3A_159 : vector<16xi32>
        %parallel_loop3A_161 = arith.constant 15 : i32
        %parallel_loop3A_162 = vector.broadcast %parallel_loop3A_161 : i32 to vector<16xi32>
        %parallel_loop3A_163 = arith.shli %parallel_loop3A_159, %parallel_loop3A_162 : vector<16xi32>
        %parallel_loop3A_164 = arith.constant 17 : i32
        %parallel_loop3A_165 = vector.broadcast %parallel_loop3A_164 : i32 to vector<16xi32>
        %parallel_loop3A_166 = arith.shrui %parallel_loop3A_159, %parallel_loop3A_165 : vector<16xi32>
        %parallel_loop3A_167 = arith.ori %parallel_loop3A_163, %parallel_loop3A_166 : vector<16xi32>
        %parallel_loop3A_168 = arith.xori %parallel_loop3A_167, %parallel_loop3A_160 : vector<16xi32>
        %parallel_loop3A_169 = arith.addi %parallel_loop3A_160, %parallel_loop3A_168 : vector<16xi32>
        %parallel_loop3A_170 = arith.constant 26 : i32
        %parallel_loop3A_171 = vector.broadcast %parallel_loop3A_170 : i32 to vector<16xi32>
        %parallel_loop3A_172 = arith.shli %parallel_loop3A_168, %parallel_loop3A_171 : vector<16xi32>
        %parallel_loop3A_173 = arith.constant 6 : i32
        %parallel_loop3A_174 = vector.broadcast %parallel_loop3A_173 : i32 to vector<16xi32>
        %parallel_loop3A_175 = arith.shrui %parallel_loop3A_168, %parallel_loop3A_174 : vector<16xi32>
        %parallel_loop3A_176 = arith.ori %parallel_loop3A_172, %parallel_loop3A_175 : vector<16xi32>
        %parallel_loop3A_177 = arith.xori %parallel_loop3A_176, %parallel_loop3A_169 : vector<16xi32>
        %parallel_loop3A_178 = arith.addi %parallel_loop3A_169, %parallel_loop3A_177 : vector<16xi32>
        %parallel_loop3A_179 = arith.constant 6 : i32
        %parallel_loop3A_180 = vector.broadcast %parallel_loop3A_179 : i32 to vector<16xi32>
        %parallel_loop3A_181 = arith.shli %parallel_loop3A_177, %parallel_loop3A_180 : vector<16xi32>
        %parallel_loop3A_182 = arith.constant 26 : i32
        %parallel_loop3A_183 = vector.broadcast %parallel_loop3A_182 : i32 to vector<16xi32>
        %parallel_loop3A_184 = arith.shrui %parallel_loop3A_177, %parallel_loop3A_183 : vector<16xi32>
        %parallel_loop3A_185 = arith.ori %parallel_loop3A_181, %parallel_loop3A_184 : vector<16xi32>
        %parallel_loop3A_186 = arith.xori %parallel_loop3A_185, %parallel_loop3A_178 : vector<16xi32>
        %parallel_loop3A_187 = arith.constant 0 : i32
        %parallel_loop3A_188 = vector.broadcast %parallel_loop3A_187 : i32 to vector<16xi32>
        %parallel_loop3A_189 = arith.addi %parallel_loop3A_178, %parallel_loop3A_188 : vector<16xi32>
        %parallel_loop3A_190 = arith.constant 42 : i32
        %parallel_loop3A_191 = arith.constant 3 : i32
        %parallel_loop3A_192 = arith.addi %parallel_loop3A_190, %parallel_loop3A_191 : i32
        %parallel_loop3A_193 = vector.broadcast %parallel_loop3A_192 : i32 to vector<16xi32>
        %parallel_loop3A_194 = arith.addi %parallel_loop3A_186, %parallel_loop3A_193 : vector<16xi32>
        %parallel_loop3A_195 = arith.addi %parallel_loop3A_189, %parallel_loop3A_194 : vector<16xi32>
        %parallel_loop3A_196 = arith.constant 17 : i32
        %parallel_loop3A_197 = vector.broadcast %parallel_loop3A_196 : i32 to vector<16xi32>
        %parallel_loop3A_198 = arith.shli %parallel_loop3A_194, %parallel_loop3A_197 : vector<16xi32>
        %parallel_loop3A_199 = arith.constant 15 : i32
        %parallel_loop3A_200 = vector.broadcast %parallel_loop3A_199 : i32 to vector<16xi32>
        %parallel_loop3A_201 = arith.shrui %parallel_loop3A_194, %parallel_loop3A_200 : vector<16xi32>
        %parallel_loop3A_202 = arith.ori %parallel_loop3A_198, %parallel_loop3A_201 : vector<16xi32>
        %parallel_loop3A_203 = arith.xori %parallel_loop3A_202, %parallel_loop3A_195 : vector<16xi32>
        %parallel_loop3A_204 = arith.addi %parallel_loop3A_195, %parallel_loop3A_203 : vector<16xi32>
        %parallel_loop3A_205 = arith.constant 29 : i32
        %parallel_loop3A_206 = vector.broadcast %parallel_loop3A_205 : i32 to vector<16xi32>
        %parallel_loop3A_207 = arith.shli %parallel_loop3A_203, %parallel_loop3A_206 : vector<16xi32>
        %parallel_loop3A_208 = arith.constant 3 : i32
        %parallel_loop3A_209 = vector.broadcast %parallel_loop3A_208 : i32 to vector<16xi32>
        %parallel_loop3A_210 = arith.shrui %parallel_loop3A_203, %parallel_loop3A_209 : vector<16xi32>
        %parallel_loop3A_211 = arith.ori %parallel_loop3A_207, %parallel_loop3A_210 : vector<16xi32>
        %parallel_loop3A_212 = arith.xori %parallel_loop3A_211, %parallel_loop3A_204 : vector<16xi32>
        %parallel_loop3A_213 = arith.addi %parallel_loop3A_204, %parallel_loop3A_212 : vector<16xi32>
        %parallel_loop3A_214 = arith.constant 16 : i32
        %parallel_loop3A_215 = vector.broadcast %parallel_loop3A_214 : i32 to vector<16xi32>
        %parallel_loop3A_216 = arith.shli %parallel_loop3A_212, %parallel_loop3A_215 : vector<16xi32>
        %parallel_loop3A_217 = arith.constant 16 : i32
        %parallel_loop3A_218 = vector.broadcast %parallel_loop3A_217 : i32 to vector<16xi32>
        %parallel_loop3A_219 = arith.shrui %parallel_loop3A_212, %parallel_loop3A_218 : vector<16xi32>
        %parallel_loop3A_220 = arith.ori %parallel_loop3A_216, %parallel_loop3A_219 : vector<16xi32>
        %parallel_loop3A_221 = arith.xori %parallel_loop3A_220, %parallel_loop3A_213 : vector<16xi32>
        %parallel_loop3A_222 = arith.addi %parallel_loop3A_213, %parallel_loop3A_221 : vector<16xi32>
        %parallel_loop3A_223 = arith.constant 24 : i32
        %parallel_loop3A_224 = vector.broadcast %parallel_loop3A_223 : i32 to vector<16xi32>
        %parallel_loop3A_225 = arith.shli %parallel_loop3A_221, %parallel_loop3A_224 : vector<16xi32>
        %parallel_loop3A_226 = arith.constant 8 : i32
        %parallel_loop3A_227 = vector.broadcast %parallel_loop3A_226 : i32 to vector<16xi32>
        %parallel_loop3A_228 = arith.shrui %parallel_loop3A_221, %parallel_loop3A_227 : vector<16xi32>
        %parallel_loop3A_229 = arith.ori %parallel_loop3A_225, %parallel_loop3A_228 : vector<16xi32>
        %parallel_loop3A_230 = arith.xori %parallel_loop3A_229, %parallel_loop3A_222 : vector<16xi32>
        %parallel_loop3A_231 = arith.constant 42 : i32
        %parallel_loop3A_232 = vector.broadcast %parallel_loop3A_231 : i32 to vector<16xi32>
        %parallel_loop3A_233 = arith.addi %parallel_loop3A_222, %parallel_loop3A_232 : vector<16xi32>
        %parallel_loop3A_234 = arith.constant 466689008 : i32
        %parallel_loop3A_235 = arith.constant 4 : i32
        %parallel_loop3A_236 = arith.addi %parallel_loop3A_234, %parallel_loop3A_235 : i32
        %parallel_loop3A_237 = vector.broadcast %parallel_loop3A_236 : i32 to vector<16xi32>
        %parallel_loop3A_238 = arith.addi %parallel_loop3A_230, %parallel_loop3A_237 : vector<16xi32>
        %parallel_loop3A_239 = arith.addi %parallel_loop3A_233, %parallel_loop3A_238 : vector<16xi32>
        %parallel_loop3A_240 = arith.constant 13 : i32
        %parallel_loop3A_241 = vector.broadcast %parallel_loop3A_240 : i32 to vector<16xi32>
        %parallel_loop3A_242 = arith.shli %parallel_loop3A_238, %parallel_loop3A_241 : vector<16xi32>
        %parallel_loop3A_243 = arith.constant 19 : i32
        %parallel_loop3A_244 = vector.broadcast %parallel_loop3A_243 : i32 to vector<16xi32>
        %parallel_loop3A_245 = arith.shrui %parallel_loop3A_238, %parallel_loop3A_244 : vector<16xi32>
        %parallel_loop3A_246 = arith.ori %parallel_loop3A_242, %parallel_loop3A_245 : vector<16xi32>
        %parallel_loop3A_247 = arith.xori %parallel_loop3A_246, %parallel_loop3A_239 : vector<16xi32>
        %parallel_loop3A_248 = arith.addi %parallel_loop3A_239, %parallel_loop3A_247 : vector<16xi32>
        %parallel_loop3A_249 = arith.constant 15 : i32
        %parallel_loop3A_250 = vector.broadcast %parallel_loop3A_249 : i32 to vector<16xi32>
        %parallel_loop3A_251 = arith.shli %parallel_loop3A_247, %parallel_loop3A_250 : vector<16xi32>
        %parallel_loop3A_252 = arith.constant 17 : i32
        %parallel_loop3A_253 = vector.broadcast %parallel_loop3A_252 : i32 to vector<16xi32>
        %parallel_loop3A_254 = arith.shrui %parallel_loop3A_247, %parallel_loop3A_253 : vector<16xi32>
        %parallel_loop3A_255 = arith.ori %parallel_loop3A_251, %parallel_loop3A_254 : vector<16xi32>
        %parallel_loop3A_256 = arith.xori %parallel_loop3A_255, %parallel_loop3A_248 : vector<16xi32>
        %parallel_loop3A_257 = arith.addi %parallel_loop3A_248, %parallel_loop3A_256 : vector<16xi32>
        %parallel_loop3A_258 = arith.constant 26 : i32
        %parallel_loop3A_259 = vector.broadcast %parallel_loop3A_258 : i32 to vector<16xi32>
        %parallel_loop3A_260 = arith.shli %parallel_loop3A_256, %parallel_loop3A_259 : vector<16xi32>
        %parallel_loop3A_261 = arith.constant 6 : i32
        %parallel_loop3A_262 = vector.broadcast %parallel_loop3A_261 : i32 to vector<16xi32>
        %parallel_loop3A_263 = arith.shrui %parallel_loop3A_256, %parallel_loop3A_262 : vector<16xi32>
        %parallel_loop3A_264 = arith.ori %parallel_loop3A_260, %parallel_loop3A_263 : vector<16xi32>
        %parallel_loop3A_265 = arith.xori %parallel_loop3A_264, %parallel_loop3A_257 : vector<16xi32>
        %parallel_loop3A_266 = arith.addi %parallel_loop3A_257, %parallel_loop3A_265 : vector<16xi32>
        %parallel_loop3A_267 = arith.constant 6 : i32
        %parallel_loop3A_268 = vector.broadcast %parallel_loop3A_267 : i32 to vector<16xi32>
        %parallel_loop3A_269 = arith.shli %parallel_loop3A_265, %parallel_loop3A_268 : vector<16xi32>
        %parallel_loop3A_270 = arith.constant 26 : i32
        %parallel_loop3A_271 = vector.broadcast %parallel_loop3A_270 : i32 to vector<16xi32>
        %parallel_loop3A_272 = arith.shrui %parallel_loop3A_265, %parallel_loop3A_271 : vector<16xi32>
        %parallel_loop3A_273 = arith.ori %parallel_loop3A_269, %parallel_loop3A_272 : vector<16xi32>
        %parallel_loop3A_274 = arith.xori %parallel_loop3A_273, %parallel_loop3A_266 : vector<16xi32>
        %parallel_loop3A_275 = arith.constant 466689008 : i32
        %parallel_loop3A_276 = vector.broadcast %parallel_loop3A_275 : i32 to vector<16xi32>
        %parallel_loop3A_277 = arith.addi %parallel_loop3A_266, %parallel_loop3A_276 : vector<16xi32>
        %parallel_loop3A_278 = arith.constant 0 : i32
        %parallel_loop3A_279 = arith.constant 5 : i32
        %parallel_loop3A_280 = arith.addi %parallel_loop3A_278, %parallel_loop3A_279 : i32
        %parallel_loop3A_281 = vector.broadcast %parallel_loop3A_280 : i32 to vector<16xi32>
        %parallel_loop3A_282 = arith.addi %parallel_loop3A_274, %parallel_loop3A_281 : vector<16xi32>
        %parallel_loop3A_283 = arith.xori %parallel_loop3A_277, %parallel_loop3A_282 : vector<16xi32>
        %parallel_loop3A_284 = arith.constant 9 : i32
        %parallel_loop3A_285 = vector.broadcast %parallel_loop3A_284 : i32 to vector<16xi32>
        %parallel_loop3A_286 = arith.shrui %parallel_loop3A_283, %parallel_loop3A_285 : vector<16xi32>
        %parallel_loop3A_287 = arith.constant 838861 : i32
        %parallel_loop3A_288 = vector.broadcast %parallel_loop3A_287 : i32 to vector<16xi32>
        %parallel_loop3A_289 = arith.cmpi sge, %parallel_loop3A_286, %parallel_loop3A_288 : vector<16xi32>
        %parallel_loop3A_290 = arith.constant 16 : i32
        %parallel_loop3A_291 = arith.muli %parallel_loop3A_48, %parallel_loop3A_290 : i32
        %parallel_loop3A_292 = arith.index_cast %parallel_loop3A_291 : i32 to index
        %parallel_loop3A_293 = tpu.vector_load %arg4[%parallel_loop3A_292] {strides = array<i32>} : memref<4096xf32, #tpu.memory_space<vmem>>, vector<16xf32>,
        %parallel_loop3A_294 = vector.shape_cast %parallel_loop3A_293 : vector<16xf32> to vector<16xf32>
        %parallel_loop3A_295 = arith.constant 1.11111116 : f32
        %parallel_loop3A_296 = vector.broadcast %parallel_loop3A_295 : f32 to vector<16xf32>
        %parallel_loop3A_297 = arith.mulf %parallel_loop3A_294, %parallel_loop3A_296 : vector<16xf32>
        %parallel_loop3A_298 = arith.constant 0.000000e+00 : f32
        %parallel_loop3A_299 = vector.broadcast %parallel_loop3A_298 : f32 to vector<16xf32>
        %parallel_loop3A_300 = arith.select %parallel_loop3A_289, %parallel_loop3A_297, %parallel_loop3A_299 : vector<16xi1>, vector<16xf32>
        %parallel_loop3A_301 = arith.constant 16 : i32
        %parallel_loop3A_302 = arith.muli %parallel_loop3A_48, %parallel_loop3A_301 : i32
        %parallel_loop3A_303 = arith.index_cast %parallel_loop3A_302 : i32 to index
        %parallel_loop3A_304 = tpu.vector_load %arg5[%parallel_loop3A_303] {strides = array<i32>} : memref<4096xf32, #tpu.memory_space<vmem>>, vector<16xf32>,
        %parallel_loop3A_305 = vector.shape_cast %parallel_loop3A_304 : vector<16xf32> to vector<16xf32>
        %parallel_loop3A_306 = vector.shape_cast %parallel_loop3A_300 : vector<16xf32> to vector<16xf32>
        tpu.vector_store %arg5[%parallel_loop3A_303], %parallel_loop3A_306 {strides = array<i32>} : memref<4096xf32, #tpu.memory_space<vmem>>, vector<16xf32>,
      } {sc.loop_unroll_factor = 8 : i64, sc.parallel_access}
      "tpu.region"() ({
        %run_scoped3A = tpu.sem_alloc : memref<!tpu.dma_semaphore, #tpu.memory_space<semaphore_mem>>
        %dma_start3A = tpu.memref_slice %arg3[%mul3A_40] : memref<587202xf32, #tpu.memory_space<hbm>> -> memref<4096xf32, #tpu.memory_space<hbm>>
        %dma_start3A_48 = tpu.memref_slice %arg3[%mul3A_40] : memref<587202xf32, #tpu.memory_space<hbm>> -> memref<4096xf32, #tpu.memory_space<hbm>>
        tpu.enqueue_dma source(%arg5 : memref<4096xf32, #tpu.memory_space<vmem>>) target(%dma_start3A_48 : memref<4096xf32, #tpu.memory_space<hbm>>) target_semaphore(%run_scoped3A : memref<!tpu.dma_semaphore, #tpu.memory_space<semaphore_mem>>)
        %dma_wait3A = tpu.memref_slice %arg3[%mul3A_40] : memref<587202xf32, #tpu.memory_space<hbm>> -> memref<4096xf32, #tpu.memory_space<hbm>>
        %dma_wait3A_49 = tpu.memref_slice %arg3[%mul3A_40] : memref<587202xf32, #tpu.memory_space<hbm>> -> memref<4096xf32, #tpu.memory_space<hbm>>
        tpu.wait_dma2 semaphore(%run_scoped3A : memref<!tpu.dma_semaphore, #tpu.memory_space<semaphore_mem>>) src(%arg5 : memref<4096xf32, #tpu.memory_space<vmem>>) dst(%dma_wait3A_49 : memref<4096xf32, #tpu.memory_space<hbm>>)
        tpu.yield
      }) : () -> ()
      %while3A_47 = arith.constant 0 : i32
      scf.yield %while3A_47 : i32
    }
    %while3A_30 = arith.constant 1 : i32
    %while3A_31 = scf.for %while3A_34 = %while3A_27 to %while3A_23 step %while3A_30 iter_args(%while3A_35 = %while3A_29) -> (i32)  : i32 {
      %mul3A_36 = arith.constant 32 : i32
      %mul3A_37 = arith.muli %while3A_34, %mul3A_36 : i32
      %add3A_38 = arith.addi %add3A, %mul3A_37 : i32
      %mul3A_39 = arith.constant 4096 : i32
      %mul3A_40 = arith.muli %add3A_38, %mul3A_39 : i32
      %add3A_41 = arith.constant 2097152 : i32
      %add3A_42 = arith.addi %add3A_41, %mul3A_40 : i32
      "tpu.region"() ({
        %run_scoped3A = tpu.sem_alloc : memref<!tpu.dma_semaphore, #tpu.memory_space<semaphore_mem>>
        %dma_start3A = tpu.memref_slice %arg2[%add3A_42] : memref<2684354xf32, #tpu.memory_space<hbm>> -> memref<4096xf32, #tpu.memory_space<hbm>>
        %dma_start3A_48 = tpu.memref_slice %arg2[%add3A_42] : memref<2684354xf32, #tpu.memory_space<hbm>> -> memref<4096xf32, #tpu.memory_space<hbm>>
        tpu.enqueue_dma source(%dma_start3A_48 : memref<4096xf32, #tpu.memory_space<hbm>>) target(%arg4 : memref<4096xf32, #tpu.memory_space<vmem>>) target_semaphore(%run_scoped3A : memref<!tpu.dma_semaphore, #tpu.memory_space<semaphore_mem>>)
        %dma_wait3A = tpu.memref_slice %arg2[%add3A_42] : memref<2684354xf32, #tpu.memory_space<hbm>> -> memref<4096xf32, #tpu.memory_space<hbm>>
        %dma_wait3A_49 = tpu.memref_slice %arg2[%add3A_42] : memref<2684354xf32, #tpu.memory_space<hbm>> -> memref<4096xf32, #tpu.memory_space<hbm>>
        tpu.wait_dma2 semaphore(%run_scoped3A : memref<!tpu.dma_semaphore, #tpu.memory_space<semaphore_mem>>) src(%dma_wait3A_49 : memref<4096xf32, #tpu.memory_space<hbm>>) dst(%arg4 : memref<4096xf32, #tpu.memory_space<vmem>>)
        tpu.yield
      }) : () -> ()
      %add3A_43 = arith.constant 2097152 : i32
      %add3A_44 = arith.addi %add3A_43, %mul3A_40 : i32
      %parallel_loop3A = arith.constant 0 : i32
      %parallel_loop3A_45 = arith.constant 256 : i32
      %parallel_loop3A_46 = arith.constant 1 : i32
      scf.for %parallel_loop3A_48 = %parallel_loop3A to %parallel_loop3A_45 step %parallel_loop3A_46  : i32 {
        %parallel_loop3A_49 = arith.constant 16 : i32
        %parallel_loop3A_50 = arith.muli %parallel_loop3A_48, %parallel_loop3A_49 : i32
        %parallel_loop3A_51 = arith.addi %add3A_44, %parallel_loop3A_50 : i32
        %parallel_loop3A_52 = tpu.iota {dimensions = array<i32: 0>} : vector<16xi32>
        %parallel_loop3A_53 = vector.broadcast %parallel_loop3A_51 : i32 to vector<16xi32>
        %parallel_loop3A_54 = arith.addi %parallel_loop3A_53, %parallel_loop3A_52 : vector<16xi32>
        %parallel_loop3A_55 = arith.constant 0 : i32
        %parallel_loop3A_56 = vector.broadcast %parallel_loop3A_55 : i32 to vector<16xi32>
        %parallel_loop3A_57 = arith.constant 0 : i32
        %parallel_loop3A_58 = vector.broadcast %parallel_loop3A_57 : i32 to vector<16xi32>
        %parallel_loop3A_59 = arith.addi %parallel_loop3A_56, %parallel_loop3A_58 : vector<16xi32>
        %parallel_loop3A_60 = arith.constant 42 : i32
        %parallel_loop3A_61 = vector.broadcast %parallel_loop3A_60 : i32 to vector<16xi32>
        %parallel_loop3A_62 = arith.addi %parallel_loop3A_54, %parallel_loop3A_61 : vector<16xi32>
        %parallel_loop3A_63 = arith.addi %parallel_loop3A_59, %parallel_loop3A_62 : vector<16xi32>
        %parallel_loop3A_64 = arith.constant 13 : i32
        %parallel_loop3A_65 = vector.broadcast %parallel_loop3A_64 : i32 to vector<16xi32>
        %parallel_loop3A_66 = arith.shli %parallel_loop3A_62, %parallel_loop3A_65 : vector<16xi32>
        %parallel_loop3A_67 = arith.constant 19 : i32
        %parallel_loop3A_68 = vector.broadcast %parallel_loop3A_67 : i32 to vector<16xi32>
        %parallel_loop3A_69 = arith.shrui %parallel_loop3A_62, %parallel_loop3A_68 : vector<16xi32>
        %parallel_loop3A_70 = arith.ori %parallel_loop3A_66, %parallel_loop3A_69 : vector<16xi32>
        %parallel_loop3A_71 = arith.xori %parallel_loop3A_70, %parallel_loop3A_63 : vector<16xi32>
        %parallel_loop3A_72 = arith.addi %parallel_loop3A_63, %parallel_loop3A_71 : vector<16xi32>
        %parallel_loop3A_73 = arith.constant 15 : i32
        %parallel_loop3A_74 = vector.broadcast %parallel_loop3A_73 : i32 to vector<16xi32>
        %parallel_loop3A_75 = arith.shli %parallel_loop3A_71, %parallel_loop3A_74 : vector<16xi32>
        %parallel_loop3A_76 = arith.constant 17 : i32
        %parallel_loop3A_77 = vector.broadcast %parallel_loop3A_76 : i32 to vector<16xi32>
        %parallel_loop3A_78 = arith.shrui %parallel_loop3A_71, %parallel_loop3A_77 : vector<16xi32>
        %parallel_loop3A_79 = arith.ori %parallel_loop3A_75, %parallel_loop3A_78 : vector<16xi32>
        %parallel_loop3A_80 = arith.xori %parallel_loop3A_79, %parallel_loop3A_72 : vector<16xi32>
        %parallel_loop3A_81 = arith.addi %parallel_loop3A_72, %parallel_loop3A_80 : vector<16xi32>
        %parallel_loop3A_82 = arith.constant 26 : i32
        %parallel_loop3A_83 = vector.broadcast %parallel_loop3A_82 : i32 to vector<16xi32>
        %parallel_loop3A_84 = arith.shli %parallel_loop3A_80, %parallel_loop3A_83 : vector<16xi32>
        %parallel_loop3A_85 = arith.constant 6 : i32
        %parallel_loop3A_86 = vector.broadcast %parallel_loop3A_85 : i32 to vector<16xi32>
        %parallel_loop3A_87 = arith.shrui %parallel_loop3A_80, %parallel_loop3A_86 : vector<16xi32>
        %parallel_loop3A_88 = arith.ori %parallel_loop3A_84, %parallel_loop3A_87 : vector<16xi32>
        %parallel_loop3A_89 = arith.xori %parallel_loop3A_88, %parallel_loop3A_81 : vector<16xi32>
        %parallel_loop3A_90 = arith.addi %parallel_loop3A_81, %parallel_loop3A_89 : vector<16xi32>
        %parallel_loop3A_91 = arith.constant 6 : i32
        %parallel_loop3A_92 = vector.broadcast %parallel_loop3A_91 : i32 to vector<16xi32>
        %parallel_loop3A_93 = arith.shli %parallel_loop3A_89, %parallel_loop3A_92 : vector<16xi32>
        %parallel_loop3A_94 = arith.constant 26 : i32
        %parallel_loop3A_95 = vector.broadcast %parallel_loop3A_94 : i32 to vector<16xi32>
        %parallel_loop3A_96 = arith.shrui %parallel_loop3A_89, %parallel_loop3A_95 : vector<16xi32>
        %parallel_loop3A_97 = arith.ori %parallel_loop3A_93, %parallel_loop3A_96 : vector<16xi32>
        %parallel_loop3A_98 = arith.xori %parallel_loop3A_97, %parallel_loop3A_90 : vector<16xi32>
        %parallel_loop3A_99 = arith.constant 42 : i32
        %parallel_loop3A_100 = vector.broadcast %parallel_loop3A_99 : i32 to vector<16xi32>
        %parallel_loop3A_101 = arith.addi %parallel_loop3A_90, %parallel_loop3A_100 : vector<16xi32>
        %parallel_loop3A_102 = arith.constant 466689008 : i32
        %parallel_loop3A_103 = arith.constant 1 : i32
        %parallel_loop3A_104 = arith.addi %parallel_loop3A_102, %parallel_loop3A_103 : i32
        %parallel_loop3A_105 = vector.broadcast %parallel_loop3A_104 : i32 to vector<16xi32>
        %parallel_loop3A_106 = arith.addi %parallel_loop3A_98, %parallel_loop3A_105 : vector<16xi32>
        %parallel_loop3A_107 = arith.addi %parallel_loop3A_101, %parallel_loop3A_106 : vector<16xi32>
        %parallel_loop3A_108 = arith.constant 17 : i32
        %parallel_loop3A_109 = vector.broadcast %parallel_loop3A_108 : i32 to vector<16xi32>
        %parallel_loop3A_110 = arith.shli %parallel_loop3A_106, %parallel_loop3A_109 : vector<16xi32>
        %parallel_loop3A_111 = arith.constant 15 : i32
        %parallel_loop3A_112 = vector.broadcast %parallel_loop3A_111 : i32 to vector<16xi32>
        %parallel_loop3A_113 = arith.shrui %parallel_loop3A_106, %parallel_loop3A_112 : vector<16xi32>
        %parallel_loop3A_114 = arith.ori %parallel_loop3A_110, %parallel_loop3A_113 : vector<16xi32>
        %parallel_loop3A_115 = arith.xori %parallel_loop3A_114, %parallel_loop3A_107 : vector<16xi32>
        %parallel_loop3A_116 = arith.addi %parallel_loop3A_107, %parallel_loop3A_115 : vector<16xi32>
        %parallel_loop3A_117 = arith.constant 29 : i32
        %parallel_loop3A_118 = vector.broadcast %parallel_loop3A_117 : i32 to vector<16xi32>
        %parallel_loop3A_119 = arith.shli %parallel_loop3A_115, %parallel_loop3A_118 : vector<16xi32>
        %parallel_loop3A_120 = arith.constant 3 : i32
        %parallel_loop3A_121 = vector.broadcast %parallel_loop3A_120 : i32 to vector<16xi32>
        %parallel_loop3A_122 = arith.shrui %parallel_loop3A_115, %parallel_loop3A_121 : vector<16xi32>
        %parallel_loop3A_123 = arith.ori %parallel_loop3A_119, %parallel_loop3A_122 : vector<16xi32>
        %parallel_loop3A_124 = arith.xori %parallel_loop3A_123, %parallel_loop3A_116 : vector<16xi32>
        %parallel_loop3A_125 = arith.addi %parallel_loop3A_116, %parallel_loop3A_124 : vector<16xi32>
        %parallel_loop3A_126 = arith.constant 16 : i32
        %parallel_loop3A_127 = vector.broadcast %parallel_loop3A_126 : i32 to vector<16xi32>
        %parallel_loop3A_128 = arith.shli %parallel_loop3A_124, %parallel_loop3A_127 : vector<16xi32>
        %parallel_loop3A_129 = arith.constant 16 : i32
        %parallel_loop3A_130 = vector.broadcast %parallel_loop3A_129 : i32 to vector<16xi32>
        %parallel_loop3A_131 = arith.shrui %parallel_loop3A_124, %parallel_loop3A_130 : vector<16xi32>
        %parallel_loop3A_132 = arith.ori %parallel_loop3A_128, %parallel_loop3A_131 : vector<16xi32>
        %parallel_loop3A_133 = arith.xori %parallel_loop3A_132, %parallel_loop3A_125 : vector<16xi32>
        %parallel_loop3A_134 = arith.addi %parallel_loop3A_125, %parallel_loop3A_133 : vector<16xi32>
        %parallel_loop3A_135 = arith.constant 24 : i32
        %parallel_loop3A_136 = vector.broadcast %parallel_loop3A_135 : i32 to vector<16xi32>
        %parallel_loop3A_137 = arith.shli %parallel_loop3A_133, %parallel_loop3A_136 : vector<16xi32>
        %parallel_loop3A_138 = arith.constant 8 : i32
        %parallel_loop3A_139 = vector.broadcast %parallel_loop3A_138 : i32 to vector<16xi32>
        %parallel_loop3A_140 = arith.shrui %parallel_loop3A_133, %parallel_loop3A_139 : vector<16xi32>
        %parallel_loop3A_141 = arith.ori %parallel_loop3A_137, %parallel_loop3A_140 : vector<16xi32>
        %parallel_loop3A_142 = arith.xori %parallel_loop3A_141, %parallel_loop3A_134 : vector<16xi32>
        %parallel_loop3A_143 = arith.constant 466689008 : i32
        %parallel_loop3A_144 = vector.broadcast %parallel_loop3A_143 : i32 to vector<16xi32>
        %parallel_loop3A_145 = arith.addi %parallel_loop3A_134, %parallel_loop3A_144 : vector<16xi32>
        %parallel_loop3A_146 = arith.constant 0 : i32
        %parallel_loop3A_147 = arith.constant 2 : i32
        %parallel_loop3A_148 = arith.addi %parallel_loop3A_146, %parallel_loop3A_147 : i32
        %parallel_loop3A_149 = vector.broadcast %parallel_loop3A_148 : i32 to vector<16xi32>
        %parallel_loop3A_150 = arith.addi %parallel_loop3A_142, %parallel_loop3A_149 : vector<16xi32>
        %parallel_loop3A_151 = arith.addi %parallel_loop3A_145, %parallel_loop3A_150 : vector<16xi32>
        %parallel_loop3A_152 = arith.constant 13 : i32
        %parallel_loop3A_153 = vector.broadcast %parallel_loop3A_152 : i32 to vector<16xi32>
        %parallel_loop3A_154 = arith.shli %parallel_loop3A_150, %parallel_loop3A_153 : vector<16xi32>
        %parallel_loop3A_155 = arith.constant 19 : i32
        %parallel_loop3A_156 = vector.broadcast %parallel_loop3A_155 : i32 to vector<16xi32>
        %parallel_loop3A_157 = arith.shrui %parallel_loop3A_150, %parallel_loop3A_156 : vector<16xi32>
        %parallel_loop3A_158 = arith.ori %parallel_loop3A_154, %parallel_loop3A_157 : vector<16xi32>
        %parallel_loop3A_159 = arith.xori %parallel_loop3A_158, %parallel_loop3A_151 : vector<16xi32>
        %parallel_loop3A_160 = arith.addi %parallel_loop3A_151, %parallel_loop3A_159 : vector<16xi32>
        %parallel_loop3A_161 = arith.constant 15 : i32
        %parallel_loop3A_162 = vector.broadcast %parallel_loop3A_161 : i32 to vector<16xi32>
        %parallel_loop3A_163 = arith.shli %parallel_loop3A_159, %parallel_loop3A_162 : vector<16xi32>
        %parallel_loop3A_164 = arith.constant 17 : i32
        %parallel_loop3A_165 = vector.broadcast %parallel_loop3A_164 : i32 to vector<16xi32>
        %parallel_loop3A_166 = arith.shrui %parallel_loop3A_159, %parallel_loop3A_165 : vector<16xi32>
        %parallel_loop3A_167 = arith.ori %parallel_loop3A_163, %parallel_loop3A_166 : vector<16xi32>
        %parallel_loop3A_168 = arith.xori %parallel_loop3A_167, %parallel_loop3A_160 : vector<16xi32>
        %parallel_loop3A_169 = arith.addi %parallel_loop3A_160, %parallel_loop3A_168 : vector<16xi32>
        %parallel_loop3A_170 = arith.constant 26 : i32
        %parallel_loop3A_171 = vector.broadcast %parallel_loop3A_170 : i32 to vector<16xi32>
        %parallel_loop3A_172 = arith.shli %parallel_loop3A_168, %parallel_loop3A_171 : vector<16xi32>
        %parallel_loop3A_173 = arith.constant 6 : i32
        %parallel_loop3A_174 = vector.broadcast %parallel_loop3A_173 : i32 to vector<16xi32>
        %parallel_loop3A_175 = arith.shrui %parallel_loop3A_168, %parallel_loop3A_174 : vector<16xi32>
        %parallel_loop3A_176 = arith.ori %parallel_loop3A_172, %parallel_loop3A_175 : vector<16xi32>
        %parallel_loop3A_177 = arith.xori %parallel_loop3A_176, %parallel_loop3A_169 : vector<16xi32>
        %parallel_loop3A_178 = arith.addi %parallel_loop3A_169, %parallel_loop3A_177 : vector<16xi32>
        %parallel_loop3A_179 = arith.constant 6 : i32
        %parallel_loop3A_180 = vector.broadcast %parallel_loop3A_179 : i32 to vector<16xi32>
        %parallel_loop3A_181 = arith.shli %parallel_loop3A_177, %parallel_loop3A_180 : vector<16xi32>
        %parallel_loop3A_182 = arith.constant 26 : i32
        %parallel_loop3A_183 = vector.broadcast %parallel_loop3A_182 : i32 to vector<16xi32>
        %parallel_loop3A_184 = arith.shrui %parallel_loop3A_177, %parallel_loop3A_183 : vector<16xi32>
        %parallel_loop3A_185 = arith.ori %parallel_loop3A_181, %parallel_loop3A_184 : vector<16xi32>
        %parallel_loop3A_186 = arith.xori %parallel_loop3A_185, %parallel_loop3A_178 : vector<16xi32>
        %parallel_loop3A_187 = arith.constant 0 : i32
        %parallel_loop3A_188 = vector.broadcast %parallel_loop3A_187 : i32 to vector<16xi32>
        %parallel_loop3A_189 = arith.addi %parallel_loop3A_178, %parallel_loop3A_188 : vector<16xi32>
        %parallel_loop3A_190 = arith.constant 42 : i32
        %parallel_loop3A_191 = arith.constant 3 : i32
        %parallel_loop3A_192 = arith.addi %parallel_loop3A_190, %parallel_loop3A_191 : i32
        %parallel_loop3A_193 = vector.broadcast %parallel_loop3A_192 : i32 to vector<16xi32>
        %parallel_loop3A_194 = arith.addi %parallel_loop3A_186, %parallel_loop3A_193 : vector<16xi32>
        %parallel_loop3A_195 = arith.addi %parallel_loop3A_189, %parallel_loop3A_194 : vector<16xi32>
        %parallel_loop3A_196 = arith.constant 17 : i32
        %parallel_loop3A_197 = vector.broadcast %parallel_loop3A_196 : i32 to vector<16xi32>
        %parallel_loop3A_198 = arith.shli %parallel_loop3A_194, %parallel_loop3A_197 : vector<16xi32>
        %parallel_loop3A_199 = arith.constant 15 : i32
        %parallel_loop3A_200 = vector.broadcast %parallel_loop3A_199 : i32 to vector<16xi32>
        %parallel_loop3A_201 = arith.shrui %parallel_loop3A_194, %parallel_loop3A_200 : vector<16xi32>
        %parallel_loop3A_202 = arith.ori %parallel_loop3A_198, %parallel_loop3A_201 : vector<16xi32>
        %parallel_loop3A_203 = arith.xori %parallel_loop3A_202, %parallel_loop3A_195 : vector<16xi32>
        %parallel_loop3A_204 = arith.addi %parallel_loop3A_195, %parallel_loop3A_203 : vector<16xi32>
        %parallel_loop3A_205 = arith.constant 29 : i32
        %parallel_loop3A_206 = vector.broadcast %parallel_loop3A_205 : i32 to vector<16xi32>
        %parallel_loop3A_207 = arith.shli %parallel_loop3A_203, %parallel_loop3A_206 : vector<16xi32>
        %parallel_loop3A_208 = arith.constant 3 : i32
        %parallel_loop3A_209 = vector.broadcast %parallel_loop3A_208 : i32 to vector<16xi32>
        %parallel_loop3A_210 = arith.shrui %parallel_loop3A_203, %parallel_loop3A_209 : vector<16xi32>
        %parallel_loop3A_211 = arith.ori %parallel_loop3A_207, %parallel_loop3A_210 : vector<16xi32>
        %parallel_loop3A_212 = arith.xori %parallel_loop3A_211, %parallel_loop3A_204 : vector<16xi32>
        %parallel_loop3A_213 = arith.addi %parallel_loop3A_204, %parallel_loop3A_212 : vector<16xi32>
        %parallel_loop3A_214 = arith.constant 16 : i32
        %parallel_loop3A_215 = vector.broadcast %parallel_loop3A_214 : i32 to vector<16xi32>
        %parallel_loop3A_216 = arith.shli %parallel_loop3A_212, %parallel_loop3A_215 : vector<16xi32>
        %parallel_loop3A_217 = arith.constant 16 : i32
        %parallel_loop3A_218 = vector.broadcast %parallel_loop3A_217 : i32 to vector<16xi32>
        %parallel_loop3A_219 = arith.shrui %parallel_loop3A_212, %parallel_loop3A_218 : vector<16xi32>
        %parallel_loop3A_220 = arith.ori %parallel_loop3A_216, %parallel_loop3A_219 : vector<16xi32>
        %parallel_loop3A_221 = arith.xori %parallel_loop3A_220, %parallel_loop3A_213 : vector<16xi32>
        %parallel_loop3A_222 = arith.addi %parallel_loop3A_213, %parallel_loop3A_221 : vector<16xi32>
        %parallel_loop3A_223 = arith.constant 24 : i32
        %parallel_loop3A_224 = vector.broadcast %parallel_loop3A_223 : i32 to vector<16xi32>
        %parallel_loop3A_225 = arith.shli %parallel_loop3A_221, %parallel_loop3A_224 : vector<16xi32>
        %parallel_loop3A_226 = arith.constant 8 : i32
        %parallel_loop3A_227 = vector.broadcast %parallel_loop3A_226 : i32 to vector<16xi32>
        %parallel_loop3A_228 = arith.shrui %parallel_loop3A_221, %parallel_loop3A_227 : vector<16xi32>
        %parallel_loop3A_229 = arith.ori %parallel_loop3A_225, %parallel_loop3A_228 : vector<16xi32>
        %parallel_loop3A_230 = arith.xori %parallel_loop3A_229, %parallel_loop3A_222 : vector<16xi32>
        %parallel_loop3A_231 = arith.constant 42 : i32
        %parallel_loop3A_232 = vector.broadcast %parallel_loop3A_231 : i32 to vector<16xi32>
        %parallel_loop3A_233 = arith.addi %parallel_loop3A_222, %parallel_loop3A_232 : vector<16xi32>
        %parallel_loop3A_234 = arith.constant 466689008 : i32
        %parallel_loop3A_235 = arith.constant 4 : i32
        %parallel_loop3A_236 = arith.addi %parallel_loop3A_234, %parallel_loop3A_235 : i32
        %parallel_loop3A_237 = vector.broadcast %parallel_loop3A_236 : i32 to vector<16xi32>
        %parallel_loop3A_238 = arith.addi %parallel_loop3A_230, %parallel_loop3A_237 : vector<16xi32>
        %parallel_loop3A_239 = arith.addi %parallel_loop3A_233, %parallel_loop3A_238 : vector<16xi32>
        %parallel_loop3A_240 = arith.constant 13 : i32
        %parallel_loop3A_241 = vector.broadcast %parallel_loop3A_240 : i32 to vector<16xi32>
        %parallel_loop3A_242 = arith.shli %parallel_loop3A_238, %parallel_loop3A_241 : vector<16xi32>
        %parallel_loop3A_243 = arith.constant 19 : i32
        %parallel_loop3A_244 = vector.broadcast %parallel_loop3A_243 : i32 to vector<16xi32>
        %parallel_loop3A_245 = arith.shrui %parallel_loop3A_238, %parallel_loop3A_244 : vector<16xi32>
        %parallel_loop3A_246 = arith.ori %parallel_loop3A_242, %parallel_loop3A_245 : vector<16xi32>
        %parallel_loop3A_247 = arith.xori %parallel_loop3A_246, %parallel_loop3A_239 : vector<16xi32>
        %parallel_loop3A_248 = arith.addi %parallel_loop3A_239, %parallel_loop3A_247 : vector<16xi32>
        %parallel_loop3A_249 = arith.constant 15 : i32
        %parallel_loop3A_250 = vector.broadcast %parallel_loop3A_249 : i32 to vector<16xi32>
        %parallel_loop3A_251 = arith.shli %parallel_loop3A_247, %parallel_loop3A_250 : vector<16xi32>
        %parallel_loop3A_252 = arith.constant 17 : i32
        %parallel_loop3A_253 = vector.broadcast %parallel_loop3A_252 : i32 to vector<16xi32>
        %parallel_loop3A_254 = arith.shrui %parallel_loop3A_247, %parallel_loop3A_253 : vector<16xi32>
        %parallel_loop3A_255 = arith.ori %parallel_loop3A_251, %parallel_loop3A_254 : vector<16xi32>
        %parallel_loop3A_256 = arith.xori %parallel_loop3A_255, %parallel_loop3A_248 : vector<16xi32>
        %parallel_loop3A_257 = arith.addi %parallel_loop3A_248, %parallel_loop3A_256 : vector<16xi32>
        %parallel_loop3A_258 = arith.constant 26 : i32
        %parallel_loop3A_259 = vector.broadcast %parallel_loop3A_258 : i32 to vector<16xi32>
        %parallel_loop3A_260 = arith.shli %parallel_loop3A_256, %parallel_loop3A_259 : vector<16xi32>
        %parallel_loop3A_261 = arith.constant 6 : i32
        %parallel_loop3A_262 = vector.broadcast %parallel_loop3A_261 : i32 to vector<16xi32>
        %parallel_loop3A_263 = arith.shrui %parallel_loop3A_256, %parallel_loop3A_262 : vector<16xi32>
        %parallel_loop3A_264 = arith.ori %parallel_loop3A_260, %parallel_loop3A_263 : vector<16xi32>
        %parallel_loop3A_265 = arith.xori %parallel_loop3A_264, %parallel_loop3A_257 : vector<16xi32>
        %parallel_loop3A_266 = arith.addi %parallel_loop3A_257, %parallel_loop3A_265 : vector<16xi32>
        %parallel_loop3A_267 = arith.constant 6 : i32
        %parallel_loop3A_268 = vector.broadcast %parallel_loop3A_267 : i32 to vector<16xi32>
        %parallel_loop3A_269 = arith.shli %parallel_loop3A_265, %parallel_loop3A_268 : vector<16xi32>
        %parallel_loop3A_270 = arith.constant 26 : i32
        %parallel_loop3A_271 = vector.broadcast %parallel_loop3A_270 : i32 to vector<16xi32>
        %parallel_loop3A_272 = arith.shrui %parallel_loop3A_265, %parallel_loop3A_271 : vector<16xi32>
        %parallel_loop3A_273 = arith.ori %parallel_loop3A_269, %parallel_loop3A_272 : vector<16xi32>
        %parallel_loop3A_274 = arith.xori %parallel_loop3A_273, %parallel_loop3A_266 : vector<16xi32>
        %parallel_loop3A_275 = arith.constant 466689008 : i32
        %parallel_loop3A_276 = vector.broadcast %parallel_loop3A_275 : i32 to vector<16xi32>
        %parallel_loop3A_277 = arith.addi %parallel_loop3A_266, %parallel_loop3A_276 : vector<16xi32>
        %parallel_loop3A_278 = arith.constant 0 : i32
        %parallel_loop3A_279 = arith.constant 5 : i32
        %parallel_loop3A_280 = arith.addi %parallel_loop3A_278, %parallel_loop3A_279 : i32
        %parallel_loop3A_281 = vector.broadcast %parallel_loop3A_280 : i32 to vector<16xi32>
        %parallel_loop3A_282 = arith.addi %parallel_loop3A_274, %parallel_loop3A_281 : vector<16xi32>
        %parallel_loop3A_283 = arith.xori %parallel_loop3A_277, %parallel_loop3A_282 : vector<16xi32>
        %parallel_loop3A_284 = arith.constant 9 : i32
        %parallel_loop3A_285 = vector.broadcast %parallel_loop3A_284 : i32 to vector<16xi32>
        %parallel_loop3A_286 = arith.shrui %parallel_loop3A_283, %parallel_loop3A_285 : vector<16xi32>
        %parallel_loop3A_287 = arith.constant 838861 : i32
        %parallel_loop3A_288 = vector.broadcast %parallel_loop3A_287 : i32 to vector<16xi32>
        %parallel_loop3A_289 = arith.cmpi sge, %parallel_loop3A_286, %parallel_loop3A_288 : vector<16xi32>
        %parallel_loop3A_290 = arith.constant 16 : i32
        %parallel_loop3A_291 = arith.muli %parallel_loop3A_48, %parallel_loop3A_290 : i32
        %parallel_loop3A_292 = arith.index_cast %parallel_loop3A_291 : i32 to index
        %parallel_loop3A_293 = tpu.vector_load %arg4[%parallel_loop3A_292] {strides = array<i32>} : memref<4096xf32, #tpu.memory_space<vmem>>, vector<16xf32>,
        %parallel_loop3A_294 = vector.shape_cast %parallel_loop3A_293 : vector<16xf32> to vector<16xf32>
        %parallel_loop3A_295 = arith.constant 1.11111116 : f32
        %parallel_loop3A_296 = vector.broadcast %parallel_loop3A_295 : f32 to vector<16xf32>
        %parallel_loop3A_297 = arith.mulf %parallel_loop3A_294, %parallel_loop3A_296 : vector<16xf32>
        %parallel_loop3A_298 = arith.constant 0.000000e+00 : f32
        %parallel_loop3A_299 = vector.broadcast %parallel_loop3A_298 : f32 to vector<16xf32>
        %parallel_loop3A_300 = arith.select %parallel_loop3A_289, %parallel_loop3A_297, %parallel_loop3A_299 : vector<16xi1>, vector<16xf32>
        %parallel_loop3A_301 = arith.constant 16 : i32
        %parallel_loop3A_302 = arith.muli %parallel_loop3A_48, %parallel_loop3A_301 : i32
        %parallel_loop3A_303 = arith.index_cast %parallel_loop3A_302 : i32 to index
        %parallel_loop3A_304 = tpu.vector_load %arg5[%parallel_loop3A_303] {strides = array<i32>} : memref<4096xf32, #tpu.memory_space<vmem>>, vector<16xf32>,
        %parallel_loop3A_305 = vector.shape_cast %parallel_loop3A_304 : vector<16xf32> to vector<16xf32>
        %parallel_loop3A_306 = vector.shape_cast %parallel_loop3A_300 : vector<16xf32> to vector<16xf32>
        tpu.vector_store %arg5[%parallel_loop3A_303], %parallel_loop3A_306 {strides = array<i32>} : memref<4096xf32, #tpu.memory_space<vmem>>, vector<16xf32>,
      } {sc.loop_unroll_factor = 8 : i64, sc.parallel_access}
      "tpu.region"() ({
        %run_scoped3A = tpu.sem_alloc : memref<!tpu.dma_semaphore, #tpu.memory_space<semaphore_mem>>
        %dma_start3A = tpu.memref_slice %arg3[%mul3A_40] : memref<587202xf32, #tpu.memory_space<hbm>> -> memref<4096xf32, #tpu.memory_space<hbm>>
        %dma_start3A_48 = tpu.memref_slice %arg3[%mul3A_40] : memref<587202xf32, #tpu.memory_space<hbm>> -> memref<4096xf32, #tpu.memory_space<hbm>>
        tpu.enqueue_dma source(%arg5 : memref<4096xf32, #tpu.memory_space<vmem>>) target(%dma_start3A_48 : memref<4096xf32, #tpu.memory_space<hbm>>) target_semaphore(%run_scoped3A : memref<!tpu.dma_semaphore, #tpu.memory_space<semaphore_mem>>)
        %dma_wait3A = tpu.memref_slice %arg3[%mul3A_40] : memref<587202xf32, #tpu.memory_space<hbm>> -> memref<4096xf32, #tpu.memory_space<hbm>>
        %dma_wait3A_49 = tpu.memref_slice %arg3[%mul3A_40] : memref<587202xf32, #tpu.memory_space<hbm>> -> memref<4096xf32, #tpu.memory_space<hbm>>
        tpu.wait_dma2 semaphore(%run_scoped3A : memref<!tpu.dma_semaphore, #tpu.memory_space<semaphore_mem>>) src(%arg5 : memref<4096xf32, #tpu.memory_space<vmem>>) dst(%dma_wait3A_49 : memref<4096xf32, #tpu.memory_space<hbm>>)
        tpu.yield
      }) : () -> ()
      %while3A_47 = arith.constant 0 : i32
      scf.yield %while3A_47 : i32
    }
    %eq3A = arith.constant 15 : i32
    %eq3A_32 = arith.cmpi eq, %add3A, %eq3A : i32
    %convert_element_type3A = arith.extui %eq3A_32 : i1 to i32
    %cond3A = arith.constant 0 : i32
    %cond3A_33 = arith.cmpi ne, %convert_element_type3A, %cond3A : i32
    scf.if %cond3A_33 {
      "tpu.region"() ({
        %run_scoped3A = tpu.sem_alloc : memref<!tpu.dma_semaphore, #tpu.memory_space<semaphore_mem>>
        %dma_start3A = arith.constant 0 : i32
        %dma_start3A_37 = tpu.memref_slice %arg4[%dma_start3A] : memref<4096xf32, #tpu.memory_space<vmem>> -> memref<1474xf32, #tpu.memory_space<vmem>>
        %dma_start3A_38 = arith.constant 2682880 : i32
        %dma_start3A_39 = tpu.memref_slice %arg2[%dma_start3A_38] : memref<2684354xf32, #tpu.memory_space<hbm>> -> memref<1474xf32, #tpu.memory_space<hbm>>
        %dma_start3A_40 = arith.constant 0 : i32
        %dma_start3A_41 = tpu.memref_slice %arg4[%dma_start3A_40] : memref<4096xf32, #tpu.memory_space<vmem>> -> memref<1474xf32, #tpu.memory_space<vmem>>
        %dma_start3A_42 = arith.constant 2682880 : i32
        %dma_start3A_43 = tpu.memref_slice %arg2[%dma_start3A_42] : memref<2684354xf32, #tpu.memory_space<hbm>> -> memref<1474xf32, #tpu.memory_space<hbm>>
        tpu.enqueue_dma source(%dma_start3A_43 : memref<1474xf32, #tpu.memory_space<hbm>>) target(%dma_start3A_41 : memref<1474xf32, #tpu.memory_space<vmem>>) target_semaphore(%run_scoped3A : memref<!tpu.dma_semaphore, #tpu.memory_space<semaphore_mem>>)
        %dma_wait3A = arith.constant 0 : i32
        %dma_wait3A_44 = tpu.memref_slice %arg4[%dma_wait3A] : memref<4096xf32, #tpu.memory_space<vmem>> -> memref<1474xf32, #tpu.memory_space<vmem>>
        %dma_wait3A_45 = arith.constant 2682880 : i32
        %dma_wait3A_46 = tpu.memref_slice %arg2[%dma_wait3A_45] : memref<2684354xf32, #tpu.memory_space<hbm>> -> memref<1474xf32, #tpu.memory_space<hbm>>
        %dma_wait3A_47 = arith.constant 0 : i32
        %dma_wait3A_48 = tpu.memref_slice %arg4[%dma_wait3A_47] : memref<4096xf32, #tpu.memory_space<vmem>> -> memref<1474xf32, #tpu.memory_space<vmem>>
        %dma_wait3A_49 = arith.constant 2682880 : i32
        %dma_wait3A_50 = tpu.memref_slice %arg2[%dma_wait3A_49] : memref<2684354xf32, #tpu.memory_space<hbm>> -> memref<1474xf32, #tpu.memory_space<hbm>>
        tpu.wait_dma2 semaphore(%run_scoped3A : memref<!tpu.dma_semaphore, #tpu.memory_space<semaphore_mem>>) src(%dma_wait3A_50 : memref<1474xf32, #tpu.memory_space<hbm>>) dst(%dma_wait3A_48 : memref<1474xf32, #tpu.memory_space<vmem>>)
        tpu.yield
      }) : () -> ()
      %parallel_loop3A = arith.constant 0 : i32
      %parallel_loop3A_34 = arith.constant 93 : i32
      %parallel_loop3A_35 = arith.constant 1 : i32
      %parallel_loop3A_36 = arith.constant 2682880 : i32
      scf.for %parallel_loop3A_37 = %parallel_loop3A to %parallel_loop3A_34 step %parallel_loop3A_35  : i32 {
        %parallel_loop3A_38 = arith.constant 16 : i32
        %parallel_loop3A_39 = arith.muli %parallel_loop3A_37, %parallel_loop3A_38 : i32
        %parallel_loop3A_40 = arith.addi %parallel_loop3A_36, %parallel_loop3A_39 : i32
        %parallel_loop3A_41 = tpu.iota {dimensions = array<i32: 0>} : vector<16xi32>
        %parallel_loop3A_42 = vector.broadcast %parallel_loop3A_40 : i32 to vector<16xi32>
        %parallel_loop3A_43 = arith.addi %parallel_loop3A_42, %parallel_loop3A_41 : vector<16xi32>
        %parallel_loop3A_44 = arith.constant 0 : i32
        %parallel_loop3A_45 = vector.broadcast %parallel_loop3A_44 : i32 to vector<16xi32>
        %parallel_loop3A_46 = arith.constant 0 : i32
        %parallel_loop3A_47 = vector.broadcast %parallel_loop3A_46 : i32 to vector<16xi32>
        %parallel_loop3A_48 = arith.addi %parallel_loop3A_45, %parallel_loop3A_47 : vector<16xi32>
        %parallel_loop3A_49 = arith.constant 42 : i32
        %parallel_loop3A_50 = vector.broadcast %parallel_loop3A_49 : i32 to vector<16xi32>
        %parallel_loop3A_51 = arith.addi %parallel_loop3A_43, %parallel_loop3A_50 : vector<16xi32>
        %parallel_loop3A_52 = arith.addi %parallel_loop3A_48, %parallel_loop3A_51 : vector<16xi32>
        %parallel_loop3A_53 = arith.constant 13 : i32
        %parallel_loop3A_54 = vector.broadcast %parallel_loop3A_53 : i32 to vector<16xi32>
        %parallel_loop3A_55 = arith.shli %parallel_loop3A_51, %parallel_loop3A_54 : vector<16xi32>
        %parallel_loop3A_56 = arith.constant 19 : i32
        %parallel_loop3A_57 = vector.broadcast %parallel_loop3A_56 : i32 to vector<16xi32>
        %parallel_loop3A_58 = arith.shrui %parallel_loop3A_51, %parallel_loop3A_57 : vector<16xi32>
        %parallel_loop3A_59 = arith.ori %parallel_loop3A_55, %parallel_loop3A_58 : vector<16xi32>
        %parallel_loop3A_60 = arith.xori %parallel_loop3A_59, %parallel_loop3A_52 : vector<16xi32>
        %parallel_loop3A_61 = arith.addi %parallel_loop3A_52, %parallel_loop3A_60 : vector<16xi32>
        %parallel_loop3A_62 = arith.constant 15 : i32
        %parallel_loop3A_63 = vector.broadcast %parallel_loop3A_62 : i32 to vector<16xi32>
        %parallel_loop3A_64 = arith.shli %parallel_loop3A_60, %parallel_loop3A_63 : vector<16xi32>
        %parallel_loop3A_65 = arith.constant 17 : i32
        %parallel_loop3A_66 = vector.broadcast %parallel_loop3A_65 : i32 to vector<16xi32>
        %parallel_loop3A_67 = arith.shrui %parallel_loop3A_60, %parallel_loop3A_66 : vector<16xi32>
        %parallel_loop3A_68 = arith.ori %parallel_loop3A_64, %parallel_loop3A_67 : vector<16xi32>
        %parallel_loop3A_69 = arith.xori %parallel_loop3A_68, %parallel_loop3A_61 : vector<16xi32>
        %parallel_loop3A_70 = arith.addi %parallel_loop3A_61, %parallel_loop3A_69 : vector<16xi32>
        %parallel_loop3A_71 = arith.constant 26 : i32
        %parallel_loop3A_72 = vector.broadcast %parallel_loop3A_71 : i32 to vector<16xi32>
        %parallel_loop3A_73 = arith.shli %parallel_loop3A_69, %parallel_loop3A_72 : vector<16xi32>
        %parallel_loop3A_74 = arith.constant 6 : i32
        %parallel_loop3A_75 = vector.broadcast %parallel_loop3A_74 : i32 to vector<16xi32>
        %parallel_loop3A_76 = arith.shrui %parallel_loop3A_69, %parallel_loop3A_75 : vector<16xi32>
        %parallel_loop3A_77 = arith.ori %parallel_loop3A_73, %parallel_loop3A_76 : vector<16xi32>
        %parallel_loop3A_78 = arith.xori %parallel_loop3A_77, %parallel_loop3A_70 : vector<16xi32>
        %parallel_loop3A_79 = arith.addi %parallel_loop3A_70, %parallel_loop3A_78 : vector<16xi32>
        %parallel_loop3A_80 = arith.constant 6 : i32
        %parallel_loop3A_81 = vector.broadcast %parallel_loop3A_80 : i32 to vector<16xi32>
        %parallel_loop3A_82 = arith.shli %parallel_loop3A_78, %parallel_loop3A_81 : vector<16xi32>
        %parallel_loop3A_83 = arith.constant 26 : i32
        %parallel_loop3A_84 = vector.broadcast %parallel_loop3A_83 : i32 to vector<16xi32>
        %parallel_loop3A_85 = arith.shrui %parallel_loop3A_78, %parallel_loop3A_84 : vector<16xi32>
        %parallel_loop3A_86 = arith.ori %parallel_loop3A_82, %parallel_loop3A_85 : vector<16xi32>
        %parallel_loop3A_87 = arith.xori %parallel_loop3A_86, %parallel_loop3A_79 : vector<16xi32>
        %parallel_loop3A_88 = arith.constant 42 : i32
        %parallel_loop3A_89 = vector.broadcast %parallel_loop3A_88 : i32 to vector<16xi32>
        %parallel_loop3A_90 = arith.addi %parallel_loop3A_79, %parallel_loop3A_89 : vector<16xi32>
        %parallel_loop3A_91 = arith.constant 466689008 : i32
        %parallel_loop3A_92 = arith.constant 1 : i32
        %parallel_loop3A_93 = arith.addi %parallel_loop3A_91, %parallel_loop3A_92 : i32
        %parallel_loop3A_94 = vector.broadcast %parallel_loop3A_93 : i32 to vector<16xi32>
        %parallel_loop3A_95 = arith.addi %parallel_loop3A_87, %parallel_loop3A_94 : vector<16xi32>
        %parallel_loop3A_96 = arith.addi %parallel_loop3A_90, %parallel_loop3A_95 : vector<16xi32>
        %parallel_loop3A_97 = arith.constant 17 : i32
        %parallel_loop3A_98 = vector.broadcast %parallel_loop3A_97 : i32 to vector<16xi32>
        %parallel_loop3A_99 = arith.shli %parallel_loop3A_95, %parallel_loop3A_98 : vector<16xi32>
        %parallel_loop3A_100 = arith.constant 15 : i32
        %parallel_loop3A_101 = vector.broadcast %parallel_loop3A_100 : i32 to vector<16xi32>
        %parallel_loop3A_102 = arith.shrui %parallel_loop3A_95, %parallel_loop3A_101 : vector<16xi32>
        %parallel_loop3A_103 = arith.ori %parallel_loop3A_99, %parallel_loop3A_102 : vector<16xi32>
        %parallel_loop3A_104 = arith.xori %parallel_loop3A_103, %parallel_loop3A_96 : vector<16xi32>
        %parallel_loop3A_105 = arith.addi %parallel_loop3A_96, %parallel_loop3A_104 : vector<16xi32>
        %parallel_loop3A_106 = arith.constant 29 : i32
        %parallel_loop3A_107 = vector.broadcast %parallel_loop3A_106 : i32 to vector<16xi32>
        %parallel_loop3A_108 = arith.shli %parallel_loop3A_104, %parallel_loop3A_107 : vector<16xi32>
        %parallel_loop3A_109 = arith.constant 3 : i32
        %parallel_loop3A_110 = vector.broadcast %parallel_loop3A_109 : i32 to vector<16xi32>
        %parallel_loop3A_111 = arith.shrui %parallel_loop3A_104, %parallel_loop3A_110 : vector<16xi32>
        %parallel_loop3A_112 = arith.ori %parallel_loop3A_108, %parallel_loop3A_111 : vector<16xi32>
        %parallel_loop3A_113 = arith.xori %parallel_loop3A_112, %parallel_loop3A_105 : vector<16xi32>
        %parallel_loop3A_114 = arith.addi %parallel_loop3A_105, %parallel_loop3A_113 : vector<16xi32>
        %parallel_loop3A_115 = arith.constant 16 : i32
        %parallel_loop3A_116 = vector.broadcast %parallel_loop3A_115 : i32 to vector<16xi32>
        %parallel_loop3A_117 = arith.shli %parallel_loop3A_113, %parallel_loop3A_116 : vector<16xi32>
        %parallel_loop3A_118 = arith.constant 16 : i32
        %parallel_loop3A_119 = vector.broadcast %parallel_loop3A_118 : i32 to vector<16xi32>
        %parallel_loop3A_120 = arith.shrui %parallel_loop3A_113, %parallel_loop3A_119 : vector<16xi32>
        %parallel_loop3A_121 = arith.ori %parallel_loop3A_117, %parallel_loop3A_120 : vector<16xi32>
        %parallel_loop3A_122 = arith.xori %parallel_loop3A_121, %parallel_loop3A_114 : vector<16xi32>
        %parallel_loop3A_123 = arith.addi %parallel_loop3A_114, %parallel_loop3A_122 : vector<16xi32>
        %parallel_loop3A_124 = arith.constant 24 : i32
        %parallel_loop3A_125 = vector.broadcast %parallel_loop3A_124 : i32 to vector<16xi32>
        %parallel_loop3A_126 = arith.shli %parallel_loop3A_122, %parallel_loop3A_125 : vector<16xi32>
        %parallel_loop3A_127 = arith.constant 8 : i32
        %parallel_loop3A_128 = vector.broadcast %parallel_loop3A_127 : i32 to vector<16xi32>
        %parallel_loop3A_129 = arith.shrui %parallel_loop3A_122, %parallel_loop3A_128 : vector<16xi32>
        %parallel_loop3A_130 = arith.ori %parallel_loop3A_126, %parallel_loop3A_129 : vector<16xi32>
        %parallel_loop3A_131 = arith.xori %parallel_loop3A_130, %parallel_loop3A_123 : vector<16xi32>
        %parallel_loop3A_132 = arith.constant 466689008 : i32
        %parallel_loop3A_133 = vector.broadcast %parallel_loop3A_132 : i32 to vector<16xi32>
        %parallel_loop3A_134 = arith.addi %parallel_loop3A_123, %parallel_loop3A_133 : vector<16xi32>
        %parallel_loop3A_135 = arith.constant 0 : i32
        %parallel_loop3A_136 = arith.constant 2 : i32
        %parallel_loop3A_137 = arith.addi %parallel_loop3A_135, %parallel_loop3A_136 : i32
        %parallel_loop3A_138 = vector.broadcast %parallel_loop3A_137 : i32 to vector<16xi32>
        %parallel_loop3A_139 = arith.addi %parallel_loop3A_131, %parallel_loop3A_138 : vector<16xi32>
        %parallel_loop3A_140 = arith.addi %parallel_loop3A_134, %parallel_loop3A_139 : vector<16xi32>
        %parallel_loop3A_141 = arith.constant 13 : i32
        %parallel_loop3A_142 = vector.broadcast %parallel_loop3A_141 : i32 to vector<16xi32>
        %parallel_loop3A_143 = arith.shli %parallel_loop3A_139, %parallel_loop3A_142 : vector<16xi32>
        %parallel_loop3A_144 = arith.constant 19 : i32
        %parallel_loop3A_145 = vector.broadcast %parallel_loop3A_144 : i32 to vector<16xi32>
        %parallel_loop3A_146 = arith.shrui %parallel_loop3A_139, %parallel_loop3A_145 : vector<16xi32>
        %parallel_loop3A_147 = arith.ori %parallel_loop3A_143, %parallel_loop3A_146 : vector<16xi32>
        %parallel_loop3A_148 = arith.xori %parallel_loop3A_147, %parallel_loop3A_140 : vector<16xi32>
        %parallel_loop3A_149 = arith.addi %parallel_loop3A_140, %parallel_loop3A_148 : vector<16xi32>
        %parallel_loop3A_150 = arith.constant 15 : i32
        %parallel_loop3A_151 = vector.broadcast %parallel_loop3A_150 : i32 to vector<16xi32>
        %parallel_loop3A_152 = arith.shli %parallel_loop3A_148, %parallel_loop3A_151 : vector<16xi32>
        %parallel_loop3A_153 = arith.constant 17 : i32
        %parallel_loop3A_154 = vector.broadcast %parallel_loop3A_153 : i32 to vector<16xi32>
        %parallel_loop3A_155 = arith.shrui %parallel_loop3A_148, %parallel_loop3A_154 : vector<16xi32>
        %parallel_loop3A_156 = arith.ori %parallel_loop3A_152, %parallel_loop3A_155 : vector<16xi32>
        %parallel_loop3A_157 = arith.xori %parallel_loop3A_156, %parallel_loop3A_149 : vector<16xi32>
        %parallel_loop3A_158 = arith.addi %parallel_loop3A_149, %parallel_loop3A_157 : vector<16xi32>
        %parallel_loop3A_159 = arith.constant 26 : i32
        %parallel_loop3A_160 = vector.broadcast %parallel_loop3A_159 : i32 to vector<16xi32>
        %parallel_loop3A_161 = arith.shli %parallel_loop3A_157, %parallel_loop3A_160 : vector<16xi32>
        %parallel_loop3A_162 = arith.constant 6 : i32
        %parallel_loop3A_163 = vector.broadcast %parallel_loop3A_162 : i32 to vector<16xi32>
        %parallel_loop3A_164 = arith.shrui %parallel_loop3A_157, %parallel_loop3A_163 : vector<16xi32>
        %parallel_loop3A_165 = arith.ori %parallel_loop3A_161, %parallel_loop3A_164 : vector<16xi32>
        %parallel_loop3A_166 = arith.xori %parallel_loop3A_165, %parallel_loop3A_158 : vector<16xi32>
        %parallel_loop3A_167 = arith.addi %parallel_loop3A_158, %parallel_loop3A_166 : vector<16xi32>
        %parallel_loop3A_168 = arith.constant 6 : i32
        %parallel_loop3A_169 = vector.broadcast %parallel_loop3A_168 : i32 to vector<16xi32>
        %parallel_loop3A_170 = arith.shli %parallel_loop3A_166, %parallel_loop3A_169 : vector<16xi32>
        %parallel_loop3A_171 = arith.constant 26 : i32
        %parallel_loop3A_172 = vector.broadcast %parallel_loop3A_171 : i32 to vector<16xi32>
        %parallel_loop3A_173 = arith.shrui %parallel_loop3A_166, %parallel_loop3A_172 : vector<16xi32>
        %parallel_loop3A_174 = arith.ori %parallel_loop3A_170, %parallel_loop3A_173 : vector<16xi32>
        %parallel_loop3A_175 = arith.xori %parallel_loop3A_174, %parallel_loop3A_167 : vector<16xi32>
        %parallel_loop3A_176 = arith.constant 0 : i32
        %parallel_loop3A_177 = vector.broadcast %parallel_loop3A_176 : i32 to vector<16xi32>
        %parallel_loop3A_178 = arith.addi %parallel_loop3A_167, %parallel_loop3A_177 : vector<16xi32>
        %parallel_loop3A_179 = arith.constant 42 : i32
        %parallel_loop3A_180 = arith.constant 3 : i32
        %parallel_loop3A_181 = arith.addi %parallel_loop3A_179, %parallel_loop3A_180 : i32
        %parallel_loop3A_182 = vector.broadcast %parallel_loop3A_181 : i32 to vector<16xi32>
        %parallel_loop3A_183 = arith.addi %parallel_loop3A_175, %parallel_loop3A_182 : vector<16xi32>
        %parallel_loop3A_184 = arith.addi %parallel_loop3A_178, %parallel_loop3A_183 : vector<16xi32>
        %parallel_loop3A_185 = arith.constant 17 : i32
        %parallel_loop3A_186 = vector.broadcast %parallel_loop3A_185 : i32 to vector<16xi32>
        %parallel_loop3A_187 = arith.shli %parallel_loop3A_183, %parallel_loop3A_186 : vector<16xi32>
        %parallel_loop3A_188 = arith.constant 15 : i32
        %parallel_loop3A_189 = vector.broadcast %parallel_loop3A_188 : i32 to vector<16xi32>
        %parallel_loop3A_190 = arith.shrui %parallel_loop3A_183, %parallel_loop3A_189 : vector<16xi32>
        %parallel_loop3A_191 = arith.ori %parallel_loop3A_187, %parallel_loop3A_190 : vector<16xi32>
        %parallel_loop3A_192 = arith.xori %parallel_loop3A_191, %parallel_loop3A_184 : vector<16xi32>
        %parallel_loop3A_193 = arith.addi %parallel_loop3A_184, %parallel_loop3A_192 : vector<16xi32>
        %parallel_loop3A_194 = arith.constant 29 : i32
        %parallel_loop3A_195 = vector.broadcast %parallel_loop3A_194 : i32 to vector<16xi32>
        %parallel_loop3A_196 = arith.shli %parallel_loop3A_192, %parallel_loop3A_195 : vector<16xi32>
        %parallel_loop3A_197 = arith.constant 3 : i32
        %parallel_loop3A_198 = vector.broadcast %parallel_loop3A_197 : i32 to vector<16xi32>
        %parallel_loop3A_199 = arith.shrui %parallel_loop3A_192, %parallel_loop3A_198 : vector<16xi32>
        %parallel_loop3A_200 = arith.ori %parallel_loop3A_196, %parallel_loop3A_199 : vector<16xi32>
        %parallel_loop3A_201 = arith.xori %parallel_loop3A_200, %parallel_loop3A_193 : vector<16xi32>
        %parallel_loop3A_202 = arith.addi %parallel_loop3A_193, %parallel_loop3A_201 : vector<16xi32>
        %parallel_loop3A_203 = arith.constant 16 : i32
        %parallel_loop3A_204 = vector.broadcast %parallel_loop3A_203 : i32 to vector<16xi32>
        %parallel_loop3A_205 = arith.shli %parallel_loop3A_201, %parallel_loop3A_204 : vector<16xi32>
        %parallel_loop3A_206 = arith.constant 16 : i32
        %parallel_loop3A_207 = vector.broadcast %parallel_loop3A_206 : i32 to vector<16xi32>
        %parallel_loop3A_208 = arith.shrui %parallel_loop3A_201, %parallel_loop3A_207 : vector<16xi32>
        %parallel_loop3A_209 = arith.ori %parallel_loop3A_205, %parallel_loop3A_208 : vector<16xi32>
        %parallel_loop3A_210 = arith.xori %parallel_loop3A_209, %parallel_loop3A_202 : vector<16xi32>
        %parallel_loop3A_211 = arith.addi %parallel_loop3A_202, %parallel_loop3A_210 : vector<16xi32>
        %parallel_loop3A_212 = arith.constant 24 : i32
        %parallel_loop3A_213 = vector.broadcast %parallel_loop3A_212 : i32 to vector<16xi32>
        %parallel_loop3A_214 = arith.shli %parallel_loop3A_210, %parallel_loop3A_213 : vector<16xi32>
        %parallel_loop3A_215 = arith.constant 8 : i32
        %parallel_loop3A_216 = vector.broadcast %parallel_loop3A_215 : i32 to vector<16xi32>
        %parallel_loop3A_217 = arith.shrui %parallel_loop3A_210, %parallel_loop3A_216 : vector<16xi32>
        %parallel_loop3A_218 = arith.ori %parallel_loop3A_214, %parallel_loop3A_217 : vector<16xi32>
        %parallel_loop3A_219 = arith.xori %parallel_loop3A_218, %parallel_loop3A_211 : vector<16xi32>
        %parallel_loop3A_220 = arith.constant 42 : i32
        %parallel_loop3A_221 = vector.broadcast %parallel_loop3A_220 : i32 to vector<16xi32>
        %parallel_loop3A_222 = arith.addi %parallel_loop3A_211, %parallel_loop3A_221 : vector<16xi32>
        %parallel_loop3A_223 = arith.constant 466689008 : i32
        %parallel_loop3A_224 = arith.constant 4 : i32
        %parallel_loop3A_225 = arith.addi %parallel_loop3A_223, %parallel_loop3A_224 : i32
        %parallel_loop3A_226 = vector.broadcast %parallel_loop3A_225 : i32 to vector<16xi32>
        %parallel_loop3A_227 = arith.addi %parallel_loop3A_219, %parallel_loop3A_226 : vector<16xi32>
        %parallel_loop3A_228 = arith.addi %parallel_loop3A_222, %parallel_loop3A_227 : vector<16xi32>
        %parallel_loop3A_229 = arith.constant 13 : i32
        %parallel_loop3A_230 = vector.broadcast %parallel_loop3A_229 : i32 to vector<16xi32>
        %parallel_loop3A_231 = arith.shli %parallel_loop3A_227, %parallel_loop3A_230 : vector<16xi32>
        %parallel_loop3A_232 = arith.constant 19 : i32
        %parallel_loop3A_233 = vector.broadcast %parallel_loop3A_232 : i32 to vector<16xi32>
        %parallel_loop3A_234 = arith.shrui %parallel_loop3A_227, %parallel_loop3A_233 : vector<16xi32>
        %parallel_loop3A_235 = arith.ori %parallel_loop3A_231, %parallel_loop3A_234 : vector<16xi32>
        %parallel_loop3A_236 = arith.xori %parallel_loop3A_235, %parallel_loop3A_228 : vector<16xi32>
        %parallel_loop3A_237 = arith.addi %parallel_loop3A_228, %parallel_loop3A_236 : vector<16xi32>
        %parallel_loop3A_238 = arith.constant 15 : i32
        %parallel_loop3A_239 = vector.broadcast %parallel_loop3A_238 : i32 to vector<16xi32>
        %parallel_loop3A_240 = arith.shli %parallel_loop3A_236, %parallel_loop3A_239 : vector<16xi32>
        %parallel_loop3A_241 = arith.constant 17 : i32
        %parallel_loop3A_242 = vector.broadcast %parallel_loop3A_241 : i32 to vector<16xi32>
        %parallel_loop3A_243 = arith.shrui %parallel_loop3A_236, %parallel_loop3A_242 : vector<16xi32>
        %parallel_loop3A_244 = arith.ori %parallel_loop3A_240, %parallel_loop3A_243 : vector<16xi32>
        %parallel_loop3A_245 = arith.xori %parallel_loop3A_244, %parallel_loop3A_237 : vector<16xi32>
        %parallel_loop3A_246 = arith.addi %parallel_loop3A_237, %parallel_loop3A_245 : vector<16xi32>
        %parallel_loop3A_247 = arith.constant 26 : i32
        %parallel_loop3A_248 = vector.broadcast %parallel_loop3A_247 : i32 to vector<16xi32>
        %parallel_loop3A_249 = arith.shli %parallel_loop3A_245, %parallel_loop3A_248 : vector<16xi32>
        %parallel_loop3A_250 = arith.constant 6 : i32
        %parallel_loop3A_251 = vector.broadcast %parallel_loop3A_250 : i32 to vector<16xi32>
        %parallel_loop3A_252 = arith.shrui %parallel_loop3A_245, %parallel_loop3A_251 : vector<16xi32>
        %parallel_loop3A_253 = arith.ori %parallel_loop3A_249, %parallel_loop3A_252 : vector<16xi32>
        %parallel_loop3A_254 = arith.xori %parallel_loop3A_253, %parallel_loop3A_246 : vector<16xi32>
        %parallel_loop3A_255 = arith.addi %parallel_loop3A_246, %parallel_loop3A_254 : vector<16xi32>
        %parallel_loop3A_256 = arith.constant 6 : i32
        %parallel_loop3A_257 = vector.broadcast %parallel_loop3A_256 : i32 to vector<16xi32>
        %parallel_loop3A_258 = arith.shli %parallel_loop3A_254, %parallel_loop3A_257 : vector<16xi32>
        %parallel_loop3A_259 = arith.constant 26 : i32
        %parallel_loop3A_260 = vector.broadcast %parallel_loop3A_259 : i32 to vector<16xi32>
        %parallel_loop3A_261 = arith.shrui %parallel_loop3A_254, %parallel_loop3A_260 : vector<16xi32>
        %parallel_loop3A_262 = arith.ori %parallel_loop3A_258, %parallel_loop3A_261 : vector<16xi32>
        %parallel_loop3A_263 = arith.xori %parallel_loop3A_262, %parallel_loop3A_255 : vector<16xi32>
        %parallel_loop3A_264 = arith.constant 466689008 : i32
        %parallel_loop3A_265 = vector.broadcast %parallel_loop3A_264 : i32 to vector<16xi32>
        %parallel_loop3A_266 = arith.addi %parallel_loop3A_255, %parallel_loop3A_265 : vector<16xi32>
        %parallel_loop3A_267 = arith.constant 0 : i32
        %parallel_loop3A_268 = arith.constant 5 : i32
        %parallel_loop3A_269 = arith.addi %parallel_loop3A_267, %parallel_loop3A_268 : i32
        %parallel_loop3A_270 = vector.broadcast %parallel_loop3A_269 : i32 to vector<16xi32>
        %parallel_loop3A_271 = arith.addi %parallel_loop3A_263, %parallel_loop3A_270 : vector<16xi32>
        %parallel_loop3A_272 = arith.xori %parallel_loop3A_266, %parallel_loop3A_271 : vector<16xi32>
        %parallel_loop3A_273 = arith.constant 9 : i32
        %parallel_loop3A_274 = vector.broadcast %parallel_loop3A_273 : i32 to vector<16xi32>
        %parallel_loop3A_275 = arith.shrui %parallel_loop3A_272, %parallel_loop3A_274 : vector<16xi32>
        %parallel_loop3A_276 = arith.constant 838861 : i32
        %parallel_loop3A_277 = vector.broadcast %parallel_loop3A_276 : i32 to vector<16xi32>
        %parallel_loop3A_278 = arith.cmpi sge, %parallel_loop3A_275, %parallel_loop3A_277 : vector<16xi32>
        %parallel_loop3A_279 = arith.constant 16 : i32
        %parallel_loop3A_280 = arith.muli %parallel_loop3A_37, %parallel_loop3A_279 : i32
        %parallel_loop3A_281 = arith.index_cast %parallel_loop3A_280 : i32 to index
        %parallel_loop3A_282 = tpu.vector_load %arg4[%parallel_loop3A_281] {strides = array<i32>} : memref<4096xf32, #tpu.memory_space<vmem>>, vector<16xf32>,
        %parallel_loop3A_283 = vector.shape_cast %parallel_loop3A_282 : vector<16xf32> to vector<16xf32>
        %parallel_loop3A_284 = arith.constant 1.11111116 : f32
        %parallel_loop3A_285 = vector.broadcast %parallel_loop3A_284 : f32 to vector<16xf32>
        %parallel_loop3A_286 = arith.mulf %parallel_loop3A_283, %parallel_loop3A_285 : vector<16xf32>
        %parallel_loop3A_287 = arith.constant 0.000000e+00 : f32
        %parallel_loop3A_288 = vector.broadcast %parallel_loop3A_287 : f32 to vector<16xf32>
        %parallel_loop3A_289 = arith.select %parallel_loop3A_278, %parallel_loop3A_286, %parallel_loop3A_288 : vector<16xi1>, vector<16xf32>
        %parallel_loop3A_290 = arith.constant 16 : i32
        %parallel_loop3A_291 = arith.muli %parallel_loop3A_37, %parallel_loop3A_290 : i32
        %parallel_loop3A_292 = arith.index_cast %parallel_loop3A_291 : i32 to index
        %parallel_loop3A_293 = tpu.vector_load %arg5[%parallel_loop3A_292] {strides = array<i32>} : memref<4096xf32, #tpu.memory_space<vmem>>, vector<16xf32>,
        %parallel_loop3A_294 = vector.shape_cast %parallel_loop3A_293 : vector<16xf32> to vector<16xf32>
        %parallel_loop3A_295 = vector.shape_cast %parallel_loop3A_289 : vector<16xf32> to vector<16xf32>
        tpu.vector_store %arg5[%parallel_loop3A_292], %parallel_loop3A_295 {strides = array<i32>} : memref<4096xf32, #tpu.memory_space<vmem>>, vector<16xf32>,
      } {sc.loop_unroll_factor = 8 : i64, sc.parallel_access}
      "tpu.region"() ({
        %run_scoped3A = tpu.sem_alloc : memref<!tpu.dma_semaphore, #tpu.memory_space<semaphore_mem>>
        %dma_start3A = arith.constant 0 : i32
        %dma_start3A_37 = tpu.memref_slice %arg5[%dma_start3A] : memref<4096xf32, #tpu.memory_space<vmem>> -> memref<1474xf32, #tpu.memory_space<vmem>>
        %dma_start3A_38 = arith.constant 585728 : i32
        %dma_start3A_39 = tpu.memref_slice %arg3[%dma_start3A_38] : memref<587202xf32, #tpu.memory_space<hbm>> -> memref<1474xf32, #tpu.memory_space<hbm>>
        %dma_start3A_40 = arith.constant 585728 : i32
        %dma_start3A_41 = tpu.memref_slice %arg3[%dma_start3A_40] : memref<587202xf32, #tpu.memory_space<hbm>> -> memref<1474xf32, #tpu.memory_space<hbm>>
        %dma_start3A_42 = arith.constant 0 : i32
        %dma_start3A_43 = tpu.memref_slice %arg5[%dma_start3A_42] : memref<4096xf32, #tpu.memory_space<vmem>> -> memref<1474xf32, #tpu.memory_space<vmem>>
        tpu.enqueue_dma source(%dma_start3A_43 : memref<1474xf32, #tpu.memory_space<vmem>>) target(%dma_start3A_41 : memref<1474xf32, #tpu.memory_space<hbm>>) target_semaphore(%run_scoped3A : memref<!tpu.dma_semaphore, #tpu.memory_space<semaphore_mem>>)
        %dma_wait3A = arith.constant 0 : i32
        %dma_wait3A_44 = tpu.memref_slice %arg5[%dma_wait3A] : memref<4096xf32, #tpu.memory_space<vmem>> -> memref<1474xf32, #tpu.memory_space<vmem>>
        %dma_wait3A_45 = arith.constant 585728 : i32
        %dma_wait3A_46 = tpu.memref_slice %arg3[%dma_wait3A_45] : memref<587202xf32, #tpu.memory_space<hbm>> -> memref<1474xf32, #tpu.memory_space<hbm>>
        %dma_wait3A_47 = arith.constant 585728 : i32
        %dma_wait3A_48 = tpu.memref_slice %arg3[%dma_wait3A_47] : memref<587202xf32, #tpu.memory_space<hbm>> -> memref<1474xf32, #tpu.memory_space<hbm>>
        %dma_wait3A_49 = arith.constant 0 : i32
        %dma_wait3A_50 = tpu.memref_slice %arg5[%dma_wait3A_49] : memref<4096xf32, #tpu.memory_space<vmem>> -> memref<1474xf32, #tpu.memory_space<vmem>>
        tpu.wait_dma2 semaphore(%run_scoped3A : memref<!tpu.dma_semaphore, #tpu.memory_space<semaphore_mem>>) src(%dma_wait3A_50 : memref<1474xf32, #tpu.memory_space<vmem>>) dst(%dma_wait3A_48 : memref<1474xf32, #tpu.memory_space<hbm>>)
        tpu.yield
      }) : () -> ()
    } else {
    }
    return
  }
}

module attributes {stable_mosaic.version = 14 : i64} {
  func.func @body(%arg0: i32, %arg1: memref<65536xf32, #tpu.memory_space<vmem>>, %arg2: memref<2684354xf32, #tpu.memory_space<any>>, %arg3: memref<65536xf32, #tpu.memory_space<vmem>>) attributes {dimension_semantics = [#tpu.dimension_semantics<arbitrary>], iteration_bounds = array<i64: 9>, scalar_prefetch = 0 : i64, scratch_operands = 0 : i64, tpu.core_type = #tpu.core_type<tc>, window_params = [{transform_indices = @transform_0, window_bounds = array<i64: 65536>}, {}, {transform_indices = @transform_2, window_bounds = array<i64: 65536>}]} {
    %get3A = arith.constant 0 : index
    %get3A_0 = vector.load %arg1[%get3A] : memref<65536xf32, #tpu.memory_space<vmem>>, vector<65536xf32>
    %swap3A = arith.constant 0 : index
    %swap3A_1 = vector.load %arg3[%swap3A] : memref<65536xf32, #tpu.memory_space<vmem>>, vector<65536xf32>
    tpu.vector_store %arg3[%swap3A], %get3A_0 {strides = array<i32>} : memref<65536xf32, #tpu.memory_space<vmem>>, vector<65536xf32>,
    return
  }
  func.func @transform_0(%arg0: i32) -> i32 {
    %c0_i32 = arith.constant 0 : i32
    return %arg0 : i32
  }
  func.func @transform_2(%arg0: i32) -> i32 {
    %add3A = arith.constant 32 : i32
    %add3A_0 = arith.addi %arg0, %add3A : i32
    %c0_i32 = arith.constant 0 : i32
    return %add3A_0 : i32
  }
}

module attributes {stable_mosaic.version = 14 : i64} {
  func.func @body(%arg0: i32, %arg1: memref<65536xf32, #tpu.memory_space<vmem>>, %arg2: memref<65536xf32, #tpu.memory_space<vmem>>) attributes {dimension_semantics = [#tpu.dimension_semantics<arbitrary>], iteration_bounds = array<i64: 32>, scalar_prefetch = 0 : i64, scratch_operands = 0 : i64, tpu.core_type = #tpu.core_type<tc>, window_params = [{transform_indices = @transform_0, window_bounds = array<i64: 65536>}, {transform_indices = @transform_1, window_bounds = array<i64: 65536>}]} {
    %iota3A = tpu.iota {dimensions = array<i32: 0>} : vector<512x128xi32>
    %iota3A_0 = tpu.iota {dimensions = array<i32: 1>} : vector<512x128xi32>
    %mul3A = arith.constant 65536 : i32
    %mul3A_1 = arith.muli %arg0, %mul3A : i32
    %mul3A_2 = arith.constant 128 : i32
    %mul3A_3 = vector.broadcast %mul3A_2 : i32 to vector<512x128xi32>
    %mul3A_4 = arith.muli %iota3A, %mul3A_3 : vector<512x128xi32>
    %add3A = vector.broadcast %mul3A_1 : i32 to vector<512x128xi32>
    %add3A_5 = arith.addi %add3A, %mul3A_4 : vector<512x128xi32>
    %add3A_6 = arith.addi %add3A_5, %iota3A_0 : vector<512x128xi32>
    %broadcast_in_dim3A = arith.constant 0 : i32
    %broadcast_in_dim3A_7 = vector.broadcast %broadcast_in_dim3A : i32 to vector<512x128xi32>
    %add3A_8 = arith.constant 0 : i32
    %add3A_9 = vector.broadcast %add3A_8 : i32 to vector<512x128xi32>
    %add3A_10 = arith.addi %broadcast_in_dim3A_7, %add3A_9 : vector<512x128xi32>
    %add3A_11 = arith.constant 42 : i32
    %add3A_12 = vector.broadcast %add3A_11 : i32 to vector<512x128xi32>
    %add3A_13 = arith.addi %add3A_6, %add3A_12 : vector<512x128xi32>
    %add3A_14 = arith.addi %add3A_10, %add3A_13 : vector<512x128xi32>
    %shift_left3A = arith.constant 13 : i32
    %shift_left3A_15 = vector.broadcast %shift_left3A : i32 to vector<512x128xi32>
    %shift_left3A_16 = arith.shli %add3A_13, %shift_left3A_15 : vector<512x128xi32>
    %shift_right_logical3A = arith.constant 19 : i32
    %shift_right_logical3A_17 = vector.broadcast %shift_right_logical3A : i32 to vector<512x128xi32>
    %shift_right_logical3A_18 = arith.shrui %add3A_13, %shift_right_logical3A_17 : vector<512x128xi32>
    %or3A = arith.ori %shift_left3A_16, %shift_right_logical3A_18 : vector<512x128xi32>
    %xor3A = arith.xori %or3A, %add3A_14 : vector<512x128xi32>
    %add3A_19 = arith.addi %add3A_14, %xor3A : vector<512x128xi32>
    %shift_left3A_20 = arith.constant 15 : i32
    %shift_left3A_21 = vector.broadcast %shift_left3A_20 : i32 to vector<512x128xi32>
    %shift_left3A_22 = arith.shli %xor3A, %shift_left3A_21 : vector<512x128xi32>
    %shift_right_logical3A_23 = arith.constant 17 : i32
    %shift_right_logical3A_24 = vector.broadcast %shift_right_logical3A_23 : i32 to vector<512x128xi32>
    %shift_right_logical3A_25 = arith.shrui %xor3A, %shift_right_logical3A_24 : vector<512x128xi32>
    %or3A_26 = arith.ori %shift_left3A_22, %shift_right_logical3A_25 : vector<512x128xi32>
    %xor3A_27 = arith.xori %or3A_26, %add3A_19 : vector<512x128xi32>
    %add3A_28 = arith.addi %add3A_19, %xor3A_27 : vector<512x128xi32>
    %shift_left3A_29 = arith.constant 26 : i32
    %shift_left3A_30 = vector.broadcast %shift_left3A_29 : i32 to vector<512x128xi32>
    %shift_left3A_31 = arith.shli %xor3A_27, %shift_left3A_30 : vector<512x128xi32>
    %shift_right_logical3A_32 = arith.constant 6 : i32
    %shift_right_logical3A_33 = vector.broadcast %shift_right_logical3A_32 : i32 to vector<512x128xi32>
    %shift_right_logical3A_34 = arith.shrui %xor3A_27, %shift_right_logical3A_33 : vector<512x128xi32>
    %or3A_35 = arith.ori %shift_left3A_31, %shift_right_logical3A_34 : vector<512x128xi32>
    %xor3A_36 = arith.xori %or3A_35, %add3A_28 : vector<512x128xi32>
    %add3A_37 = arith.addi %add3A_28, %xor3A_36 : vector<512x128xi32>
    %shift_left3A_38 = arith.constant 6 : i32
    %shift_left3A_39 = vector.broadcast %shift_left3A_38 : i32 to vector<512x128xi32>
    %shift_left3A_40 = arith.shli %xor3A_36, %shift_left3A_39 : vector<512x128xi32>
    %shift_right_logical3A_41 = arith.constant 26 : i32
    %shift_right_logical3A_42 = vector.broadcast %shift_right_logical3A_41 : i32 to vector<512x128xi32>
    %shift_right_logical3A_43 = arith.shrui %xor3A_36, %shift_right_logical3A_42 : vector<512x128xi32>
    %or3A_44 = arith.ori %shift_left3A_40, %shift_right_logical3A_43 : vector<512x128xi32>
    %xor3A_45 = arith.xori %or3A_44, %add3A_37 : vector<512x128xi32>
    %add3A_46 = arith.constant 42 : i32
    %add3A_47 = vector.broadcast %add3A_46 : i32 to vector<512x128xi32>
    %add3A_48 = arith.addi %add3A_37, %add3A_47 : vector<512x128xi32>
    %add3A_49 = arith.constant 466689008 : i32
    %add3A_50 = arith.constant 1 : i32
    %add3A_51 = arith.addi %add3A_49, %add3A_50 : i32
    %add3A_52 = vector.broadcast %add3A_51 : i32 to vector<512x128xi32>
    %add3A_53 = arith.addi %xor3A_45, %add3A_52 : vector<512x128xi32>
    %add3A_54 = arith.addi %add3A_48, %add3A_53 : vector<512x128xi32>
    %shift_left3A_55 = arith.constant 17 : i32
    %shift_left3A_56 = vector.broadcast %shift_left3A_55 : i32 to vector<512x128xi32>
    %shift_left3A_57 = arith.shli %add3A_53, %shift_left3A_56 : vector<512x128xi32>
    %shift_right_logical3A_58 = arith.constant 15 : i32
    %shift_right_logical3A_59 = vector.broadcast %shift_right_logical3A_58 : i32 to vector<512x128xi32>
    %shift_right_logical3A_60 = arith.shrui %add3A_53, %shift_right_logical3A_59 : vector<512x128xi32>
    %or3A_61 = arith.ori %shift_left3A_57, %shift_right_logical3A_60 : vector<512x128xi32>
    %xor3A_62 = arith.xori %or3A_61, %add3A_54 : vector<512x128xi32>
    %add3A_63 = arith.addi %add3A_54, %xor3A_62 : vector<512x128xi32>
    %shift_left3A_64 = arith.constant 29 : i32
    %shift_left3A_65 = vector.broadcast %shift_left3A_64 : i32 to vector<512x128xi32>
    %shift_left3A_66 = arith.shli %xor3A_62, %shift_left3A_65 : vector<512x128xi32>
    %shift_right_logical3A_67 = arith.constant 3 : i32
    %shift_right_logical3A_68 = vector.broadcast %shift_right_logical3A_67 : i32 to vector<512x128xi32>
    %shift_right_logical3A_69 = arith.shrui %xor3A_62, %shift_right_logical3A_68 : vector<512x128xi32>
    %or3A_70 = arith.ori %shift_left3A_66, %shift_right_logical3A_69 : vector<512x128xi32>
    %xor3A_71 = arith.xori %or3A_70, %add3A_63 : vector<512x128xi32>
    %add3A_72 = arith.addi %add3A_63, %xor3A_71 : vector<512x128xi32>
    %shift_left3A_73 = arith.constant 16 : i32
    %shift_left3A_74 = vector.broadcast %shift_left3A_73 : i32 to vector<512x128xi32>
    %shift_left3A_75 = arith.shli %xor3A_71, %shift_left3A_74 : vector<512x128xi32>
    %shift_right_logical3A_76 = arith.constant 16 : i32
    %shift_right_logical3A_77 = vector.broadcast %shift_right_logical3A_76 : i32 to vector<512x128xi32>
    %shift_right_logical3A_78 = arith.shrui %xor3A_71, %shift_right_logical3A_77 : vector<512x128xi32>
    %or3A_79 = arith.ori %shift_left3A_75, %shift_right_logical3A_78 : vector<512x128xi32>
    %xor3A_80 = arith.xori %or3A_79, %add3A_72 : vector<512x128xi32>
    %add3A_81 = arith.addi %add3A_72, %xor3A_80 : vector<512x128xi32>
    %shift_left3A_82 = arith.constant 24 : i32
    %shift_left3A_83 = vector.broadcast %shift_left3A_82 : i32 to vector<512x128xi32>
    %shift_left3A_84 = arith.shli %xor3A_80, %shift_left3A_83 : vector<512x128xi32>
    %shift_right_logical3A_85 = arith.constant 8 : i32
    %shift_right_logical3A_86 = vector.broadcast %shift_right_logical3A_85 : i32 to vector<512x128xi32>
    %shift_right_logical3A_87 = arith.shrui %xor3A_80, %shift_right_logical3A_86 : vector<512x128xi32>
    %or3A_88 = arith.ori %shift_left3A_84, %shift_right_logical3A_87 : vector<512x128xi32>
    %xor3A_89 = arith.xori %or3A_88, %add3A_81 : vector<512x128xi32>
    %add3A_90 = arith.constant 466689008 : i32
    %add3A_91 = vector.broadcast %add3A_90 : i32 to vector<512x128xi32>
    %add3A_92 = arith.addi %add3A_81, %add3A_91 : vector<512x128xi32>
    %add3A_93 = arith.constant 0 : i32
    %add3A_94 = arith.constant 2 : i32
    %add3A_95 = arith.addi %add3A_93, %add3A_94 : i32
    %add3A_96 = vector.broadcast %add3A_95 : i32 to vector<512x128xi32>
    %add3A_97 = arith.addi %xor3A_89, %add3A_96 : vector<512x128xi32>
    %add3A_98 = arith.addi %add3A_92, %add3A_97 : vector<512x128xi32>
    %shift_left3A_99 = arith.constant 13 : i32
    %shift_left3A_100 = vector.broadcast %shift_left3A_99 : i32 to vector<512x128xi32>
    %shift_left3A_101 = arith.shli %add3A_97, %shift_left3A_100 : vector<512x128xi32>
    %shift_right_logical3A_102 = arith.constant 19 : i32
    %shift_right_logical3A_103 = vector.broadcast %shift_right_logical3A_102 : i32 to vector<512x128xi32>
    %shift_right_logical3A_104 = arith.shrui %add3A_97, %shift_right_logical3A_103 : vector<512x128xi32>
    %or3A_105 = arith.ori %shift_left3A_101, %shift_right_logical3A_104 : vector<512x128xi32>
    %xor3A_106 = arith.xori %or3A_105, %add3A_98 : vector<512x128xi32>
    %add3A_107 = arith.addi %add3A_98, %xor3A_106 : vector<512x128xi32>
    %shift_left3A_108 = arith.constant 15 : i32
    %shift_left3A_109 = vector.broadcast %shift_left3A_108 : i32 to vector<512x128xi32>
    %shift_left3A_110 = arith.shli %xor3A_106, %shift_left3A_109 : vector<512x128xi32>
    %shift_right_logical3A_111 = arith.constant 17 : i32
    %shift_right_logical3A_112 = vector.broadcast %shift_right_logical3A_111 : i32 to vector<512x128xi32>
    %shift_right_logical3A_113 = arith.shrui %xor3A_106, %shift_right_logical3A_112 : vector<512x128xi32>
    %or3A_114 = arith.ori %shift_left3A_110, %shift_right_logical3A_113 : vector<512x128xi32>
    %xor3A_115 = arith.xori %or3A_114, %add3A_107 : vector<512x128xi32>
    %add3A_116 = arith.addi %add3A_107, %xor3A_115 : vector<512x128xi32>
    %shift_left3A_117 = arith.constant 26 : i32
    %shift_left3A_118 = vector.broadcast %shift_left3A_117 : i32 to vector<512x128xi32>
    %shift_left3A_119 = arith.shli %xor3A_115, %shift_left3A_118 : vector<512x128xi32>
    %shift_right_logical3A_120 = arith.constant 6 : i32
    %shift_right_logical3A_121 = vector.broadcast %shift_right_logical3A_120 : i32 to vector<512x128xi32>
    %shift_right_logical3A_122 = arith.shrui %xor3A_115, %shift_right_logical3A_121 : vector<512x128xi32>
    %or3A_123 = arith.ori %shift_left3A_119, %shift_right_logical3A_122 : vector<512x128xi32>
    %xor3A_124 = arith.xori %or3A_123, %add3A_116 : vector<512x128xi32>
    %add3A_125 = arith.addi %add3A_116, %xor3A_124 : vector<512x128xi32>
    %shift_left3A_126 = arith.constant 6 : i32
    %shift_left3A_127 = vector.broadcast %shift_left3A_126 : i32 to vector<512x128xi32>
    %shift_left3A_128 = arith.shli %xor3A_124, %shift_left3A_127 : vector<512x128xi32>
    %shift_right_logical3A_129 = arith.constant 26 : i32
    %shift_right_logical3A_130 = vector.broadcast %shift_right_logical3A_129 : i32 to vector<512x128xi32>
    %shift_right_logical3A_131 = arith.shrui %xor3A_124, %shift_right_logical3A_130 : vector<512x128xi32>
    %or3A_132 = arith.ori %shift_left3A_128, %shift_right_logical3A_131 : vector<512x128xi32>
    %xor3A_133 = arith.xori %or3A_132, %add3A_125 : vector<512x128xi32>
    %add3A_134 = arith.constant 0 : i32
    %add3A_135 = vector.broadcast %add3A_134 : i32 to vector<512x128xi32>
    %add3A_136 = arith.addi %add3A_125, %add3A_135 : vector<512x128xi32>
    %add3A_137 = arith.constant 42 : i32
    %add3A_138 = arith.constant 3 : i32
    %add3A_139 = arith.addi %add3A_137, %add3A_138 : i32
    %add3A_140 = vector.broadcast %add3A_139 : i32 to vector<512x128xi32>
    %add3A_141 = arith.addi %xor3A_133, %add3A_140 : vector<512x128xi32>
    %add3A_142 = arith.addi %add3A_136, %add3A_141 : vector<512x128xi32>
    %shift_left3A_143 = arith.constant 17 : i32
    %shift_left3A_144 = vector.broadcast %shift_left3A_143 : i32 to vector<512x128xi32>
    %shift_left3A_145 = arith.shli %add3A_141, %shift_left3A_144 : vector<512x128xi32>
    %shift_right_logical3A_146 = arith.constant 15 : i32
    %shift_right_logical3A_147 = vector.broadcast %shift_right_logical3A_146 : i32 to vector<512x128xi32>
    %shift_right_logical3A_148 = arith.shrui %add3A_141, %shift_right_logical3A_147 : vector<512x128xi32>
    %or3A_149 = arith.ori %shift_left3A_145, %shift_right_logical3A_148 : vector<512x128xi32>
    %xor3A_150 = arith.xori %or3A_149, %add3A_142 : vector<512x128xi32>
    %add3A_151 = arith.addi %add3A_142, %xor3A_150 : vector<512x128xi32>
    %shift_left3A_152 = arith.constant 29 : i32
    %shift_left3A_153 = vector.broadcast %shift_left3A_152 : i32 to vector<512x128xi32>
    %shift_left3A_154 = arith.shli %xor3A_150, %shift_left3A_153 : vector<512x128xi32>
    %shift_right_logical3A_155 = arith.constant 3 : i32
    %shift_right_logical3A_156 = vector.broadcast %shift_right_logical3A_155 : i32 to vector<512x128xi32>
    %shift_right_logical3A_157 = arith.shrui %xor3A_150, %shift_right_logical3A_156 : vector<512x128xi32>
    %or3A_158 = arith.ori %shift_left3A_154, %shift_right_logical3A_157 : vector<512x128xi32>
    %xor3A_159 = arith.xori %or3A_158, %add3A_151 : vector<512x128xi32>
    %add3A_160 = arith.addi %add3A_151, %xor3A_159 : vector<512x128xi32>
    %shift_left3A_161 = arith.constant 16 : i32
    %shift_left3A_162 = vector.broadcast %shift_left3A_161 : i32 to vector<512x128xi32>
    %shift_left3A_163 = arith.shli %xor3A_159, %shift_left3A_162 : vector<512x128xi32>
    %shift_right_logical3A_164 = arith.constant 16 : i32
    %shift_right_logical3A_165 = vector.broadcast %shift_right_logical3A_164 : i32 to vector<512x128xi32>
    %shift_right_logical3A_166 = arith.shrui %xor3A_159, %shift_right_logical3A_165 : vector<512x128xi32>
    %or3A_167 = arith.ori %shift_left3A_163, %shift_right_logical3A_166 : vector<512x128xi32>
    %xor3A_168 = arith.xori %or3A_167, %add3A_160 : vector<512x128xi32>
    %add3A_169 = arith.addi %add3A_160, %xor3A_168 : vector<512x128xi32>
    %shift_left3A_170 = arith.constant 24 : i32
    %shift_left3A_171 = vector.broadcast %shift_left3A_170 : i32 to vector<512x128xi32>
    %shift_left3A_172 = arith.shli %xor3A_168, %shift_left3A_171 : vector<512x128xi32>
    %shift_right_logical3A_173 = arith.constant 8 : i32
    %shift_right_logical3A_174 = vector.broadcast %shift_right_logical3A_173 : i32 to vector<512x128xi32>
    %shift_right_logical3A_175 = arith.shrui %xor3A_168, %shift_right_logical3A_174 : vector<512x128xi32>
    %or3A_176 = arith.ori %shift_left3A_172, %shift_right_logical3A_175 : vector<512x128xi32>
    %xor3A_177 = arith.xori %or3A_176, %add3A_169 : vector<512x128xi32>
    %add3A_178 = arith.constant 42 : i32
    %add3A_179 = vector.broadcast %add3A_178 : i32 to vector<512x128xi32>
    %add3A_180 = arith.addi %add3A_169, %add3A_179 : vector<512x128xi32>
    %add3A_181 = arith.constant 466689008 : i32
    %add3A_182 = arith.constant 4 : i32
    %add3A_183 = arith.addi %add3A_181, %add3A_182 : i32
    %add3A_184 = vector.broadcast %add3A_183 : i32 to vector<512x128xi32>
    %add3A_185 = arith.addi %xor3A_177, %add3A_184 : vector<512x128xi32>
    %add3A_186 = arith.addi %add3A_180, %add3A_185 : vector<512x128xi32>
    %shift_left3A_187 = arith.constant 13 : i32
    %shift_left3A_188 = vector.broadcast %shift_left3A_187 : i32 to vector<512x128xi32>
    %shift_left3A_189 = arith.shli %add3A_185, %shift_left3A_188 : vector<512x128xi32>
    %shift_right_logical3A_190 = arith.constant 19 : i32
    %shift_right_logical3A_191 = vector.broadcast %shift_right_logical3A_190 : i32 to vector<512x128xi32>
    %shift_right_logical3A_192 = arith.shrui %add3A_185, %shift_right_logical3A_191 : vector<512x128xi32>
    %or3A_193 = arith.ori %shift_left3A_189, %shift_right_logical3A_192 : vector<512x128xi32>
    %xor3A_194 = arith.xori %or3A_193, %add3A_186 : vector<512x128xi32>
    %add3A_195 = arith.addi %add3A_186, %xor3A_194 : vector<512x128xi32>
    %shift_left3A_196 = arith.constant 15 : i32
    %shift_left3A_197 = vector.broadcast %shift_left3A_196 : i32 to vector<512x128xi32>
    %shift_left3A_198 = arith.shli %xor3A_194, %shift_left3A_197 : vector<512x128xi32>
    %shift_right_logical3A_199 = arith.constant 17 : i32
    %shift_right_logical3A_200 = vector.broadcast %shift_right_logical3A_199 : i32 to vector<512x128xi32>
    %shift_right_logical3A_201 = arith.shrui %xor3A_194, %shift_right_logical3A_200 : vector<512x128xi32>
    %or3A_202 = arith.ori %shift_left3A_198, %shift_right_logical3A_201 : vector<512x128xi32>
    %xor3A_203 = arith.xori %or3A_202, %add3A_195 : vector<512x128xi32>
    %add3A_204 = arith.addi %add3A_195, %xor3A_203 : vector<512x128xi32>
    %shift_left3A_205 = arith.constant 26 : i32
    %shift_left3A_206 = vector.broadcast %shift_left3A_205 : i32 to vector<512x128xi32>
    %shift_left3A_207 = arith.shli %xor3A_203, %shift_left3A_206 : vector<512x128xi32>
    %shift_right_logical3A_208 = arith.constant 6 : i32
    %shift_right_logical3A_209 = vector.broadcast %shift_right_logical3A_208 : i32 to vector<512x128xi32>
    %shift_right_logical3A_210 = arith.shrui %xor3A_203, %shift_right_logical3A_209 : vector<512x128xi32>
    %or3A_211 = arith.ori %shift_left3A_207, %shift_right_logical3A_210 : vector<512x128xi32>
    %xor3A_212 = arith.xori %or3A_211, %add3A_204 : vector<512x128xi32>
    %add3A_213 = arith.addi %add3A_204, %xor3A_212 : vector<512x128xi32>
    %shift_left3A_214 = arith.constant 6 : i32
    %shift_left3A_215 = vector.broadcast %shift_left3A_214 : i32 to vector<512x128xi32>
    %shift_left3A_216 = arith.shli %xor3A_212, %shift_left3A_215 : vector<512x128xi32>
    %shift_right_logical3A_217 = arith.constant 26 : i32
    %shift_right_logical3A_218 = vector.broadcast %shift_right_logical3A_217 : i32 to vector<512x128xi32>
    %shift_right_logical3A_219 = arith.shrui %xor3A_212, %shift_right_logical3A_218 : vector<512x128xi32>
    %or3A_220 = arith.ori %shift_left3A_216, %shift_right_logical3A_219 : vector<512x128xi32>
    %xor3A_221 = arith.xori %or3A_220, %add3A_213 : vector<512x128xi32>
    %add3A_222 = arith.constant 466689008 : i32
    %add3A_223 = vector.broadcast %add3A_222 : i32 to vector<512x128xi32>
    %add3A_224 = arith.addi %add3A_213, %add3A_223 : vector<512x128xi32>
    %add3A_225 = arith.constant 0 : i32
    %add3A_226 = arith.constant 5 : i32
    %add3A_227 = arith.addi %add3A_225, %add3A_226 : i32
    %add3A_228 = vector.broadcast %add3A_227 : i32 to vector<512x128xi32>
    %add3A_229 = arith.addi %xor3A_221, %add3A_228 : vector<512x128xi32>
    %xor3A_230 = arith.xori %add3A_224, %add3A_229 : vector<512x128xi32>
    %shift_right_logical3A_231 = arith.constant 9 : i32
    %shift_right_logical3A_232 = vector.broadcast %shift_right_logical3A_231 : i32 to vector<512x128xi32>
    %shift_right_logical3A_233 = arith.shrui %xor3A_230, %shift_right_logical3A_232 : vector<512x128xi32>
    %ge3A = arith.constant 838861 : i32
    %ge3A_234 = vector.broadcast %ge3A : i32 to vector<512x128xi32>
    %ge3A_235 = arith.cmpi sge, %shift_right_logical3A_233, %ge3A_234 : vector<512x128xi32>
    %get3A = arith.constant 0 : index
    %get3A_236 = vector.load %arg1[%get3A] : memref<65536xf32, #tpu.memory_space<vmem>>, vector<65536xf32>
    %reshape3A = vector.shape_cast %get3A_236 : vector<65536xf32> to vector<512x128xf32>
    %mul3A_237 = arith.constant 1.11111116 : f32
    %mul3A_238 = vector.broadcast %mul3A_237 : f32 to vector<512x128xf32>
    %mul3A_239 = arith.mulf %reshape3A, %mul3A_238 : vector<512x128xf32>
    %jit3A = arith.constant 0.000000e+00 : f32
    %broadcast_in_dim3A_240 = vector.broadcast %jit3A : f32 to vector<512x128xf32>
    %select_n3A = arith.select %ge3A_235, %mul3A_239, %broadcast_in_dim3A_240 : vector<512x128xi1>, vector<512x128xf32>
    %reshape3A_241 = vector.shape_cast %select_n3A : vector<512x128xf32> to vector<65536xf32>
    %swap3A = arith.constant 0 : index
    %swap3A_242 = vector.load %arg2[%swap3A] : memref<65536xf32, #tpu.memory_space<vmem>>, vector<65536xf32>
    tpu.vector_store %arg2[%swap3A], %reshape3A_241 {strides = array<i32>} : memref<65536xf32, #tpu.memory_space<vmem>>, vector<65536xf32>,
    return
  }
  func.func @transform_0(%arg0: i32) -> i32 {
    %c0_i32 = arith.constant 0 : i32
    return %arg0 : i32
  }
  func.func @transform_1(%arg0: i32) -> i32 {
    %c0_i32 = arith.constant 0 : i32
    return %arg0 : i32
  }
}

</mosaic_0001>

<sc_bundles>
// kernel: kernel.5.cloned.1.call-start
scs
__scs_entry_jumppad:
0x0: {  	(pc) =	sbr.rel $0x88, $3  }
0x1: {  	(tag) =	ssettag $0x0;
	lr =	simm.s32 $0x1  }
0x2: {  	[smem:$0x3F9F] =	sst lr;
	_ =	strace $0xD0000000  }
0x3: {  	_ = 	snop  }
0x4: {  	_ = 	snop  }
0x5: {  	_ = 	snop  }
0x6: {  	_ = 	snop  }
0x7: {  	_ = 	snop  }
__scs_overlays_trampoline_lowered:
0x8: {  	[smem:$0x3FAE] =	sst s0  }
0x9: {  	[smem:$0x3FAF] =	sst s1  }
0xa: {  	[smem:$0x3FB0] =	sst s2  }
0xb: {  	[smem:$0x3FB1] =	sst s3  }
0xc: {  	[smem:$0x3FB2] =	sst s4  }
0xd: {  	[smem:$0x3FB3] =	sst s5  }
0xe: {  	[smem:$0x3FB4] =	sst s6  }
0xf: {  	[smem:$0x3FB5] =	sst s7  }
0x10: {  	[smem:$0x3FB6] =	sst s8  }
0x11: {  	[smem:$0x3FB7] =	sst s9;
	s0 =	simm.s32 @!p0 $0x0  }
0x12: {  	s1 =	sld [smem:$0x3F9D];
	s0 =	simm.s32 @p0 $0x1  }
0x13: {  	[smem:$0x3FB8] =	sst s0;
	s0 =	simm.s32 @!p1 $0x0  }
0x14: {  	s2 =	sld [smem:$0x3F9C];
	s0 =	simm.s32 @p1 $0x1  }
0x15: {  	[smem:$0x3FB9] =	sst s0;
	s0 =	simm.s32 @!p2 $0x0  }
0x16: {  	s3 =	sld [smem:$0x3FDB];
	s0 =	simm.s32 @p2 $0x1  }
0x17: {  	s4 =	simm.s32 $0x1BF5;
	[smem:$0x3FBB] =	sst s0  }
0x18: {  	s0 =	sld [smem:$0x3F9E];
	_ =	swait.ge [sflag:s4], $0x0  }
0x19: {  	s7 =	sld [smem:$0x3F9F]  }
0x1a: {  	s8 =	sadd.s32 $0xFFFFE003, lr  }
0x1b: {  	s9 =	sadd.s32 $0xFFFFFEF7, lr;
	s5 =	simm.s32 $0xFFFFFFFF;
	p2 =	slt.u32 s8, $0xFFFFF086  }
0x1c: {  	p1 =	slt.u32 s9, $0xF7A;
	s5 =	simm.s32 @!p2 $0x0  }
0x1d: {  	s5 =	simm.s32 @p1 $0x1;
	p0 =	seq.s32 s7, s2  }
0x1e: {  	s7 =	smul.u32 @!p0 $0xF7A, s2;
	p2 =	seq.s32 @!p0 s5, $0x0  }
0x1f: {  	s9 =	smul.u32 $0xF7A, s1;
	s8 =	simm.s32 @!p0 $0x1BF5;
	p2 =	por !p2, p0  }
0x20: {  	[sflag:s8] =	ssyncset.s32 @!p0 $0xFFFFF086;
	s6 =	sadd.s32 @!p0 s3, s7;
	s7 =	simm.s32 @!p0 $0x108  }
0x21: {  	s3 =	sadd.s32 s3, s9;
	s6 =	sadd.s32 @!p0 $0x88, s6;
	s7 =	simm.s32 @p2 $0x1082  }
0x22: {  	[simem:s7], [sflag:s8] =	dma.local @!p0 [hbm:s6], $0xF7A  }
0x23: {  	s9 =	sor.u32 $0xD0000000, s2;
	s6 =	simm.s32 $0x108;
	_ =	swait.ge @!p0 [sflag:s8], $0x0  }
0x24: {  	s3 =	sadd.s32 $0x88, s3;
	s6 =	simm.s32 @!p1 $0x1082;
	[sflag:s4] =	ssyncset.s32 $0xFFFFF086  }
0x25: {  	[simem:s6], [sflag:s4] =	dma.local [hbm:s3], $0xF7A  }
0x26: {  	[smem:$0x3F9F] =	sst s1;
	(tag) =	ssettag s2;
	_ =	strace s9  }
0x27: {  	s1 =	sld [smem:$0x3FAF]  }
0x28: {  	s2 =	sld [smem:$0x3FB0]  }
0x29: {  	s4 =	sld [smem:$0x3FB2]  }
0x2a: {  	p0 =	seq.s32 s5, $0x0;
	s5 =	sld [smem:$0x3FB3]  }
0x2b: {  	s6 =	sld [smem:$0x3FB4]  }
0x2c: {  	s7 =	sld [smem:$0x3FB5]  }
0x2d: {  	s3 =	simm.s32 $0x108;
	s8 =	sld [smem:$0x3FB6]  }
0x2e: {  	s3 =	simm.s32 @!p0 $0x1082;
	s9 =	sld [smem:$0x3FB7]  }
0x2f: {  	lr =	sadd.s32 s0, s3;
	s0 =	sld [smem:$0x3FAE]  }
0x30: {  	s3 =	sld [smem:$0x3FB1]  }
0x31: {  	[smem:$0x3FBA] =	sst s10  }
0x32: {  	s10 =	sld [smem:$0x3FB8];
	_ =	sdelay $0x3  }
0x33: {  	p0 =	seq.s32 s10, $0x1;
	s10 =	sld [smem:$0x3FBA];
	_ =	sdelay $0x3  }
0x34: {  	[smem:$0x3FBA] =	sst s10  }
0x35: {  	s10 =	sld [smem:$0x3FB9];
	_ =	sdelay $0x3  }
0x36: {  	p1 =	seq.s32 s10, $0x1;
	s10 =	sld [smem:$0x3FBA];
	_ =	sdelay $0x3  }
0x37: {  	[smem:$0x3FBA] =	sst s10  }
0x38: {  	s10 =	sld [smem:$0x3FBB]  }
0x39: {  	_ = 	snop;
	(pc) =	sbr.ind lr, $3  }
0x3a: {  	_ = 	snop  }
0x3b: {  	_ = 	snop  }
0x3c: {  	p2 =	seq.s32 s10, $0x1;
	s10 =	sld [smem:$0x3FBA]  }
0x3d: {  	_ =	shalt  }
0x3e: {  	_ =	shalt  }
0x3f: {  	_ =	shalt  }
0x40: {  	_ =	shalt  }
0x41: {  	_ =	shalt  }
0x42: {  	_ =	shalt  }
0x43: {  	_ =	shalt  }
0x44: {  	_ =	shalt  }
0x45: {  	_ =	shalt  }
0x46: {  	_ =	shalt  }
0x47: {  	_ =	shalt  }
0x48: {  	_ =	shalt  }
0x49: {  	_ =	shalt  }
0x4a: {  	_ =	shalt  }
0x4b: {  	_ =	shalt  }
0x4c: {  	_ =	shalt  }
0x4d: {  	_ =	shalt  }
0x4e: {  	_ =	shalt  }
0x4f: {  	_ =	shalt  }
0x50: {  	_ =	shalt  }
0x51: {  	_ =	shalt  }
0x52: {  	_ =	shalt  }
0x53: {  	_ =	shalt  }
0x54: {  	_ =	shalt  }
0x55: {  	_ =	shalt  }
0x56: {  	_ =	shalt  }
0x57: {  	_ =	shalt  }
0x58: {  	_ =	shalt  }
0x59: {  	_ =	shalt  }
0x5a: {  	_ =	shalt  }
0x5b: {  	_ =	shalt  }
0x5c: {  	_ =	shalt  }
0x5d: {  	_ =	shalt  }
0x5e: {  	_ =	shalt  }
0x5f: {  	_ =	shalt  }
0x60: {  	_ =	shalt  }
0x61: {  	_ =	shalt  }
0x62: {  	_ =	shalt  }
0x63: {  	_ =	shalt  }
0x64: {  	_ =	shalt  }
0x65: {  	_ =	shalt  }
0x66: {  	_ =	shalt  }
0x67: {  	_ =	shalt  }
0x68: {  	_ =	shalt  }
0x69: {  	_ =	shalt  }
0x6a: {  	_ =	shalt  }
0x6b: {  	_ =	shalt  }
0x6c: {  	_ =	shalt  }
0x6d: {  	_ =	shalt  }
0x6e: {  	_ =	shalt  }
0x6f: {  	_ =	shalt  }
0x70: {  	_ =	shalt  }
0x71: {  	_ =	shalt  }
0x72: {  	_ =	shalt  }
0x73: {  	_ =	shalt  }
0x74: {  	_ =	shalt  }
0x75: {  	_ =	shalt  }
0x76: {  	_ =	shalt  }
0x77: {  	_ =	shalt  }
0x78: {  	_ =	shalt  }
0x79: {  	_ =	shalt  }
0x7a: {  	_ =	shalt  }
0x7b: {  	_ =	shalt  }
0x7c: {  	_ =	shalt  }
0x7d: {  	_ =	shalt  }
0x7e: {  	_ =	shalt  }
0x7f: {  	_ =	shalt  }
0x80: {  	_ =	shalt  }
0x81: {  	_ =	shalt  }
0x82: {  	_ =	shalt  }
0x83: {  	_ =	shalt  }
0x84: {  	_ =	shalt  }
0x85: {  	_ =	shalt  }
0x86: {  	_ =	shalt  }
0x87: {  	_ =	shalt  }
.Lfunc_end0:
.L_simem_size_0:
called_computation_lowered:
.L_overlay_start_0:
0x88: {  	s2 =	sld [smem:$0x3FD9]  }
0x89: {  	s3 =	sld [smem:$0x3FFE];
	_ =	sdelay $0x1  }
0x8a: {  	s1 =	srdreg.scid  }
0x8b: {  	s0 =	sand.u32 $0x1, s1  }
0x8c: {  	s15 =	sshll.u32 s0, $0xA;
	s2 =	sadd.s32 s3, s2  }
0x8d: {  	s2 =	sadd.s32 s2, s15  }
0x8e: {  	[smem:$0x3FC6] =	sst s2  }
0x8f: {  	_ = 	snop  }
0x90: {  	s2 =	sld [smem:$0x3FD0];
	_ =	sdelay $0x2  }
0x91: {  	s4 =	simm.s32 $0xA;
	s5 =	simm.s32 $0x10;
	s16 =	sld [smem:$0x3FC9]  }
0x92: {  	[smem:s5], [sflag:s4] =	dma.local [hbm:s2], $0x1  }
0x93: {  	_ =	swait.eq [sflag:s4], $0x1  }
0x94: {  	[sflag:s4] =	ssyncset.done $0x0  }
0x95: {  	[sflag:s4] =	ssyncadd.s32 $0xFFFFFFFF  }
0x96: {  	s17 =	sld [smem:$0x11];
	(tm) =	ssettm $0x1  }
0x97: {  	s18 =	sld [smem:$0x3FFB];
	_ =	sdelay $0x3  }
0x98: {  	_ =	strace s18  }
0x99: {  	s4 =	sld [smem:$0x3FFC];
	_ =	sdelay $0x3  }
0x9a: {  	_ =	strace s4  }
0x9b: {  	s4 =	sld [smem:$0x3FFD];
	_ =	sdelay $0x3  }
0x9c: {  	_ =	strace s4  }
0x9d: {  	_ =	strace $0x8FFFFFFF  }
0x9e: {  	s19 =	sld [smem:$0x3FDB];
	_ =	sdelay $0x1  }
0x9f: {  	s20 =	simm.s32 $_scs_section_size  }
0xa0: {  	s6 =	simm.s32 $_size__tile_overlayer_lowered;
	s7 =	simm.s32 $_tile_overlayer_lowered  }
0xa1: {  	s23 =	simm.s32 $0x1BFF;
	s22 =	sshll.u32 s7, $0x1;
	s4 =	sadd.s32 s20, s19  }
0xa2: {  	s8 =	simm.s32 $0x0;
	s21 =	sshll.u32 s6, $0x1;
	s6 =	sadd.s32 s22, s4  }
0xa3: {  	[timem:s8], [sflag:s23] =	dma.local [hbm:s6], s21  }
0xa4: {  	_ =	swait.ge [sflag:s23], s21  }
0xa5: {  	s5 =	ssub.s32 $0x0, s21;
	[sflag:s23] =	ssyncset.done $0x0  }
0xa6: {  	[sflag:s23] =	ssyncadd.s32 s5;
	_ =	sdelay $0x1  }
0xa7: {  	s24 =	simm.s32 $0x1B8B  }
0xa8: {  	_ =	swait.ge [sflag:s24], $0x1  }
0xa9: {  	[sflag:s24] =	ssyncset.done $0x0  }
0xaa: {  	s25 =	simm.s32 $0x1B8E;
	[sflag:s24] =	ssyncadd.s32 $0xFFFFFFFF  }
0xab: {  	s26 =	simm.s32 $execute0_lowered;
	[smem:$0x3FD2] =	sst s25  }
0xac: {  	s5 =	sshll.u32 s26, $0x1;
	_ =	strace $0x80000046;
	[dreg:$0x1] =	wrdreg $0xFFFFFFFF  }
0xad: {  	s28 =	simm.s32 $_size_execute0_lowered;
	s4 =	sadd.s32 s4, s5;
	[dreg:$0x0] =	wrdreg $0x0  }
0xae: {  	s5 =	sshll.u32 s28, $0x1;
	[dreg:$0x2] =	wrdreg s4  }
0xaf: {  	[dreg:$0x3] =	wrdreg s5  }
0xb0: {  	[dreg:$0x4] =	wrdreg $0xC0  }
0xb1: {  	_ =	task [dreg:s8], $0x5FFFF  }
0xb2: {  	[dreg:$0x1] =	wrdreg $0xFFFFFFFF  }
0xb3: {  	[dreg:$0x0] =	wrdreg $0x60  }
0xb4: {  	[dreg:$0x2] =	wrdreg s16  }
0xb5: {  	[dreg:$0x3] =	wrdreg s17  }
0xb6: {  	[dreg:$0x4] =	wrdreg $0x9  }
0xb7: {  	_ =	task.clear_ibuf [dreg:s8], $0x5FFFF;
	_ =	strace $0x90000046  }
0xb8: {  	s29 =	simm.s32 $0x9;
	_ =	strace $0x80000048  }
0xb9: {  	_ =	swait.ge [sflag:s29], $0x1  }
0xba: {  	[sflag:s29] =	ssyncadd.s32 $0xFFFFFFFF  }
0xbb: {  	_ =	strace $0x90000048  }
0xbc: {  	_ =	sfence  }
0xbd: {  	s30 =	sld [smem:$0x0];
	_ =	sdelay $0x2  }
0xbe: {  	s31 =	sshll.u32 s1, $0xD;
	s1 =	sshrl.u32 s1, $0x2  }
0xbf: {  	s3 =	sand.u32 $0x4000, s31;
	s1 =	sadd.s32 s1, s30  }
0xc0: {  	s0 =	sor.u32 s3, s0;
	s1 =	sshll.u32 s1, $0x11  }
0xc1: {  	s0 =	sor.u32 s1, s0  }
0xc2: {  	s0 =	sadd.s32 $0x8F2B, s0  }
0xc3: {  	[sflag:s0] =	ssyncadd.remote.s32 $0x1  }
0xc4: {  	_ =	sfence.sel $0xFFFF  }
0xc5: {  	[dreg:$0x0] =	wrdreg $0xFFFFFFFF;
	(pc) =	sbr.abs _section_cstart, $3  }
0xc6: {  	[dreg:$0x1] =	wrdreg $0xFFFFFFFF  }
0xc7: {  	_ =	task.clear_ibuf [dreg:s8], $0x2FFFF;
	_ =	strace $0x9FFFFFFF  }
0xc8: {  	(tm) =	ssettm $0x7FFFFFFF  }
0xc9: {  	_ =	shalt  }
tec
execute0_lowered:
.L_overlay_start_1:
0x0: {  	(tag) =	ssettag $0x1  }
0x1: {  	s1 =	rddreg [dreg:$0x0]  }
0x2: {  	s3 =	rddreg [dreg:$0x1]  }
0x3: {  	s0 =	rddreg [dreg:$0x2];
	s5 =	srdreg.scid;
	s4 =	simm.s32 $0x0  }
0x4: {  	s2 =	stileid.u32;
	s12 =	simm.s32 $0x1000;
	s7 =	sand.u32 $0x1, s5  }
0x5: {  	[smem:$0x7FF] =	sst s4;
	s6 =	sshll.u32 s2, $0x1;
	s10 =	sshll.u32 s2, $0xD  }
0x6: {  	s5 =	ssub.s32 $0x2, s7;
	_ =	strace $0x80000047;
	s13 =	sor.u32 s7, s6  }
.Ltmp0:
0x7: {  	s6 =	sadd.s32 $0x51E00, s1;
	s11 =	sshll.u32 s7, $0xC;
	(pc) =	sbr.rel .LBB2_1-.Ltmp0, $4  }
0x8: {  	s7 =	sadd.s32 $0x11E00, s3;
	s8 =	sshrl.u32 s5, $0x1;
	s31 =	ssub.s32 $0xAE, s13  }
0x9: {  	s10 =	sor.u32 s11, s10;
	s11 =	simm.s32 $0x1;
	p0 =	sne.s32 s13, $0xF  }
0xa: {  	v0 =	vlaneseq.u32;
	s9 =	ssub.s32 s5, s8;
	s5 =	sshll.u32 s13, $0xC;
	s8 =	sshrl.u32 s31, $0x5  }
0xb: {  	v0 =	vadd.s32 $0x2A, v0;
	s10 =	sor.u32 $0x200070, s10;
	s13 =	simm.s32 $0x0;
	s9 =	smax.u32 s9, $0x1  }
.LBB2_11:
0xc: {  	s13 =	sadd.s32 $0x1, s13  }
0xd: {  	p1 =	sne.s32 s13, s9  }
.Ltmp1:
0xe: {  	_ = 	snop;
	(pc) =	sbr.rel @!p1 .LBB2_12-.Ltmp1, $1  }
0xf: {  	_ =	sdelay $0x3  }
.LBB2_1:
0x10: {  	s14 =	smov.u32 s10;
	s15 =	simm.s32 $0x0  }
.LBB2_2:
0x11: {  	s16 =	sadd.s32 $0xFFFFFFA0, s14;
	s17 =	sadd.s32 $0xFFFFFFF0, s14;
	v1 =	vadd.s32 s14, v0  }
0x12: {  	s25 =	sadd.s32 $0xFFFFFFB0, s14;
	s26 =	sadd.s32 $0xFFFFFF90, s14;
	v2 =	vadd.s32 s16, v0;
	v3 =	vadd.s32 s17, v0;
	v4 =	vshrl.u32 v1, $0x13  }
0x13: {  	s18 =	sadd.s32 $0xFFFFFFD0, s14;
	s29 =	sadd.s32 $0xFFFFFFE0, s14;
	v5 =	vadd.s32 s25, v0;
	v8 =	vmov s26;
	v9 =	vor.u32 s26, v0  }
0x14: {  	v10 =	vmov s18;
	v11 =	vor.u32 s18, v0;
	v14 =	vadd.s32 s29, v0  }
0x15: {  	v38 =	vshll.u32 v1, $0xD;
	v6 =	vshrl.u32 v3, $0x13;
	v7 =	vshll.u32 v3, $0xD  }
0x16: {  	v32 =	vshll.u32 v9, $0xD;
	v8 =	vshrl.u32 v8, $0x13;
	v33 =	vshrl.u32 v2, $0x13  }
0x17: {  	v17 =	vshll.u32 v2, $0xD;
	v34 =	vshrl.u32 v5, $0x13;
	v6 =	vor.u32 v6, v7  }
0x18: {  	v35 =	vshll.u32 v5, $0xD;
	v36 =	vshll.u32 v11, $0xD;
	v6 =	vxor.u32 v3, v6  }
0x19: {  	v10 =	vshrl.u32 v10, $0x13;
	v12 =	vshrl.u32 v6, $0x11;
	v13 =	vshll.u32 v6, $0xF  }
0x1a: {  	v37 =	vshrl.u32 v14, $0x13;
	v3 =	vadd.s32 v3, v6;
	v6 =	vor.u32 v12, v13  }
0x1b: {  	s28 =	sadd.s32 $0xFFFFFFC0, s14;
	v22 =	vshll.u32 v14, $0xD;
	v4 =	vor.u32 v4, v38;
	v6 =	vxor.u32 v3, v6  }
0x1c: {  	v7 =	vadd.s32 s28, v0;
	v15 =	vshrl.u32 v6, $0x6;
	v16 =	vshll.u32 v6, $0x1A  }
0x1d: {  	v8 =	vor.u32 v8, v32;
	v3 =	vadd.s32 v3, v6;
	v6 =	vor.u32 v15, v16  }
0x1e: {  	v39 =	vor.u32 v33, v17;
	v40 =	vor.u32 v34, v35;
	v6 =	vxor.u32 v3, v6  }
0x1f: {  	v10 =	vor.u32 v10, v36;
	v19 =	vshrl.u32 v6, $0x1A;
	v20 =	vshll.u32 v6, $0x6  }
0x20: {  	v44 =	vor.u32 v37, v22;
	v3 =	vadd.s32 v3, v6;
	v6 =	vor.u32 v19, v20  }
0x21: {  	v4 =	vxor.u32 v1, v4;
	v18 =	vshrl.u32 v7, $0x13;
	v6 =	vxor.u32 v3, v6  }
0x22: {  	v21 =	vshll.u32 v7, $0xD;
	v8 =	vxor.u32 v9, v8;
	v6 =	vadd.s32 $0x1BD11BF1, v6  }
0x23: {  	v3 =	vadd.s32 v6, v3;
	v23 =	vshrl.u32 v6, $0xF;
	v6 =	vshll.u32 v6, $0x11  }
0x24: {  	v10 =	vxor.u32 v11, v10;
	v3 =	vadd.s32 $0x2A, v3;
	v6 =	vor.u32 v23, v6  }
0x25: {  	v61 =	vshrl.u32 v4, $0x11;
	v32 =	vshll.u32 v4, $0xF;
	v6 =	vxor.u32 v3, v6  }
0x26: {  	v4 =	vadd.s32 v1, v4;
	v41 =	vshrl.u32 v6, $0x3;
	v42 =	vshll.u32 v6, $0x1D  }
0x27: {  	v43 =	vor.u32 v18, v21;
	v3 =	vadd.s32 v3, v6;
	v6 =	vor.u32 v41, v42  }
0x28: {  	v50 =	vshrl.u32 v8, $0x11;
	v51 =	vshll.u32 v8, $0xF;
	v6 =	vxor.u32 v3, v6  }
0x29: {  	v59 =	vshrl.u32 v10, $0x11;
	v45 =	vshrl.u32 v6, $0x10;
	v46 =	vshll.u32 v6, $0x10  }
0x2a: {  	v26 =	vshll.u32 v10, $0xF;
	v3 =	vadd.s32 v3, v6;
	v6 =	vor.u32 v45, v46  }
0x2b: {  	v8 =	vadd.s32 v9, v8;
	v10 =	vadd.s32 v11, v10;
	v6 =	vxor.u32 v3, v6  }
0x2c: {  	v38 =	vor.u32 v61, v32;
	v48 =	vshrl.u32 v6, $0x8;
	v49 =	vshll.u32 v6, $0x18  }
0x2d: {  	v12 =	vxor.u32 v2, v39;
	v3 =	vadd.s32 v3, v6;
	v6 =	vor.u32 v48, v49  }
0x2e: {  	v13 =	vxor.u32 v5, v40;
	v47 =	vxor.u32 v7, v43;
	v6 =	vxor.u32 v3, v6  }
0x2f: {  	v17 =	vor.u32 v50, v51;
	v11 =	vxor.u32 v4, v38;
	v6 =	vadd.s32 $0x2, v6  }
0x30: {  	v3 =	vadd.s32 v6, v3;
	v52 =	vshrl.u32 v6, $0x13;
	v6 =	vshll.u32 v6, $0xD  }
0x31: {  	v53 =	vshrl.u32 v12, $0x11;
	v3 =	vadd.s32 $0x1BD11BF0, v3;
	v6 =	vor.u32 v52, v6  }
0x32: {  	v54 =	vshll.u32 v12, $0xF;
	v55 =	vshrl.u32 v13, $0x11;
	v6 =	vxor.u32 v3, v6  }
0x33: {  	v56 =	vshll.u32 v13, $0xF;
	v57 =	vshrl.u32 v6, $0x11;
	v24 =	vshll.u32 v6, $0xF  }
0x34: {  	v25 =	vshrl.u32 v47, $0x11;
	v3 =	vadd.s32 v3, v6;
	v6 =	vor.u32 v57, v24  }
0x35: {  	v58 =	vshll.u32 v47, $0xF;
	v2 =	vadd.s32 v2, v12;
	v6 =	vxor.u32 v3, v6  }
0x36: {  	v5 =	vadd.s32 v5, v13;
	v27 =	vshrl.u32 v6, $0x6;
	v28 =	vshll.u32 v6, $0x1A  }
0x37: {  	v7 =	vadd.s32 v7, v47;
	v3 =	vadd.s32 v3, v6;
	v6 =	vor.u32 v27, v28  }
0x38: {  	v1 =	vxor.u32 v8, v17;
	v4 =	vadd.s32 v4, v11;
	v6 =	vxor.u32 v3, v6  }
0x39: {  	v62 =	vor.u32 v53, v54;
	v30 =	vshrl.u32 v6, $0x1A;
	v31 =	vshll.u32 v6, $0x6  }
0x3a: {  	v63 =	vor.u32 v55, v56;
	v3 =	vadd.s32 v3, v6;
	v6 =	vor.u32 v30, v31  }
0x3b: {  	v8 =	vadd.s32 v8, v1;
	v15 =	vxor.u32 v14, v44;
	v6 =	vxor.u32 v3, v6  }
0x3c: {  	v12 =	vxor.u32 v2, v62;
	v13 =	vxor.u32 v5, v63;
	v6 =	vadd.s32 $0x2D, v6  }
0x3d: {  	v63 =	vshrl.u32 v11, $0x6;
	v34 =	vshrl.u32 v6, $0xF;
	v35 =	vshll.u32 v6, $0x11  }
0x3e: {  	v29 =	vshrl.u32 v15, $0x11;
	v3 =	vadd.s32 v3, v6;
	v6 =	vor.u32 v34, v35  }
0x3f: {  	v60 =	vshll.u32 v15, $0xF;
	v9 =	vadd.s32 v14, v15;
	v6 =	vxor.u32 v3, v6  }
0x40: {  	v50 =	vshrl.u32 v13, $0x6;
	v36 =	vshrl.u32 v6, $0x3;
	v37 =	vshll.u32 v6, $0x1D  }
0x41: {  	v51 =	vshll.u32 v13, $0x1A;
	v3 =	vadd.s32 v3, v6;
	v6 =	vor.u32 v36, v37  }
0x42: {  	v2 =	vadd.s32 v2, v12;
	v33 =	vor.u32 v29, v60;
	v6 =	vxor.u32 v3, v6  }
0x43: {  	v44 =	vxor.u32 v9, v33;
	v39 =	vshrl.u32 v6, $0x10;
	v40 =	vshll.u32 v6, $0x10  }
0x44: {  	v33 =	vshll.u32 v11, $0x1A;
	v3 =	vadd.s32 v3, v6;
	v6 =	vor.u32 v39, v40  }
0x45: {  	v60 =	vshrl.u32 v44, $0x6;
	v61 =	vshll.u32 v44, $0x1A;
	v6 =	vxor.u32 v3, v6  }
0x46: {  	v45 =	vshrl.u32 v1, $0x6;
	v41 =	vshrl.u32 v6, $0x8;
	v42 =	vshll.u32 v6, $0x18  }
0x47: {  	v46 =	vshll.u32 v1, $0x1A;
	v3 =	vadd.s32 v3, v6;
	v6 =	vor.u32 v41, v42  }
0x48: {  	v48 =	vshrl.u32 v12, $0x6;
	v49 =	vshll.u32 v12, $0x1A;
	v6 =	vxor.u32 v3, v6  }
0x49: {  	v16 =	vor.u32 v45, v46;
	v38 =	vor.u32 v48, v49;
	v6 =	vadd.s32 $0x1BD11BF4, v6  }
0x4a: {  	s30 =	sshll.u32 s15, $0x11;
	v3 =	vadd.s32 v6, v3;
	v47 =	vshrl.u32 v6, $0x13;
	v6 =	vshll.u32 v6, $0xD  }
0x4b: {  	s16 =	sor.u32 s5, s30;
	v45 =	vxor.u32 v2, v38;
	v3 =	vadd.s32 $0x2A, v3;
	v6 =	vor.u32 v47, v6  }
0x4c: {  	s31 =	sadd.s32 $0x200000, s16;
	v18 =	vshrl.u32 v45, $0x1A;
	v2 =	vadd.s32 v2, v45;
	v6 =	vxor.u32 v3, v6  }
0x4d: {  	s17 =	sshrl.u32 s31, $0x3;
	v30 =	vor.u32 v25, v58;
	v52 =	vshrl.u32 v6, $0x11;
	v53 =	vshll.u32 v6, $0xF  }
0x4e: {  	s17 =	sadd.s32 s1, s17;
	v31 =	vor.u32 v59, v26;
	v3 =	vadd.s32 v3, v6;
	v6 =	vor.u32 v52, v53  }
0x4f: {  	[tilespmem:s4], [sflag:$0x1] =	stream.linear.gather [hbm4b:s17+s4], $0x1000, $0x38;
	v14 =	vxor.u32 v7, v30;
	v43 =	vxor.u32 v10, v31;
	v6 =	vxor.u32 v3, v6;
	[tilespmem:$0x2000] =	vst v63  }
0x50: {  	_ =	swait.ge [sflag:s11], $0x1000;
	v54 =	vshrl.u32 v14, $0x6;
	v58 =	vshrl.u32 v6, $0x6;
	v59 =	vshll.u32 v6, $0x1A  }
0x51: {  	[sflag:s11] =	ssyncset.done $0x0;
	v55 =	vshll.u32 v14, $0x1A;
	v3 =	vadd.s32 v3, v6;
	v6 =	vor.u32 v58, v59  }
0x52: {  	s17 =	simm.s32 $0x40;
	[sflag:s11] =	ssyncadd.s32 $0xFFFFF000;
	v56 =	vshrl.u32 v43, $0x6;
	v57 =	vshll.u32 v43, $0x1A;
	v6 =	vxor.u32 v3, v6  }
0x53: {  	v62 =	vld [tilespmem:s17+$0x20];
	v39 =	vor.u32 v50, v51;
	v36 =	vshrl.u32 v6, $0x1A;
	v37 =	vshll.u32 v6, $0x6  }
0x54: {  	v50 =	vshll.u32 v45, $0x6;
	v3 =	vadd.s32 v3, v6;
	v6 =	vor.u32 v36, v37  }
0x55: {  	v40 =	vor.u32 v54, v55;
	v18 =	vor.u32 v18, v50;
	v6 =	vxor.u32 v3, v6  }
0x56: {  	v27 =	vxor.u32 v2, v18;
	v3 =	vadd.s32 $0x1BD11BF0, v3;
	v6 =	vadd.s32 $0x5, v6  }
0x57: {  	v41 =	vor.u32 v56, v57;
	v42 =	vor.u32 v60, v61;
	v3 =	vxor.u32 v3, v6  }
0x58: {  	v6 =	vmul.f32 $1.111111160e+00, v62;
	vm0 =	vgt.u32 v3, $0x199999FF;
	v3 =	vadd.s32 v5, v13  }
0x59: {  	v5 =	vadd.s32 v7, v14;
	v7 =	vadd.s32 v9, v44;
	v44 =	vor.u32 v63, v33  }
0x5a: {  	v13 =	vadd.s32 $0x1BD11BF1, v27;
	v1 =	vnsel vm0, $0x0, v6;
	v6 =	vadd.s32 v10, v43  }
0x5b: {  	v43 =	vxor.u32 v8, v16;
	v46 =	vxor.u32 v3, v39;
	v47 =	vxor.u32 v5, v40  }
0x5c: {  	v15 =	vxor.u32 v7, v42;
	v10 =	vxor.u32 v4, v44;
	v2 =	vadd.s32 v13, v2  }
0x5d: {  	v31 =	vshrl.u32 v13, $0xF;
	v13 =	vshll.u32 v13, $0x11;
	v48 =	vxor.u32 v6, v41  }
0x5e: {  	v16 =	vshrl.u32 v43, $0x1A;
	v49 =	vshll.u32 v43, $0x6;
	v51 =	vshrl.u32 v46, $0x1A  }
0x5f: {  	v52 =	vshll.u32 v46, $0x6;
	v53 =	vshrl.u32 v47, $0x1A;
	v54 =	vshll.u32 v47, $0x6  }
0x60: {  	v57 =	vshrl.u32 v15, $0x1A;
	v58 =	vshll.u32 v15, $0x6;
	v59 =	vshrl.u32 v10, $0x1A  }
0x61: {  	v60 =	vshll.u32 v10, $0x6;
	v8 =	vadd.s32 v8, v43;
	v3 =	vadd.s32 v3, v46  }
0x62: {  	v5 =	vadd.s32 v5, v47;
	v7 =	vadd.s32 v7, v15;
	v4 =	vadd.s32 v4, v10  }
0x63: {  	v2 =	vadd.s32 $0x2A, v2;
	v13 =	vor.u32 v31, v13;
	v55 =	vshrl.u32 v48, $0x1A  }
0x64: {  	v56 =	vshll.u32 v48, $0x6;
	v16 =	vor.u32 v16, v49;
	v61 =	vor.u32 v51, v52  }
0x65: {  	v62 =	vor.u32 v53, v54;
	v24 =	vor.u32 v57, v58;
	v6 =	vadd.s32 v6, v48  }
0x66: {  	v25 =	vor.u32 v59, v60;
	v13 =	vxor.u32 v2, v13;
	v63 =	vor.u32 v55, v56  }
0x67: {  	v26 =	vxor.u32 v8, v16;
	v28 =	vxor.u32 v3, v61;
	v29 =	vxor.u32 v5, v62  }
0x68: {  	v15 =	vxor.u32 v7, v24;
	v11 =	vxor.u32 v4, v25;
	v39 =	vshrl.u32 v13, $0x3  }
0x69: {  	v40 =	vshll.u32 v13, $0x1D;
	v2 =	vadd.s32 v2, v13;
	v9 =	vxor.u32 v6, v63  }
0x6a: {  	v12 =	vadd.s32 $0x1BD11BF1, v26;
	v10 =	vadd.s32 $0x1BD11BF1, v28;
	v14 =	vadd.s32 $0x1BD11BF1, v29  }
0x6b: {  	v15 =	vadd.s32 $0x1BD11BF1, v15;
	v11 =	vadd.s32 $0x1BD11BF1, v11;
	v18 =	vor.u32 v39, v40  }
0x6c: {  	v9 =	vadd.s32 $0x1BD11BF1, v9;
	v8 =	vadd.s32 v12, v8;
	v30 =	vshrl.u32 v12, $0xF  }
0x6d: {  	v12 =	vshll.u32 v12, $0x11;
	v3 =	vadd.s32 v10, v3;
	v32 =	vshrl.u32 v10, $0xF  }
0x6e: {  	v10 =	vshll.u32 v10, $0x11;
	v5 =	vadd.s32 v14, v5;
	v33 =	vshrl.u32 v14, $0xF  }
0x6f: {  	v14 =	vshll.u32 v14, $0x11;
	v7 =	vadd.s32 v15, v7;
	v35 =	vshrl.u32 v15, $0xF  }
0x70: {  	v15 =	vshll.u32 v15, $0x11;
	v4 =	vadd.s32 v11, v4;
	v36 =	vshrl.u32 v11, $0xF  }
0x71: {  	v11 =	vshll.u32 v11, $0x11;
	v13 =	vxor.u32 v2, v18;
	v6 =	vadd.s32 v9, v6  }
0x72: {  	v34 =	vshrl.u32 v9, $0xF;
	v9 =	vshll.u32 v9, $0x11;
	v8 =	vadd.s32 $0x2A, v8  }
0x73: {  	v12 =	vor.u32 v30, v12;
	v3 =	vadd.s32 $0x2A, v3;
	v10 =	vor.u32 v32, v10  }
0x74: {  	v5 =	vadd.s32 $0x2A, v5;
	v14 =	vor.u32 v33, v14;
	v7 =	vadd.s32 $0x2A, v7  }
0x75: {  	v15 =	vor.u32 v35, v15;
	v4 =	vadd.s32 $0x2A, v4;
	v11 =	vor.u32 v36, v11  }
0x76: {  	v18 =	vshrl.u32 v13, $0x10;
	v61 =	vshll.u32 v13, $0x10;
	v2 =	vadd.s32 v2, v13  }
0x77: {  	v6 =	vadd.s32 $0x2A, v6;
	v9 =	vor.u32 v34, v9;
	v12 =	vxor.u32 v8, v12  }
0x78: {  	v10 =	vxor.u32 v3, v10;
	v14 =	vxor.u32 v5, v14;
	v15 =	vxor.u32 v7, v15  }
0x79: {  	v11 =	vxor.u32 v4, v11;
	v39 =	vor.u32 v18, v61;
	v9 =	vxor.u32 v6, v9  }
0x7a: {  	v37 =	vshrl.u32 v12, $0x3;
	v38 =	vshll.u32 v12, $0x1D;
	v41 =	vshrl.u32 v10, $0x3  }
0x7b: {  	v42 =	vshll.u32 v10, $0x1D;
	v43 =	vshrl.u32 v14, $0x3;
	v44 =	vshll.u32 v14, $0x1D  }
0x7c: {  	v47 =	vshrl.u32 v15, $0x3;
	v48 =	vshll.u32 v15, $0x1D;
	v49 =	vshrl.u32 v11, $0x3  }
0x7d: {  	v50 =	vshll.u32 v11, $0x1D;
	v8 =	vadd.s32 v8, v12;
	v3 =	vadd.s32 v3, v10  }
0x7e: {  	v5 =	vadd.s32 v5, v14;
	v7 =	vadd.s32 v7, v15;
	v4 =	vadd.s32 v4, v11  }
0x7f: {  	v45 =	vshrl.u32 v9, $0x3;
	v46 =	vshll.u32 v9, $0x1D;
	v16 =	vor.u32 v37, v38  }
0x80: {  	v51 =	vor.u32 v41, v42;
	v52 =	vor.u32 v43, v44;
	v54 =	vor.u32 v47, v48  }
0x81: {  	v6 =	vadd.s32 v6, v9;
	v55 =	vor.u32 v49, v50;
	v47 =	vxor.u32 v2, v39  }
0x82: {  	v53 =	vor.u32 v45, v46;
	v56 =	vxor.u32 v8, v16;
	v57 =	vxor.u32 v3, v51  }
0x83: {  	v14 =	vxor.u32 v5, v52;
	v59 =	vxor.u32 v7, v54;
	v9 =	vxor.u32 v4, v55  }
0x84: {  	v52 =	vshrl.u32 v47, $0x8;
	v2 =	vadd.s32 v2, v47;
	v12 =	vxor.u32 v6, v53  }
0x85: {  	v58 =	vshrl.u32 v56, $0x10;
	v60 =	vshll.u32 v56, $0x10;
	v62 =	vshrl.u32 v57, $0x10  }
0x86: {  	v63 =	vshll.u32 v57, $0x10;
	v32 =	vshrl.u32 v14, $0x10;
	v33 =	vshll.u32 v14, $0x10  }
0x87: {  	v36 =	vshrl.u32 v59, $0x10;
	v37 =	vshll.u32 v59, $0x10;
	v38 =	vshrl.u32 v9, $0x10  }
0x88: {  	v40 =	vshll.u32 v9, $0x10;
	v8 =	vadd.s32 v8, v56;
	v3 =	vadd.s32 v3, v57  }
0x89: {  	v5 =	vadd.s32 v5, v14;
	v7 =	vadd.s32 v7, v59;
	v4 =	vadd.s32 v4, v9  }
0x8a: {  	v53 =	vshll.u32 v47, $0x18;
	v34 =	vshrl.u32 v12, $0x10;
	v35 =	vshll.u32 v12, $0x10  }
0x8b: {  	v15 =	vor.u32 v58, v60;
	v41 =	vor.u32 v62, v63;
	v42 =	vor.u32 v32, v33  }
0x8c: {  	v44 =	vor.u32 v36, v37;
	v6 =	vadd.s32 v6, v12;
	v45 =	vor.u32 v38, v40  }
0x8d: {  	v31 =	vor.u32 v52, v53;
	v43 =	vor.u32 v34, v35;
	v46 =	vxor.u32 v8, v15  }
0x8e: {  	v48 =	vxor.u32 v3, v41;
	v14 =	vxor.u32 v5, v42;
	v10 =	vxor.u32 v7, v44  }
0x8f: {  	v9 =	vxor.u32 v4, v45;
	v38 =	vxor.u32 v2, v31;
	v49 =	vxor.u32 v6, v43  }
0x90: {  	v50 =	vshrl.u32 v46, $0x8;
	v51 =	vshll.u32 v46, $0x18;
	v54 =	vshrl.u32 v48, $0x8  }
0x91: {  	v55 =	vshll.u32 v48, $0x18;
	v56 =	vshrl.u32 v14, $0x8;
	v57 =	vshll.u32 v14, $0x18  }
0x92: {  	v60 =	vshrl.u32 v10, $0x8;
	v61 =	vshll.u32 v10, $0x18;
	v62 =	vshrl.u32 v9, $0x8  }
0x93: {  	v63 =	vshll.u32 v9, $0x18;
	v8 =	vadd.s32 v8, v46;
	v3 =	vadd.s32 v3, v48  }
0x94: {  	v5 =	vadd.s32 v5, v14;
	v7 =	vadd.s32 v7, v10;
	v4 =	vadd.s32 v4, v9  }
0x95: {  	v11 =	vadd.s32 $0x2, v38;
	v58 =	vshrl.u32 v49, $0x8;
	v59 =	vshll.u32 v49, $0x18  }
0x96: {  	v16 =	vor.u32 v50, v51;
	v32 =	vor.u32 v54, v55;
	v33 =	vor.u32 v56, v57  }
0x97: {  	v35 =	vor.u32 v60, v61;
	v6 =	vadd.s32 v6, v49;
	v37 =	vor.u32 v62, v63  }
0x98: {  	v2 =	vadd.s32 v11, v2;
	v44 =	vshrl.u32 v11, $0x13;
	v11 =	vshll.u32 v11, $0xD  }
0x99: {  	v34 =	vor.u32 v58, v59;
	v36 =	vxor.u32 v8, v16;
	v39 =	vxor.u32 v3, v32  }
0x9a: {  	v40 =	vxor.u32 v5, v33;
	v42 =	vxor.u32 v7, v35;
	v9 =	vxor.u32 v4, v37  }
0x9b: {  	v2 =	vadd.s32 $0x1BD11BF0, v2;
	v11 =	vor.u32 v44, v11;
	v41 =	vxor.u32 v6, v34  }
0x9c: {  	v10 =	vadd.s32 $0x2, v36;
	v12 =	vadd.s32 $0x2, v39;
	v13 =	vadd.s32 $0x2, v40  }
0x9d: {  	v15 =	vadd.s32 $0x2, v42;
	v9 =	vadd.s32 $0x2, v9;
	v11 =	vxor.u32 v2, v11  }
0x9e: {  	v14 =	vadd.s32 $0x2, v41;
	v8 =	vadd.s32 v10, v8;
	v43 =	vshrl.u32 v10, $0x13  }
0x9f: {  	v10 =	vshll.u32 v10, $0xD;
	v3 =	vadd.s32 v12, v3;
	v45 =	vshrl.u32 v12, $0x13  }
0xa0: {  	v12 =	vshll.u32 v12, $0xD;
	v5 =	vadd.s32 v13, v5;
	v46 =	vshrl.u32 v13, $0x13  }
0xa1: {  	v13 =	vshll.u32 v13, $0xD;
	v7 =	vadd.s32 v15, v7;
	v48 =	vshrl.u32 v15, $0x13  }
0xa2: {  	v15 =	vshll.u32 v15, $0xD;
	v4 =	vadd.s32 v9, v4;
	v49 =	vshrl.u32 v9, $0x13  }
0xa3: {  	v9 =	vshll.u32 v9, $0xD;
	v52 =	vshrl.u32 v11, $0x11;
	v53 =	vshll.u32 v11, $0xF  }
0xa4: {  	v2 =	vadd.s32 v2, v11;
	v6 =	vadd.s32 v14, v6;
	v47 =	vshrl.u32 v14, $0x13  }
0xa5: {  	v14 =	vshll.u32 v14, $0xD;
	v8 =	vadd.s32 $0x1BD11BF0, v8;
	v10 =	vor.u32 v43, v10  }
0xa6: {  	v3 =	vadd.s32 $0x1BD11BF0, v3;
	v12 =	vor.u32 v45, v12;
	v5 =	vadd.s32 $0x1BD11BF0, v5  }
0xa7: {  	v13 =	vor.u32 v46, v13;
	v7 =	vadd.s32 $0x1BD11BF0, v7;
	v15 =	vor.u32 v48, v15  }
0xa8: {  	v4 =	vadd.s32 $0x1BD11BF0, v4;
	v9 =	vor.u32 v49, v9;
	v30 =	vor.u32 v52, v53  }
0xa9: {  	v6 =	vadd.s32 $0x1BD11BF0, v6;
	v14 =	vor.u32 v47, v14;
	v10 =	vxor.u32 v8, v10  }
0xaa: {  	v12 =	vxor.u32 v3, v12;
	v13 =	vxor.u32 v5, v13;
	v15 =	vxor.u32 v7, v15  }
0xab: {  	v9 =	vxor.u32 v4, v9;
	v11 =	vxor.u32 v2, v30;
	v14 =	vxor.u32 v6, v14  }
0xac: {  	v50 =	vshrl.u32 v10, $0x11;
	v51 =	vshll.u32 v10, $0xF;
	v54 =	vshrl.u32 v12, $0x11  }
0xad: {  	v55 =	vshll.u32 v12, $0xF;
	v56 =	vshrl.u32 v13, $0x11;
	v57 =	vshll.u32 v13, $0xF  }
0xae: {  	v60 =	vshrl.u32 v15, $0x11;
	v61 =	vshll.u32 v15, $0xF;
	v62 =	vshrl.u32 v9, $0x11  }
0xaf: {  	v63 =	vshll.u32 v9, $0xF;
	v8 =	vadd.s32 v8, v10;
	v3 =	vadd.s32 v3, v12  }
0xb0: {  	v5 =	vadd.s32 v5, v13;
	v7 =	vadd.s32 v7, v15;
	v4 =	vadd.s32 v4, v9  }
0xb1: {  	v37 =	vshrl.u32 v11, $0x6;
	v38 =	vshll.u32 v11, $0x1A;
	v2 =	vadd.s32 v2, v11  }
0xb2: {  	v58 =	vshrl.u32 v14, $0x11;
	v59 =	vshll.u32 v14, $0xF;
	v16 =	vor.u32 v50, v51  }
0xb3: {  	v31 =	vor.u32 v54, v55;
	v32 =	vor.u32 v56, v57;
	v34 =	vor.u32 v60, v61  }
0xb4: {  	v6 =	vadd.s32 v6, v14;
	v35 =	vor.u32 v62, v63;
	v18 =	vor.u32 v37, v38  }
0xb5: {  	v33 =	vor.u32 v58, v59;
	v10 =	vxor.u32 v8, v16;
	v12 =	vxor.u32 v3, v31  }
0xb6: {  	v13 =	vxor.u32 v5, v32;
	v15 =	vxor.u32 v7, v34;
	v9 =	vxor.u32 v4, v35  }
0xb7: {  	v55 =	vxor.u32 v2, v18;
	v14 =	vxor.u32 v6, v33;
	v16 =	vshrl.u32 v10, $0x6  }
0xb8: {  	v36 =	vshll.u32 v10, $0x1A;
	v39 =	vshrl.u32 v12, $0x6;
	v40 =	vshll.u32 v12, $0x1A  }
0xb9: {  	v41 =	vshrl.u32 v13, $0x6;
	v42 =	vshll.u32 v13, $0x1A;
	v45 =	vshrl.u32 v15, $0x6  }
0xba: {  	v46 =	vshll.u32 v15, $0x1A;
	v47 =	vshrl.u32 v9, $0x6;
	v48 =	vshll.u32 v9, $0x1A  }
0xbb: {  	v8 =	vadd.s32 v8, v10;
	v3 =	vadd.s32 v3, v12;
	v5 =	vadd.s32 v5, v13  }
0xbc: {  	v7 =	vadd.s32 v7, v15;
	v4 =	vadd.s32 v4, v9;
	v18 =	vshrl.u32 v55, $0x1A  }
0xbd: {  	v61 =	vshll.u32 v55, $0x6;
	v2 =	vadd.s32 v2, v55;
	v43 =	vshrl.u32 v14, $0x6  }
0xbe: {  	v44 =	vshll.u32 v14, $0x1A;
	v16 =	vor.u32 v16, v36;
	v49 =	vor.u32 v39, v40  }
0xbf: {  	v50 =	vor.u32 v41, v42;
	v52 =	vor.u32 v45, v46;
	v6 =	vadd.s32 v6, v14  }
0xc0: {  	v53 =	vor.u32 v47, v48;
	v39 =	vor.u32 v18, v61;
	v51 =	vor.u32 v43, v44  }
0xc1: {  	v54 =	vxor.u32 v8, v16;
	v56 =	vxor.u32 v3, v49;
	v57 =	vxor.u32 v5, v50  }
0xc2: {  	v59 =	vxor.u32 v7, v52;
	v11 =	vxor.u32 v4, v53;
	v47 =	vxor.u32 v2, v39  }
0xc3: {  	v10 =	vxor.u32 v6, v51;
	v58 =	vshrl.u32 v54, $0x1A;
	v60 =	vshll.u32 v54, $0x6  }
0xc4: {  	v62 =	vshrl.u32 v56, $0x1A;
	v63 =	vshll.u32 v56, $0x6;
	v32 =	vshrl.u32 v57, $0x1A  }
0xc5: {  	v33 =	vshll.u32 v57, $0x6;
	v36 =	vshrl.u32 v59, $0x1A;
	v37 =	vshll.u32 v59, $0x6  }
0xc6: {  	v38 =	vshrl.u32 v11, $0x1A;
	v40 =	vshll.u32 v11, $0x6;
	v8 =	vadd.s32 v8, v54  }
0xc7: {  	v3 =	vadd.s32 v3, v56;
	v5 =	vadd.s32 v5, v57;
	v7 =	vadd.s32 v7, v59  }
0xc8: {  	v4 =	vadd.s32 v4, v11;
	v11 =	vadd.s32 $0x2D, v47;
	v34 =	vshrl.u32 v10, $0x1A  }
0xc9: {  	v35 =	vshll.u32 v10, $0x6;
	v15 =	vor.u32 v58, v60;
	v41 =	vor.u32 v62, v63  }
0xca: {  	v42 =	vor.u32 v32, v33;
	v44 =	vor.u32 v36, v37;
	v6 =	vadd.s32 v6, v10  }
0xcb: {  	v45 =	vor.u32 v38, v40;
	v52 =	vshrl.u32 v11, $0xF;
	v53 =	vshll.u32 v11, $0x11  }
0xcc: {  	v2 =	vadd.s32 v2, v11;
	v43 =	vor.u32 v34, v35;
	v46 =	vxor.u32 v8, v15  }
0xcd: {  	v48 =	vxor.u32 v3, v41;
	v14 =	vxor.u32 v5, v42;
	v12 =	vxor.u32 v7, v44  }
0xce: {  	v9 =	vxor.u32 v4, v45;
	v63 =	vor.u32 v52, v53;
	v49 =	vxor.u32 v6, v43  }
0xcf: {  	v10 =	vadd.s32 $0x2D, v46;
	v13 =	vadd.s32 $0x2D, v48;
	v14 =	vadd.s32 $0x2D, v14  }
0xd0: {  	v12 =	vadd.s32 $0x2D, v12;
	v9 =	vadd.s32 $0x2D, v9;
	v36 =	vxor.u32 v2, v63  }
0xd1: {  	v15 =	vadd.s32 $0x2D, v49;
	v50 =	vshrl.u32 v10, $0xF;
	v51 =	vshll.u32 v10, $0x11  }
0xd2: {  	v54 =	vshrl.u32 v13, $0xF;
	v55 =	vshll.u32 v13, $0x11;
	v56 =	vshrl.u32 v14, $0xF  }
0xd3: {  	v57 =	vshll.u32 v14, $0x11;
	v60 =	vshrl.u32 v12, $0xF;
	v61 =	vshll.u32 v12, $0x11  }
0xd4: {  	v62 =	vshrl.u32 v9, $0xF;
	v29 =	vshll.u32 v9, $0x11;
	v8 =	vadd.s32 v8, v10  }
0xd5: {  	v3 =	vadd.s32 v3, v13;
	v5 =	vadd.s32 v5, v14;
	v7 =	vadd.s32 v7, v12  }
0xd6: {  	v4 =	vadd.s32 v4, v9;
	v38 =	vshrl.u32 v36, $0x3;
	v39 =	vshll.u32 v36, $0x1D  }
0xd7: {  	v2 =	vadd.s32 v2, v36;
	v58 =	vshrl.u32 v15, $0xF;
	v59 =	vshll.u32 v15, $0x11  }
0xd8: {  	v16 =	vor.u32 v50, v51;
	v30 =	vor.u32 v54, v55;
	v31 =	vor.u32 v56, v57  }
0xd9: {  	v33 =	vor.u32 v60, v61;
	v6 =	vadd.s32 v6, v15;
	v34 =	vor.u32 v62, v29  }
0xda: {  	v50 =	vor.u32 v38, v39;
	v32 =	vor.u32 v58, v59;
	v35 =	vxor.u32 v8, v16  }
0xdb: {  	v13 =	vxor.u32 v3, v30;
	v14 =	vxor.u32 v5, v31;
	v10 =	vxor.u32 v7, v33  }
0xdc: {  	v9 =	vxor.u32 v4, v34;
	v57 =	vxor.u32 v2, v50;
	v15 =	vxor.u32 v6, v32  }
0xdd: {  	v16 =	vshrl.u32 v35, $0x3;
	v37 =	vshll.u32 v35, $0x1D;
	v40 =	vshrl.u32 v13, $0x3  }
0xde: {  	v41 =	vshll.u32 v13, $0x1D;
	v42 =	vshrl.u32 v14, $0x3;
	v43 =	vshll.u32 v14, $0x1D  }
0xdf: {  	v46 =	vshrl.u32 v10, $0x3;
	v47 =	vshll.u32 v10, $0x1D;
	v48 =	vshrl.u32 v9, $0x3  }
0xe0: {  	v49 =	vshll.u32 v9, $0x1D;
	v8 =	vadd.s32 v8, v35;
	v3 =	vadd.s32 v3, v13  }
0xe1: {  	v5 =	vadd.s32 v5, v14;
	v7 =	vadd.s32 v7, v10;
	v4 =	vadd.s32 v4, v9  }
0xe2: {  	v63 =	vshrl.u32 v57, $0x10;
	v32 =	vshll.u32 v57, $0x10;
	v2 =	vadd.s32 v2, v57  }
0xe3: {  	v44 =	vshrl.u32 v15, $0x3;
	v45 =	vshll.u32 v15, $0x1D;
	v16 =	vor.u32 v16, v37  }
0xe4: {  	v51 =	vor.u32 v40, v41;
	v52 =	vor.u32 v42, v43;
	v54 =	vor.u32 v46, v47  }
0xe5: {  	v6 =	vadd.s32 v6, v15;
	v56 =	vor.u32 v48, v49;
	v18 =	vor.u32 v63, v32  }
0xe6: {  	v53 =	vor.u32 v44, v45;
	v55 =	vxor.u32 v8, v16;
	v58 =	vxor.u32 v3, v51  }
0xe7: {  	v59 =	vxor.u32 v5, v52;
	v61 =	vxor.u32 v7, v54;
	v9 =	vxor.u32 v4, v56  }
0xe8: {  	v49 =	vxor.u32 v2, v18;
	v60 =	vxor.u32 v6, v53;
	v16 =	vshrl.u32 v55, $0x10  }
0xe9: {  	v62 =	vshll.u32 v55, $0x10;
	v33 =	vshrl.u32 v58, $0x10;
	v34 =	vshll.u32 v58, $0x10  }
0xea: {  	v35 =	vshrl.u32 v59, $0x10;
	v36 =	vshll.u32 v59, $0x10;
	v39 =	vshrl.u32 v61, $0x10  }
0xeb: {  	v40 =	vshll.u32 v61, $0x10;
	v41 =	vshrl.u32 v9, $0x10;
	v42 =	vshll.u32 v9, $0x10  }
0xec: {  	v8 =	vadd.s32 v8, v55;
	v3 =	vadd.s32 v3, v58;
	v5 =	vadd.s32 v5, v59  }
0xed: {  	v7 =	vadd.s32 v7, v61;
	v4 =	vadd.s32 v4, v9;
	v18 =	vshrl.u32 v49, $0x8  }
0xee: {  	v55 =	vshll.u32 v49, $0x18;
	v2 =	vadd.s32 v2, v49;
	v37 =	vshrl.u32 v60, $0x10  }
0xef: {  	v38 =	vshll.u32 v60, $0x10;
	v16 =	vor.u32 v16, v62;
	v43 =	vor.u32 v33, v34  }
0xf0: {  	v44 =	vor.u32 v35, v36;
	v46 =	vor.u32 v39, v40;
	v6 =	vadd.s32 v6, v60  }
0xf1: {  	v47 =	vor.u32 v41, v42;
	v33 =	vor.u32 v18, v55;
	v45 =	vor.u32 v37, v38  }
0xf2: {  	v48 =	vxor.u32 v8, v16;
	v50 =	vxor.u32 v3, v43;
	v51 =	vxor.u32 v5, v44  }
0xf3: {  	v53 =	vxor.u32 v7, v46;
	v11 =	vxor.u32 v4, v47;
	v41 =	vxor.u32 v2, v33  }
0xf4: {  	v10 =	vxor.u32 v6, v45;
	v52 =	vshrl.u32 v48, $0x8;
	v54 =	vshll.u32 v48, $0x18  }
0xf5: {  	v56 =	vshrl.u32 v50, $0x8;
	v57 =	vshll.u32 v50, $0x18;
	v58 =	vshrl.u32 v51, $0x8  }
0xf6: {  	v59 =	vshll.u32 v51, $0x18;
	v62 =	vshrl.u32 v53, $0x8;
	v63 =	vshll.u32 v53, $0x18  }
0xf7: {  	v32 =	vshrl.u32 v11, $0x8;
	v34 =	vshll.u32 v11, $0x18;
	v8 =	vadd.s32 v8, v48  }
0xf8: {  	v3 =	vadd.s32 v3, v50;
	v5 =	vadd.s32 v5, v51;
	v7 =	vadd.s32 v7, v53  }
0xf9: {  	v4 =	vadd.s32 v4, v11;
	v11 =	vadd.s32 $0x1BD11BF4, v41;
	v60 =	vshrl.u32 v10, $0x8  }
0xfa: {  	v61 =	vshll.u32 v10, $0x18;
	v15 =	vor.u32 v52, v54;
	v35 =	vor.u32 v56, v57  }
0xfb: {  	v36 =	vor.u32 v58, v59;
	v38 =	vor.u32 v62, v63;
	v6 =	vadd.s32 v6, v10  }
0xfc: {  	v39 =	vor.u32 v32, v34;
	v2 =	vadd.s32 v11, v2;
	v45 =	vshrl.u32 v11, $0x13  }
0xfd: {  	v11 =	vshll.u32 v11, $0xD;
	v37 =	vor.u32 v60, v61;
	v40 =	vxor.u32 v8, v15  }
0xfe: {  	v42 =	vxor.u32 v3, v35;
	v14 =	vxor.u32 v5, v36;
	v12 =	vxor.u32 v7, v38  }
0xff: {  	v9 =	vxor.u32 v4, v39;
	v2 =	vadd.s32 $0x2A, v2;
	v11 =	vor.u32 v45, v11  }
0x100: {  	v43 =	vxor.u32 v6, v37;
	v10 =	vadd.s32 $0x1BD11BF4, v40;
	v13 =	vadd.s32 $0x1BD11BF4, v42  }
0x101: {  	v14 =	vadd.s32 $0x1BD11BF4, v14;
	v12 =	vadd.s32 $0x1BD11BF4, v12;
	v9 =	vadd.s32 $0x1BD11BF4, v9  }
0x102: {  	v11 =	vxor.u32 v2, v11;
	v15 =	vadd.s32 $0x1BD11BF4, v43;
	v8 =	vadd.s32 v10, v8  }
0x103: {  	v44 =	vshrl.u32 v10, $0x13;
	v10 =	vshll.u32 v10, $0xD;
	v3 =	vadd.s32 v13, v3  }
0x104: {  	v46 =	vshrl.u32 v13, $0x13;
	v13 =	vshll.u32 v13, $0xD;
	v5 =	vadd.s32 v14, v5  }
0x105: {  	v47 =	vshrl.u32 v14, $0x13;
	v14 =	vshll.u32 v14, $0xD;
	v7 =	vadd.s32 v12, v7  }
0x106: {  	v49 =	vshrl.u32 v12, $0x13;
	v12 =	vshll.u32 v12, $0xD;
	v4 =	vadd.s32 v9, v4  }
0x107: {  	v50 =	vshrl.u32 v9, $0x13;
	v9 =	vshll.u32 v9, $0xD;
	v53 =	vshrl.u32 v11, $0x11  }
0x108: {  	v54 =	vshll.u32 v11, $0xF;
	v2 =	vadd.s32 v2, v11;
	v6 =	vadd.s32 v15, v6  }
0x109: {  	v48 =	vshrl.u32 v15, $0x13;
	v15 =	vshll.u32 v15, $0xD;
	v8 =	vadd.s32 $0x2A, v8  }
0x10a: {  	v10 =	vor.u32 v44, v10;
	v3 =	vadd.s32 $0x2A, v3;
	v13 =	vor.u32 v46, v13  }
0x10b: {  	v5 =	vadd.s32 $0x2A, v5;
	v14 =	vor.u32 v47, v14;
	v7 =	vadd.s32 $0x2A, v7  }
0x10c: {  	v12 =	vor.u32 v49, v12;
	v4 =	vadd.s32 $0x2A, v4;
	v9 =	vor.u32 v50, v9  }
0x10d: {  	v30 =	vor.u32 v53, v54;
	v6 =	vadd.s32 $0x2A, v6;
	v15 =	vor.u32 v48, v15  }
0x10e: {  	v10 =	vxor.u32 v8, v10;
	v13 =	vxor.u32 v3, v13;
	v14 =	vxor.u32 v5, v14  }
0x10f: {  	v12 =	vxor.u32 v7, v12;
	v9 =	vxor.u32 v4, v9;
	v38 =	vxor.u32 v2, v30  }
0x110: {  	v15 =	vxor.u32 v6, v15;
	v51 =	vshrl.u32 v10, $0x11;
	v52 =	vshll.u32 v10, $0xF  }
0x111: {  	v55 =	vshrl.u32 v13, $0x11;
	v56 =	vshll.u32 v13, $0xF;
	v57 =	vshrl.u32 v14, $0x11  }
0x112: {  	v58 =	vshll.u32 v14, $0xF;
	v61 =	vshrl.u32 v12, $0x11;
	v62 =	vshll.u32 v12, $0xF  }
0x113: {  	v63 =	vshrl.u32 v9, $0x11;
	v31 =	vshll.u32 v9, $0xF;
	v8 =	vadd.s32 v8, v10  }
0x114: {  	v3 =	vadd.s32 v3, v13;
	v5 =	vadd.s32 v5, v14;
	v7 =	vadd.s32 v7, v12  }
0x115: {  	v4 =	vadd.s32 v4, v9;
	v40 =	vshrl.u32 v38, $0x6;
	v41 =	vshll.u32 v38, $0x1A  }
0x116: {  	v2 =	vadd.s32 v2, v38;
	v59 =	vshrl.u32 v15, $0x11;
	v60 =	vshll.u32 v15, $0xF  }
0x117: {  	v16 =	vor.u32 v51, v52;
	v32 =	vor.u32 v55, v56;
	v33 =	vor.u32 v57, v58  }
0x118: {  	v35 =	vor.u32 v61, v62;
	v6 =	vadd.s32 v6, v15;
	v36 =	vor.u32 v63, v31  }
0x119: {  	v52 =	vor.u32 v40, v41;
	v34 =	vor.u32 v59, v60;
	v37 =	vxor.u32 v8, v16  }
0x11a: {  	v13 =	vxor.u32 v3, v32;
	v14 =	vxor.u32 v5, v33;
	v10 =	vxor.u32 v7, v35  }
0x11b: {  	v9 =	vxor.u32 v4, v36;
	v59 =	vxor.u32 v2, v52;
	v15 =	vxor.u32 v6, v34  }
0x11c: {  	v16 =	vshrl.u32 v37, $0x6;
	v39 =	vshll.u32 v37, $0x1A;
	v42 =	vshrl.u32 v13, $0x6  }
0x11d: {  	v43 =	vshll.u32 v13, $0x1A;
	v44 =	vshrl.u32 v14, $0x6;
	v45 =	vshll.u32 v14, $0x1A  }
0x11e: {  	v48 =	vshrl.u32 v10, $0x6;
	v49 =	vshll.u32 v10, $0x1A;
	v50 =	vshrl.u32 v9, $0x6  }
0x11f: {  	v51 =	vshll.u32 v9, $0x1A;
	v8 =	vadd.s32 v8, v37;
	v3 =	vadd.s32 v3, v13  }
0x120: {  	v5 =	vadd.s32 v5, v14;
	v7 =	vadd.s32 v7, v10;
	v4 =	vadd.s32 v4, v9  }
0x121: {  	v32 =	vshrl.u32 v59, $0x1A;
	v33 =	vshll.u32 v59, $0x6;
	v2 =	vadd.s32 v2, v59  }
0x122: {  	v46 =	vshrl.u32 v15, $0x6;
	v47 =	vshll.u32 v15, $0x1A;
	v16 =	vor.u32 v16, v39  }
0x123: {  	v53 =	vor.u32 v42, v43;
	v54 =	vor.u32 v44, v45;
	v56 =	vor.u32 v48, v49  }
0x124: {  	v6 =	vadd.s32 v6, v15;
	v58 =	vor.u32 v50, v51;
	v18 =	vor.u32 v32, v33  }
0x125: {  	v55 =	vor.u32 v46, v47;
	v57 =	vxor.u32 v8, v16;
	v60 =	vxor.u32 v3, v53  }
0x126: {  	v61 =	vxor.u32 v5, v54;
	v63 =	vxor.u32 v7, v56;
	v9 =	vxor.u32 v4, v58  }
0x127: {  	v50 =	vxor.u32 v2, v18;
	v2 =	vadd.s32 $0x1BD11BF0, v2;
	v62 =	vxor.u32 v6, v55  }
0x128: {  	v16 =	vshrl.u32 v57, $0x1A;
	v31 =	vshll.u32 v57, $0x6;
	v34 =	vshrl.u32 v60, $0x1A  }
0x129: {  	v35 =	vshll.u32 v60, $0x6;
	v36 =	vshrl.u32 v61, $0x1A;
	v37 =	vshll.u32 v61, $0x6  }
0x12a: {  	v40 =	vshrl.u32 v63, $0x1A;
	v41 =	vshll.u32 v63, $0x6;
	v42 =	vshrl.u32 v9, $0x1A  }
0x12b: {  	v43 =	vshll.u32 v9, $0x6;
	v8 =	vadd.s32 v8, v57;
	v3 =	vadd.s32 v3, v60  }
0x12c: {  	v5 =	vadd.s32 v5, v61;
	v7 =	vadd.s32 v7, v63;
	v4 =	vadd.s32 v4, v9  }
0x12d: {  	v13 =	vadd.s32 $0x5, v50;
	v38 =	vshrl.u32 v62, $0x1A;
	v39 =	vshll.u32 v62, $0x6  }
0x12e: {  	v16 =	vor.u32 v16, v31;
	v44 =	vor.u32 v34, v35;
	v45 =	vor.u32 v36, v37  }
0x12f: {  	v47 =	vor.u32 v40, v41;
	v6 =	vadd.s32 v6, v62;
	v48 =	vor.u32 v42, v43  }
0x130: {  	v59 =	vld [tilespmem:s17+$0x10];
	v2 =	vxor.u32 v2, v13;
	v46 =	vor.u32 v38, v39;
	v49 =	vxor.u32 v8, v16  }
0x131: {  	v51 =	vld [tilespmem:s17+$0xFFFFFFC0];
	v52 =	vxor.u32 v3, v44;
	v53 =	vxor.u32 v5, v45;
	v55 =	vxor.u32 v7, v47  }
0x132: {  	v54 =	vld [tilespmem:s17+$0xFFFFFFD0];
	v11 =	vxor.u32 v4, v48;
	v8 =	vadd.s32 $0x1BD11BF0, v8;
	v3 =	vadd.s32 $0x1BD11BF0, v3  }
0x133: {  	v56 =	vld [tilespmem:s17+$0xFFFFFFE0];
	v5 =	vadd.s32 $0x1BD11BF0, v5;
	v7 =	vadd.s32 $0x1BD11BF0, v7;
	v4 =	vadd.s32 $0x1BD11BF0, v4  }
0x134: {  	v58 =	vld [tilespmem:s17+$0x0];
	vm2 =	vgt.u32 v2, $0x199999FF;
	v10 =	vxor.u32 v6, v46;
	v12 =	vadd.s32 $0x5, v49  }
0x135: {  	v57 =	vld [tilespmem:s17+$0xFFFFFFF0];
	v14 =	vadd.s32 $0x5, v52;
	v15 =	vadd.s32 $0x5, v53;
	v17 =	vadd.s32 $0x5, v55  }
0x136: {  	v60 =	vld [tilespmem:s17+$0x30];
	v11 =	vadd.s32 $0x5, v11;
	v6 =	vadd.s32 $0x1BD11BF0, v6;
	v9 =	vmul.f32 $1.111111160e+00, v51  }
0x137: {  	v10 =	vadd.s32 $0x5, v10;
	v8 =	vxor.u32 v8, v12;
	v3 =	vxor.u32 v3, v14  }
0x138: {  	v5 =	vxor.u32 v5, v15;
	v7 =	vxor.u32 v7, v17;
	v4 =	vxor.u32 v4, v11  }
0x139: {  	v61 =	vmul.f32 $1.111111160e+00, v56;
	v63 =	vmul.f32 $1.111111160e+00, v58;
	v6 =	vxor.u32 v6, v10  }
0x13a: {  	vm1 =	vgt.u32 v8, $0x199999FF;
	v8 =	vmul.f32 $1.111111160e+00, v54;
	v62 =	vmul.f32 $1.111111160e+00, v57  }
0x13b: {  	vm3 =	vgt.u32 v3, $0x199999FF;
	v3 =	vmul.f32 $1.111111160e+00, v59;
	v2 =	vmul.f32 $1.111111160e+00, v60  }
0x13c: {  	s18 =	simm.s32 $0x1040;
	vm4 =	vgt.u32 v5, $0x199999FF;
	vm0 =	vgt.u32 v7, $0x199999FF;
	vm5 =	vgt.u32 v6, $0x199999FF  }
0x13d: {  	[tilespmem:s18+$0x20] =	vst v1;
	v1 =	vnsel vm1, $0x0, v9;
	vm1 =	vgt.u32 v4, $0x199999FF;
	v6 =	vnsel vm3, $0x0, v61  }
0x13e: {  	s19 =	simm.s32 $0x0;
	s20 =	sadd.s32 $0x80, s14;
	v7 =	vnsel vm2, $0x0, v8;
	[tilespmem:s18+$0xFFFFFFC0] =	vst v1;
	v5 =	vnsel vm4, $0x0, v62;
	v4 =	vnsel vm5, $0x0, v63  }
.LBB2_3:
0x13f: {  	s21 =	sadd.s32 $0xFFFFFFA0, s20;
	s22 =	sadd.s32 $0xFFFFFFF0, s20;
	v1 =	vadd.s32 s20, v0;
	s19 =	sadd.s32 $0x8, s19;
	[tilespmem:s18+$0xFFFFFFD0] =	vst v7;
	v8 =	vnsel vm0, $0x0, v3;
	v9 =	vnsel vm1, $0x0, v2  }
0x140: {  	s23 =	sadd.s32 $0xFFFFFFC0, s20;
	v2 =	vadd.s32 s21, v0;
	s21 =	sadd.s32 $0xFFFFFFB0, s20;
	v10 =	vadd.s32 s22, v0;
	v11 =	vshrl.u32 v1, $0x13;
	p1 =	slt.u32 s19, $0xF8;
	[tilespmem:s18+$0xFFFFFFE0] =	vst v6  }
0x141: {  	s24 =	sadd.s32 $0xFFFFFFE0, s20;
	s22 =	sadd.s32 $0xFFFFFF90, s20;
	v3 =	vadd.s32 s21, v0;
	s21 =	sadd.s32 $0xFFFFFFD0, s20;
	v6 =	vshrl.u32 v10, $0x13;
	v12 =	vshll.u32 v10, $0xD;
	[tilespmem:s18+$0xFFFFFFF0] =	vst v5  }
0x142: {  	v13 =	vmov s22;
	v7 =	vor.u32 s22, v0;
	v5 =	vor.u32 v6, v12;
	[tilespmem:s18+$0x0] =	vst v4  }
0x143: {  	v4 =	vadd.s32 s23, v0;
	v12 =	vmov s21;
	v14 =	vxor.u32 v10, v5;
	[tilespmem:s18+$0x10] =	vst v8  }
0x144: {  	v5 =	vor.u32 s21, v0;
	v8 =	vshrl.u32 v14, $0x11;
	v15 =	vshll.u32 v14, $0xF;
	[tilespmem:s18+$0x30] =	vst v9  }
0x145: {  	v6 =	vadd.s32 s24, v0;
	v9 =	vadd.s32 v10, v14;
	v8 =	vor.u32 v8, v15  }
0x146: {  	v13 =	vshrl.u32 v13, $0x13;
	v10 =	vshll.u32 v7, $0xD;
	v8 =	vxor.u32 v9, v8  }
0x147: {  	v14 =	vshrl.u32 v2, $0x13;
	v15 =	vshrl.u32 v8, $0x6;
	v16 =	vshll.u32 v8, $0x1A  }
0x148: {  	v17 =	vshll.u32 v2, $0xD;
	v8 =	vadd.s32 v9, v8;
	v9 =	vor.u32 v15, v16  }
0x149: {  	v15 =	vshrl.u32 v3, $0x13;
	v16 =	vshll.u32 v3, $0xD;
	v9 =	vxor.u32 v8, v9  }
0x14a: {  	v18 =	vshrl.u32 v4, $0x13;
	v19 =	vshrl.u32 v9, $0x1A;
	v20 =	vshll.u32 v9, $0x6  }
0x14b: {  	v21 =	vshll.u32 v4, $0xD;
	v8 =	vadd.s32 v8, v9;
	v9 =	vor.u32 v19, v20  }
0x14c: {  	v12 =	vshrl.u32 v12, $0x13;
	v19 =	vshll.u32 v5, $0xD;
	v9 =	vxor.u32 v8, v9  }
0x14d: {  	v22 =	vshll.u32 v6, $0xD;
	v20 =	vshrl.u32 v6, $0x13;
	v9 =	vadd.s32 $0x1BD11BF1, v9  }
0x14e: {  	v8 =	vadd.s32 v9, v8;
	v23 =	vshrl.u32 v9, $0xF;
	v9 =	vshll.u32 v9, $0x11  }
0x14f: {  	v8 =	vadd.s32 $0x2A, v8;
	v9 =	vor.u32 v23, v9;
	v23 =	vshll.u32 v1, $0xD  }
0x150: {  	v10 =	vor.u32 v13, v10;
	v13 =	vor.u32 v14, v17;
	v9 =	vxor.u32 v8, v9  }
0x151: {  	v14 =	vor.u32 v15, v16;
	v15 =	vshrl.u32 v9, $0x3;
	v16 =	vshll.u32 v9, $0x1D  }
0x152: {  	v17 =	vor.u32 v18, v21;
	v8 =	vadd.s32 v8, v9;
	v9 =	vor.u32 v15, v16  }
0x153: {  	v12 =	vor.u32 v12, v19;
	v15 =	vor.u32 v20, v22;
	v9 =	vxor.u32 v8, v9  }
0x154: {  	v11 =	vor.u32 v11, v23;
	v16 =	vshrl.u32 v9, $0x10;
	v18 =	vshll.u32 v9, $0x10  }
0x155: {  	v10 =	vxor.u32 v7, v10;
	v8 =	vadd.s32 v8, v9;
	v9 =	vor.u32 v16, v18  }
0x156: {  	v13 =	vxor.u32 v2, v13;
	v14 =	vxor.u32 v3, v14;
	v9 =	vxor.u32 v8, v9  }
0x157: {  	v16 =	vxor.u32 v4, v17;
	v17 =	vshrl.u32 v9, $0x8;
	v18 =	vshll.u32 v9, $0x18  }
0x158: {  	v12 =	vxor.u32 v5, v12;
	v8 =	vadd.s32 v8, v9;
	v9 =	vor.u32 v17, v18  }
0x159: {  	v11 =	vxor.u32 v1, v11;
	v15 =	vxor.u32 v6, v15;
	v9 =	vxor.u32 v8, v9  }
0x15a: {  	v17 =	vshrl.u32 v10, $0x11;
	v18 =	vshll.u32 v10, $0xF;
	v9 =	vadd.s32 $0x2, v9  }
0x15b: {  	v8 =	vadd.s32 v9, v8;
	v19 =	vshrl.u32 v9, $0x13;
	v9 =	vshll.u32 v9, $0xD  }
0x15c: {  	v20 =	vshrl.u32 v13, $0x11;
	v8 =	vadd.s32 $0x1BD11BF0, v8;
	v9 =	vor.u32 v19, v9  }
0x15d: {  	v21 =	vshrl.u32 v14, $0x11;
	v19 =	vshll.u32 v13, $0xF;
	v9 =	vxor.u32 v8, v9  }
0x15e: {  	v22 =	vshll.u32 v14, $0xF;
	v23 =	vshrl.u32 v9, $0x11;
	v24 =	vshll.u32 v9, $0xF  }
0x15f: {  	v25 =	vshrl.u32 v16, $0x11;
	v8 =	vadd.s32 v8, v9;
	v9 =	vor.u32 v23, v24  }
0x160: {  	v23 =	vshll.u32 v16, $0xF;
	v24 =	vshrl.u32 v12, $0x11;
	v9 =	vxor.u32 v8, v9  }
0x161: {  	v26 =	vshll.u32 v12, $0xF;
	v27 =	vshrl.u32 v9, $0x6;
	v28 =	vshll.u32 v9, $0x1A  }
0x162: {  	v29 =	vshrl.u32 v15, $0x11;
	v8 =	vadd.s32 v8, v9;
	v9 =	vor.u32 v27, v28  }
0x163: {  	v27 =	vshll.u32 v15, $0xF;
	v28 =	vshrl.u32 v11, $0x11;
	v9 =	vxor.u32 v8, v9  }
0x164: {  	v32 =	vshll.u32 v11, $0xF;
	v30 =	vshrl.u32 v9, $0x1A;
	v31 =	vshll.u32 v9, $0x6  }
0x165: {  	v17 =	vor.u32 v17, v18;
	v8 =	vadd.s32 v8, v9;
	v9 =	vor.u32 v30, v31  }
0x166: {  	v18 =	vor.u32 v20, v19;
	v19 =	vor.u32 v21, v22;
	v9 =	vxor.u32 v8, v9  }
0x167: {  	v20 =	vor.u32 v25, v23;
	v21 =	vor.u32 v24, v26;
	v9 =	vadd.s32 $0x2D, v9  }
0x168: {  	v22 =	vor.u32 v29, v27;
	v23 =	vshrl.u32 v9, $0xF;
	v24 =	vshll.u32 v9, $0x11  }
0x169: {  	v7 =	vadd.s32 v7, v10;
	v8 =	vadd.s32 v8, v9;
	v9 =	vor.u32 v23, v24  }
0x16a: {  	v10 =	vadd.s32 v2, v13;
	v13 =	vadd.s32 v3, v14;
	v2 =	vxor.u32 v8, v9  }
0x16b: {  	v9 =	vadd.s32 v4, v16;
	v3 =	vshrl.u32 v2, $0x3;
	v4 =	vshll.u32 v2, $0x1D  }
0x16c: {  	v12 =	vadd.s32 v5, v12;
	v2 =	vadd.s32 v8, v2;
	v3 =	vor.u32 v3, v4  }
0x16d: {  	v8 =	vadd.s32 v6, v15;
	v4 =	vor.u32 v28, v32;
	v3 =	vxor.u32 v2, v3  }
0x16e: {  	v11 =	vadd.s32 v1, v11;
	v5 =	vshrl.u32 v3, $0x10;
	v6 =	vshll.u32 v3, $0x10  }
0x16f: {  	v14 =	vxor.u32 v7, v17;
	v1 =	vadd.s32 v2, v3;
	v2 =	vor.u32 v5, v6  }
0x170: {  	v16 =	vxor.u32 v13, v19;
	v15 =	vxor.u32 v10, v18;
	v2 =	vxor.u32 v1, v2  }
0x171: {  	v17 =	vxor.u32 v9, v20;
	v3 =	vshrl.u32 v2, $0x8;
	v5 =	vshll.u32 v2, $0x18  }
0x172: {  	v18 =	vxor.u32 v12, v21;
	v1 =	vadd.s32 v1, v2;
	v2 =	vor.u32 v3, v5  }
0x173: {  	v19 =	vxor.u32 v8, v22;
	v20 =	vxor.u32 v11, v4;
	v2 =	vxor.u32 v1, v2  }
0x174: {  	v4 =	vshll.u32 v14, $0x1A;
	v3 =	vshrl.u32 v14, $0x6;
	v2 =	vadd.s32 $0x1BD11BF4, v2  }
0x175: {  	v1 =	vadd.s32 v2, v1;
	v5 =	vshrl.u32 v2, $0x13;
	v2 =	vshll.u32 v2, $0xD  }
0x176: {  	v6 =	vshrl.u32 v15, $0x6;
	v1 =	vadd.s32 $0x2A, v1;
	v2 =	vor.u32 v5, v2  }
0x177: {  	v21 =	vshrl.u32 v16, $0x6;
	v5 =	vshll.u32 v15, $0x1A;
	v2 =	vxor.u32 v1, v2  }
0x178: {  	v22 =	vshll.u32 v16, $0x1A;
	v23 =	vshrl.u32 v2, $0x11;
	v24 =	vshll.u32 v2, $0xF  }
0x179: {  	v25 =	vshrl.u32 v17, $0x6;
	v1 =	vadd.s32 v1, v2;
	v2 =	vor.u32 v23, v24  }
0x17a: {  	v23 =	vshll.u32 v17, $0x1A;
	v24 =	vshrl.u32 v18, $0x6;
	v2 =	vxor.u32 v1, v2  }
0x17b: {  	v26 =	vshll.u32 v18, $0x1A;
	v27 =	vshrl.u32 v2, $0x6;
	v28 =	vshll.u32 v2, $0x1A  }
0x17c: {  	s17 =	sadd.s32 $0x80, s17;
	v29 =	vshrl.u32 v19, $0x6;
	v30 =	vadd.s32 v1, v2;
	v1 =	vor.u32 v27, v28  }
0x17d: {  	v32 =	vshrl.u32 v20, $0x6;
	v27 =	vshll.u32 v19, $0x1A;
	v28 =	vxor.u32 v30, v1;
	v31 =	vld [tilespmem:s17+$0x20]  }
0x17e: {  	v35 =	vshll.u32 v20, $0x1A;
	v1 =	vld [tilespmem:s17+$0xFFFFFFC0];
	v33 =	vshrl.u32 v28, $0x1A;
	v34 =	vshll.u32 v28, $0x6  }
0x17f: {  	v36 =	vor.u32 v3, v4;
	v28 =	vadd.s32 v30, v28;
	v2 =	vld [tilespmem:s17+$0xFFFFFFD0];
	v4 =	vor.u32 v33, v34  }
0x180: {  	v21 =	vor.u32 v21, v22;
	v30 =	vor.u32 v6, v5;
	v3 =	vld [tilespmem:s17+$0xFFFFFFE0];
	v5 =	vxor.u32 v28, v4  }
0x181: {  	v22 =	vor.u32 v25, v23;
	v6 =	vadd.s32 $0x1BD11BF0, v28;
	v4 =	vld [tilespmem:s17+$0xFFFFFFF0];
	v23 =	vadd.s32 $0x5, v5  }
0x182: {  	v24 =	vor.u32 v24, v26;
	v5 =	vld [tilespmem:s17+$0x0];
	v23 =	vxor.u32 v6, v23;
	v25 =	vmul.f32 $1.111111160e+00, v31  }
0x183: {  	v14 =	vadd.s32 v7, v14;
	v26 =	vor.u32 v29, v27;
	v6 =	vld [tilespmem:s17+$0x10];
	vm0 =	vgt.u32 v23, $0x199999FF  }
0x184: {  	s18 =	sadd.s32 $0x80, s18;
	v13 =	vadd.s32 v13, v16;
	v10 =	vadd.s32 v10, v15;
	v15 =	vnsel vm0, $0x0, v25;
	v7 =	vld [tilespmem:s17+$0x30]  }
0x185: {  	v9 =	vadd.s32 v9, v17;
	v12 =	vadd.s32 v12, v18;
	v8 =	vadd.s32 v8, v19;
	[tilespmem:s18+$0x20] =	vst v15  }
0x186: {  	v11 =	vadd.s32 v11, v20;
	v16 =	vor.u32 v32, v35;
	v15 =	vxor.u32 v14, v36  }
0x187: {  	v18 =	vxor.u32 v13, v21;
	v19 =	vxor.u32 v9, v22;
	v17 =	vxor.u32 v10, v30  }
0x188: {  	v16 =	vxor.u32 v11, v16;
	v20 =	vxor.u32 v12, v24;
	v21 =	vxor.u32 v8, v26  }
0x189: {  	v24 =	vshrl.u32 v17, $0x1A;
	v22 =	vshrl.u32 v15, $0x1A;
	v23 =	vshll.u32 v15, $0x6  }
0x18a: {  	v27 =	vshll.u32 v18, $0x6;
	v26 =	vshrl.u32 v18, $0x1A;
	v25 =	vshll.u32 v17, $0x6  }
0x18b: {  	v29 =	vshll.u32 v19, $0x6;
	v30 =	vshrl.u32 v20, $0x1A;
	v28 =	vshrl.u32 v19, $0x1A  }
0x18c: {  	v32 =	vshrl.u32 v21, $0x1A;
	v33 =	vshll.u32 v21, $0x6;
	v31 =	vshll.u32 v20, $0x6  }
0x18d: {  	v34 =	vshll.u32 v16, $0x6;
	v22 =	vor.u32 v22, v23;
	v23 =	vshrl.u32 v16, $0x1A  }
0x18e: {  	v24 =	vor.u32 v24, v25;
	v25 =	vor.u32 v26, v27;
	v26 =	vor.u32 v28, v29  }
0x18f: {  	v27 =	vor.u32 v32, v33;
	v14 =	vadd.s32 v14, v15;
	v15 =	vor.u32 v30, v31  }
0x190: {  	v13 =	vadd.s32 v13, v18;
	v9 =	vadd.s32 v9, v19;
	v10 =	vadd.s32 v10, v17  }
0x191: {  	v12 =	vadd.s32 v12, v20;
	v8 =	vadd.s32 v8, v21;
	v17 =	vor.u32 v23, v34  }
0x192: {  	v11 =	vadd.s32 v11, v16;
	v19 =	vxor.u32 v10, v24;
	v18 =	vxor.u32 v14, v22  }
0x193: {  	v20 =	vxor.u32 v9, v26;
	v16 =	vxor.u32 v13, v25;
	v15 =	vxor.u32 v12, v15  }
0x194: {  	v21 =	vxor.u32 v8, v27;
	v18 =	vadd.s32 $0x1BD11BF1, v18;
	v17 =	vxor.u32 v11, v17  }
0x195: {  	v19 =	vadd.s32 $0x1BD11BF1, v19;
	v20 =	vadd.s32 $0x1BD11BF1, v20;
	v16 =	vadd.s32 $0x1BD11BF1, v16  }
0x196: {  	v21 =	vadd.s32 $0x1BD11BF1, v21;
	v15 =	vadd.s32 $0x1BD11BF1, v15;
	v17 =	vadd.s32 $0x1BD11BF1, v17  }
0x197: {  	v14 =	vadd.s32 v18, v14;
	v22 =	vshrl.u32 v18, $0xF;
	v18 =	vshll.u32 v18, $0x11  }
0x198: {  	v10 =	vadd.s32 v19, v10;
	v23 =	vshrl.u32 v19, $0xF;
	v19 =	vshll.u32 v19, $0x11  }
0x199: {  	v13 =	vadd.s32 v16, v13;
	v24 =	vshrl.u32 v16, $0xF;
	v16 =	vshll.u32 v16, $0x11  }
0x19a: {  	v9 =	vadd.s32 v20, v9;
	v25 =	vshrl.u32 v20, $0xF;
	v20 =	vshll.u32 v20, $0x11  }
0x19b: {  	v12 =	vadd.s32 v15, v12;
	v26 =	vshrl.u32 v15, $0xF;
	v15 =	vshll.u32 v15, $0x11  }
0x19c: {  	v8 =	vadd.s32 v21, v8;
	v27 =	vshrl.u32 v21, $0xF;
	v21 =	vshll.u32 v21, $0x11  }
0x19d: {  	v11 =	vadd.s32 v17, v11;
	v28 =	vshrl.u32 v17, $0xF;
	v17 =	vshll.u32 v17, $0x11  }
0x19e: {  	v10 =	vadd.s32 $0x2A, v10;
	v14 =	vadd.s32 $0x2A, v14;
	v18 =	vor.u32 v22, v18  }
0x19f: {  	v19 =	vor.u32 v23, v19;
	v13 =	vadd.s32 $0x2A, v13;
	v16 =	vor.u32 v24, v16  }
0x1a0: {  	v9 =	vadd.s32 $0x2A, v9;
	v20 =	vor.u32 v25, v20;
	v12 =	vadd.s32 $0x2A, v12  }
0x1a1: {  	v8 =	vadd.s32 $0x2A, v8;
	v21 =	vor.u32 v27, v21;
	v15 =	vor.u32 v26, v15  }
0x1a2: {  	v18 =	vxor.u32 v14, v18;
	v11 =	vadd.s32 $0x2A, v11;
	v17 =	vor.u32 v28, v17  }
0x1a3: {  	v19 =	vxor.u32 v10, v19;
	v20 =	vxor.u32 v9, v20;
	v16 =	vxor.u32 v13, v16  }
0x1a4: {  	v21 =	vxor.u32 v8, v21;
	v15 =	vxor.u32 v12, v15;
	v17 =	vxor.u32 v11, v17  }
0x1a5: {  	v24 =	vshrl.u32 v19, $0x3;
	v22 =	vshrl.u32 v18, $0x3;
	v23 =	vshll.u32 v18, $0x1D  }
0x1a6: {  	v25 =	vshll.u32 v19, $0x1D;
	v26 =	vshrl.u32 v16, $0x3;
	v27 =	vshll.u32 v16, $0x1D  }
0x1a7: {  	v29 =	vshll.u32 v20, $0x1D;
	v28 =	vshrl.u32 v20, $0x3;
	v30 =	vshrl.u32 v15, $0x3  }
0x1a8: {  	v32 =	vshrl.u32 v21, $0x3;
	v33 =	vshll.u32 v21, $0x1D;
	v31 =	vshll.u32 v15, $0x1D  }
0x1a9: {  	v22 =	vor.u32 v22, v23;
	v23 =	vshrl.u32 v17, $0x3;
	v34 =	vshll.u32 v17, $0x1D  }
0x1aa: {  	v24 =	vor.u32 v24, v25;
	v25 =	vor.u32 v26, v27;
	v26 =	vor.u32 v28, v29  }
0x1ab: {  	v14 =	vadd.s32 v14, v18;
	v18 =	vor.u32 v30, v31;
	v27 =	vor.u32 v32, v33  }
0x1ac: {  	v10 =	vadd.s32 v10, v19;
	v9 =	vadd.s32 v9, v20;
	v13 =	vadd.s32 v13, v16  }
0x1ad: {  	v8 =	vadd.s32 v8, v21;
	v12 =	vadd.s32 v12, v15;
	v15 =	vor.u32 v23, v34  }
0x1ae: {  	v19 =	vxor.u32 v10, v24;
	v11 =	vadd.s32 v11, v17;
	v16 =	vxor.u32 v14, v22  }
0x1af: {  	v17 =	vxor.u32 v13, v25;
	v20 =	vxor.u32 v9, v26;
	v18 =	vxor.u32 v12, v18  }
0x1b0: {  	v22 =	vxor.u32 v8, v27;
	v21 =	vshrl.u32 v16, $0x10;
	v15 =	vxor.u32 v11, v15  }
0x1b1: {  	v24 =	vshrl.u32 v19, $0x10;
	v25 =	vshll.u32 v19, $0x10;
	v23 =	vshll.u32 v16, $0x10  }
0x1b2: {  	v26 =	vshrl.u32 v17, $0x10;
	v27 =	vshll.u32 v17, $0x10;
	v28 =	vshrl.u32 v20, $0x10  }
0x1b3: {  	v29 =	vshll.u32 v20, $0x10;
	v30 =	vshrl.u32 v18, $0x10;
	v31 =	vshll.u32 v18, $0x10  }
0x1b4: {  	v32 =	vshrl.u32 v22, $0x10;
	v33 =	vshll.u32 v22, $0x10;
	v34 =	vshrl.u32 v15, $0x10  }
0x1b5: {  	v21 =	vor.u32 v21, v23;
	v23 =	vor.u32 v24, v25;
	v24 =	vshll.u32 v15, $0x10  }
0x1b6: {  	v25 =	vor.u32 v26, v27;
	v26 =	vor.u32 v28, v29;
	v27 =	vor.u32 v30, v31  }
0x1b7: {  	v10 =	vadd.s32 v10, v19;
	v14 =	vadd.s32 v14, v16;
	v16 =	vor.u32 v32, v33  }
0x1b8: {  	v13 =	vadd.s32 v13, v17;
	v9 =	vadd.s32 v9, v20;
	v12 =	vadd.s32 v12, v18  }
0x1b9: {  	v8 =	vadd.s32 v8, v22;
	v11 =	vadd.s32 v11, v15;
	v15 =	vor.u32 v34, v24  }
0x1ba: {  	v17 =	vxor.u32 v14, v21;
	v18 =	vxor.u32 v10, v23;
	v19 =	vxor.u32 v13, v25  }
0x1bb: {  	v20 =	vxor.u32 v9, v26;
	v21 =	vxor.u32 v12, v27;
	v16 =	vxor.u32 v8, v16  }
0x1bc: {  	v22 =	vshrl.u32 v17, $0x8;
	v23 =	vshll.u32 v17, $0x18;
	v15 =	vxor.u32 v11, v15  }
0x1bd: {  	v24 =	vshrl.u32 v18, $0x8;
	v25 =	vshll.u32 v18, $0x18;
	v26 =	vshrl.u32 v19, $0x8  }
0x1be: {  	v27 =	vshll.u32 v19, $0x18;
	v28 =	vshrl.u32 v20, $0x8;
	v29 =	vshll.u32 v20, $0x18  }
0x1bf: {  	v30 =	vshrl.u32 v21, $0x8;
	v31 =	vshll.u32 v21, $0x18;
	v32 =	vshrl.u32 v16, $0x8  }
0x1c0: {  	v33 =	vshll.u32 v16, $0x18;
	v34 =	vshrl.u32 v15, $0x8;
	v35 =	vshll.u32 v15, $0x18  }
0x1c1: {  	v22 =	vor.u32 v22, v23;
	v23 =	vor.u32 v24, v25;
	v24 =	vor.u32 v26, v27  }
0x1c2: {  	v25 =	vor.u32 v28, v29;
	v26 =	vor.u32 v30, v31;
	v27 =	vor.u32 v32, v33  }
0x1c3: {  	v14 =	vadd.s32 v14, v17;
	v10 =	vadd.s32 v10, v18;
	v13 =	vadd.s32 v13, v19  }
0x1c4: {  	v9 =	vadd.s32 v9, v20;
	v12 =	vadd.s32 v12, v21;
	v8 =	vadd.s32 v8, v16  }
0x1c5: {  	v11 =	vadd.s32 v11, v15;
	v16 =	vxor.u32 v14, v22;
	v15 =	vor.u32 v34, v35  }
0x1c6: {  	v17 =	vxor.u32 v10, v23;
	v18 =	vxor.u32 v13, v24;
	v19 =	vxor.u32 v9, v25  }
0x1c7: {  	v20 =	vxor.u32 v12, v26;
	v21 =	vxor.u32 v8, v27;
	v15 =	vxor.u32 v11, v15  }
0x1c8: {  	v16 =	vadd.s32 $0x2, v16;
	v17 =	vadd.s32 $0x2, v17;
	v18 =	vadd.s32 $0x2, v18  }
0x1c9: {  	v19 =	vadd.s32 $0x2, v19;
	v20 =	vadd.s32 $0x2, v20;
	v21 =	vadd.s32 $0x2, v21  }
0x1ca: {  	v14 =	vadd.s32 v16, v14;
	v22 =	vshrl.u32 v16, $0x13;
	v15 =	vadd.s32 $0x2, v15  }
0x1cb: {  	v16 =	vshll.u32 v16, $0xD;
	v10 =	vadd.s32 v17, v10;
	v23 =	vshrl.u32 v17, $0x13  }
0x1cc: {  	v17 =	vshll.u32 v17, $0xD;
	v13 =	vadd.s32 v18, v13;
	v24 =	vshrl.u32 v18, $0x13  }
0x1cd: {  	v18 =	vshll.u32 v18, $0xD;
	v9 =	vadd.s32 v19, v9;
	v25 =	vshrl.u32 v19, $0x13  }
0x1ce: {  	v19 =	vshll.u32 v19, $0xD;
	v12 =	vadd.s32 v20, v12;
	v26 =	vshrl.u32 v20, $0x13  }
0x1cf: {  	v20 =	vshll.u32 v20, $0xD;
	v8 =	vadd.s32 v21, v8;
	v27 =	vshrl.u32 v21, $0x13  }
0x1d0: {  	v21 =	vshll.u32 v21, $0xD;
	v11 =	vadd.s32 v15, v11;
	v28 =	vshrl.u32 v15, $0x13  }
0x1d1: {  	v14 =	vadd.s32 $0x1BD11BF0, v14;
	v16 =	vor.u32 v22, v16;
	v15 =	vshll.u32 v15, $0xD  }
0x1d2: {  	v10 =	vadd.s32 $0x1BD11BF0, v10;
	v17 =	vor.u32 v23, v17;
	v13 =	vadd.s32 $0x1BD11BF0, v13  }
0x1d3: {  	v18 =	vor.u32 v24, v18;
	v9 =	vadd.s32 $0x1BD11BF0, v9;
	v19 =	vor.u32 v25, v19  }
0x1d4: {  	v12 =	vadd.s32 $0x1BD11BF0, v12;
	v20 =	vor.u32 v26, v20;
	v8 =	vadd.s32 $0x1BD11BF0, v8  }
0x1d5: {  	v21 =	vor.u32 v27, v21;
	v11 =	vadd.s32 $0x1BD11BF0, v11;
	v15 =	vor.u32 v28, v15  }
0x1d6: {  	v16 =	vxor.u32 v14, v16;
	v17 =	vxor.u32 v10, v17;
	v18 =	vxor.u32 v13, v18  }
0x1d7: {  	v19 =	vxor.u32 v9, v19;
	v20 =	vxor.u32 v12, v20;
	v21 =	vxor.u32 v8, v21  }
0x1d8: {  	v22 =	vshrl.u32 v16, $0x11;
	v23 =	vshll.u32 v16, $0xF;
	v15 =	vxor.u32 v11, v15  }
0x1d9: {  	v24 =	vshrl.u32 v17, $0x11;
	v25 =	vshll.u32 v17, $0xF;
	v26 =	vshrl.u32 v18, $0x11  }
0x1da: {  	v27 =	vshll.u32 v18, $0xF;
	v28 =	vshrl.u32 v19, $0x11;
	v29 =	vshll.u32 v19, $0xF  }
0x1db: {  	v30 =	vshrl.u32 v20, $0x11;
	v31 =	vshll.u32 v20, $0xF;
	v32 =	vshrl.u32 v21, $0x11  }
0x1dc: {  	v33 =	vshll.u32 v21, $0xF;
	v34 =	vshrl.u32 v15, $0x11;
	v35 =	vshll.u32 v15, $0xF  }
0x1dd: {  	v22 =	vor.u32 v22, v23;
	v23 =	vor.u32 v24, v25;
	v24 =	vor.u32 v26, v27  }
0x1de: {  	v25 =	vor.u32 v28, v29;
	v26 =	vor.u32 v30, v31;
	v27 =	vor.u32 v32, v33  }
0x1df: {  	v14 =	vadd.s32 v14, v16;
	v10 =	vadd.s32 v10, v17;
	v13 =	vadd.s32 v13, v18  }
0x1e0: {  	v9 =	vadd.s32 v9, v19;
	v12 =	vadd.s32 v12, v20;
	v8 =	vadd.s32 v8, v21  }
0x1e1: {  	v11 =	vadd.s32 v11, v15;
	v16 =	vxor.u32 v14, v22;
	v15 =	vor.u32 v34, v35  }
0x1e2: {  	v17 =	vxor.u32 v10, v23;
	v18 =	vxor.u32 v13, v24;
	v19 =	vxor.u32 v9, v25  }
0x1e3: {  	v20 =	vxor.u32 v12, v26;
	v21 =	vxor.u32 v8, v27;
	v15 =	vxor.u32 v11, v15  }
0x1e4: {  	v22 =	vshrl.u32 v16, $0x6;
	v23 =	vshll.u32 v16, $0x1A;
	v24 =	vshrl.u32 v17, $0x6  }
0x1e5: {  	v25 =	vshll.u32 v17, $0x1A;
	v26 =	vshrl.u32 v18, $0x6;
	v27 =	vshll.u32 v18, $0x1A  }
0x1e6: {  	v28 =	vshrl.u32 v19, $0x6;
	v29 =	vshll.u32 v19, $0x1A;
	v30 =	vshrl.u32 v20, $0x6  }
0x1e7: {  	v31 =	vshll.u32 v20, $0x1A;
	v32 =	vshrl.u32 v21, $0x6;
	v33 =	vshll.u32 v21, $0x1A  }
0x1e8: {  	v22 =	vor.u32 v22, v23;
	v23 =	vshrl.u32 v15, $0x6;
	v34 =	vshll.u32 v15, $0x1A  }
0x1e9: {  	v24 =	vor.u32 v24, v25;
	v25 =	vor.u32 v26, v27;
	v26 =	vor.u32 v28, v29  }
0x1ea: {  	v14 =	vadd.s32 v14, v16;
	v16 =	vor.u32 v30, v31;
	v27 =	vor.u32 v32, v33  }
0x1eb: {  	v10 =	vadd.s32 v10, v17;
	v13 =	vadd.s32 v13, v18;
	v9 =	vadd.s32 v9, v19  }
0x1ec: {  	v12 =	vadd.s32 v12, v20;
	v8 =	vadd.s32 v8, v21;
	v17 =	vor.u32 v23, v34  }
0x1ed: {  	v11 =	vadd.s32 v11, v15;
	v18 =	vxor.u32 v14, v22;
	v19 =	vxor.u32 v10, v24  }
0x1ee: {  	v15 =	vxor.u32 v13, v25;
	v20 =	vxor.u32 v9, v26;
	v16 =	vxor.u32 v12, v16  }
0x1ef: {  	v22 =	vxor.u32 v8, v27;
	v21 =	vshrl.u32 v18, $0x1A;
	v17 =	vxor.u32 v11, v17  }
0x1f0: {  	v23 =	vshll.u32 v18, $0x6;
	v24 =	vshrl.u32 v19, $0x1A;
	v25 =	vshll.u32 v19, $0x6  }
0x1f1: {  	v26 =	vshrl.u32 v15, $0x1A;
	v27 =	vshll.u32 v15, $0x6;
	v28 =	vshrl.u32 v20, $0x1A  }
0x1f2: {  	v29 =	vshll.u32 v20, $0x6;
	v30 =	vshrl.u32 v16, $0x1A;
	v31 =	vshll.u32 v16, $0x6  }
0x1f3: {  	v32 =	vshrl.u32 v22, $0x1A;
	v33 =	vshll.u32 v22, $0x6;
	v34 =	vshrl.u32 v17, $0x1A  }
0x1f4: {  	v21 =	vor.u32 v21, v23;
	v23 =	vor.u32 v24, v25;
	v24 =	vshll.u32 v17, $0x6  }
0x1f5: {  	v25 =	vor.u32 v26, v27;
	v26 =	vor.u32 v28, v29;
	v27 =	vor.u32 v30, v31  }
0x1f6: {  	v14 =	vadd.s32 v14, v18;
	v10 =	vadd.s32 v10, v19;
	v18 =	vor.u32 v32, v33  }
0x1f7: {  	v13 =	vadd.s32 v13, v15;
	v9 =	vadd.s32 v9, v20;
	v12 =	vadd.s32 v12, v16  }
0x1f8: {  	v8 =	vadd.s32 v8, v22;
	v11 =	vadd.s32 v11, v17;
	v15 =	vor.u32 v34, v24  }
0x1f9: {  	v16 =	vxor.u32 v14, v21;
	v17 =	vxor.u32 v10, v23;
	v19 =	vxor.u32 v13, v25  }
0x1fa: {  	v20 =	vxor.u32 v9, v26;
	v21 =	vxor.u32 v12, v27;
	v18 =	vxor.u32 v8, v18  }
0x1fb: {  	v16 =	vadd.s32 $0x2D, v16;
	v17 =	vadd.s32 $0x2D, v17;
	v15 =	vxor.u32 v11, v15  }
0x1fc: {  	v19 =	vadd.s32 $0x2D, v19;
	v20 =	vadd.s32 $0x2D, v20;
	v21 =	vadd.s32 $0x2D, v21  }
0x1fd: {  	v18 =	vadd.s32 $0x2D, v18;
	v22 =	vshrl.u32 v16, $0xF;
	v15 =	vadd.s32 $0x2D, v15  }
0x1fe: {  	v23 =	vshll.u32 v16, $0x11;
	v24 =	vshrl.u32 v17, $0xF;
	v25 =	vshll.u32 v17, $0x11  }
0x1ff: {  	v26 =	vshrl.u32 v19, $0xF;
	v27 =	vshll.u32 v19, $0x11;
	v28 =	vshrl.u32 v20, $0xF  }
0x200: {  	v29 =	vshll.u32 v20, $0x11;
	v30 =	vshrl.u32 v21, $0xF;
	v31 =	vshll.u32 v21, $0x11  }
0x201: {  	v32 =	vshrl.u32 v18, $0xF;
	v33 =	vshll.u32 v18, $0x11;
	v34 =	vshrl.u32 v15, $0xF  }
0x202: {  	v22 =	vor.u32 v22, v23;
	v23 =	vor.u32 v24, v25;
	v24 =	vshll.u32 v15, $0x11  }
0x203: {  	v25 =	vor.u32 v26, v27;
	v26 =	vor.u32 v28, v29;
	v27 =	vor.u32 v30, v31  }
0x204: {  	v14 =	vadd.s32 v14, v16;
	v10 =	vadd.s32 v10, v17;
	v16 =	vor.u32 v32, v33  }
0x205: {  	v13 =	vadd.s32 v13, v19;
	v9 =	vadd.s32 v9, v20;
	v12 =	vadd.s32 v12, v21  }
0x206: {  	v8 =	vadd.s32 v8, v18;
	v11 =	vadd.s32 v11, v15;
	v15 =	vor.u32 v34, v24  }
0x207: {  	v17 =	vxor.u32 v14, v22;
	v18 =	vxor.u32 v10, v23;
	v19 =	vxor.u32 v13, v25  }
0x208: {  	v20 =	vxor.u32 v9, v26;
	v21 =	vxor.u32 v12, v27;
	v16 =	vxor.u32 v8, v16  }
0x209: {  	v22 =	vshrl.u32 v17, $0x3;
	v23 =	vshll.u32 v17, $0x1D;
	v15 =	vxor.u32 v11, v15  }
0x20a: {  	v24 =	vshrl.u32 v18, $0x3;
	v25 =	vshll.u32 v18, $0x1D;
	v26 =	vshrl.u32 v19, $0x3  }
0x20b: {  	v27 =	vshll.u32 v19, $0x1D;
	v28 =	vshrl.u32 v20, $0x3;
	v29 =	vshll.u32 v20, $0x1D  }
0x20c: {  	v30 =	vshrl.u32 v21, $0x3;
	v31 =	vshll.u32 v21, $0x1D;
	v32 =	vshrl.u32 v16, $0x3  }
0x20d: {  	v33 =	vshll.u32 v16, $0x1D;
	v34 =	vshrl.u32 v15, $0x3;
	v35 =	vshll.u32 v15, $0x1D  }
0x20e: {  	v22 =	vor.u32 v22, v23;
	v23 =	vor.u32 v24, v25;
	v24 =	vor.u32 v26, v27  }
0x20f: {  	v25 =	vor.u32 v28, v29;
	v26 =	vor.u32 v30, v31;
	v27 =	vor.u32 v32, v33  }
0x210: {  	v14 =	vadd.s32 v14, v17;
	v10 =	vadd.s32 v10, v18;
	v13 =	vadd.s32 v13, v19  }
0x211: {  	v9 =	vadd.s32 v9, v20;
	v12 =	vadd.s32 v12, v21;
	v8 =	vadd.s32 v8, v16  }
0x212: {  	v11 =	vadd.s32 v11, v15;
	v16 =	vxor.u32 v14, v22;
	v15 =	vor.u32 v34, v35  }
0x213: {  	v17 =	vxor.u32 v10, v23;
	v18 =	vxor.u32 v13, v24;
	v19 =	vxor.u32 v9, v25  }
0x214: {  	v20 =	vxor.u32 v12, v26;
	v21 =	vxor.u32 v8, v27;
	v15 =	vxor.u32 v11, v15  }
0x215: {  	v22 =	vshrl.u32 v16, $0x10;
	v23 =	vshll.u32 v16, $0x10;
	v24 =	vshrl.u32 v17, $0x10  }
0x216: {  	v25 =	vshll.u32 v17, $0x10;
	v26 =	vshrl.u32 v18, $0x10;
	v27 =	vshll.u32 v18, $0x10  }
0x217: {  	v28 =	vshrl.u32 v19, $0x10;
	v29 =	vshll.u32 v19, $0x10;
	v30 =	vshrl.u32 v20, $0x10  }
0x218: {  	v31 =	vshll.u32 v20, $0x10;
	v32 =	vshrl.u32 v21, $0x10;
	v33 =	vshll.u32 v21, $0x10  }
0x219: {  	v22 =	vor.u32 v22, v23;
	v23 =	vshrl.u32 v15, $0x10;
	v34 =	vshll.u32 v15, $0x10  }
0x21a: {  	v24 =	vor.u32 v24, v25;
	v25 =	vor.u32 v26, v27;
	v26 =	vor.u32 v28, v29  }
0x21b: {  	v14 =	vadd.s32 v14, v16;
	v16 =	vor.u32 v30, v31;
	v27 =	vor.u32 v32, v33  }
0x21c: {  	v10 =	vadd.s32 v10, v17;
	v13 =	vadd.s32 v13, v18;
	v9 =	vadd.s32 v9, v19  }
0x21d: {  	v12 =	vadd.s32 v12, v20;
	v8 =	vadd.s32 v8, v21;
	v17 =	vor.u32 v23, v34  }
0x21e: {  	v11 =	vadd.s32 v11, v15;
	v18 =	vxor.u32 v14, v22;
	v19 =	vxor.u32 v10, v24  }
0x21f: {  	v15 =	vxor.u32 v13, v25;
	v20 =	vxor.u32 v9, v26;
	v16 =	vxor.u32 v12, v16  }
0x220: {  	v22 =	vxor.u32 v8, v27;
	v21 =	vshrl.u32 v18, $0x8;
	v17 =	vxor.u32 v11, v17  }
0x221: {  	v23 =	vshll.u32 v18, $0x18;
	v24 =	vshrl.u32 v19, $0x8;
	v25 =	vshll.u32 v19, $0x18  }
0x222: {  	v26 =	vshrl.u32 v15, $0x8;
	v27 =	vshll.u32 v15, $0x18;
	v28 =	vshrl.u32 v20, $0x8  }
0x223: {  	v29 =	vshll.u32 v20, $0x18;
	v30 =	vshrl.u32 v16, $0x8;
	v31 =	vshll.u32 v16, $0x18  }
0x224: {  	v32 =	vshrl.u32 v22, $0x8;
	v33 =	vshll.u32 v22, $0x18;
	v34 =	vshrl.u32 v17, $0x8  }
0x225: {  	v21 =	vor.u32 v21, v23;
	v23 =	vor.u32 v24, v25;
	v24 =	vshll.u32 v17, $0x18  }
0x226: {  	v25 =	vor.u32 v26, v27;
	v26 =	vor.u32 v28, v29;
	v27 =	vor.u32 v30, v31  }
0x227: {  	v14 =	vadd.s32 v14, v18;
	v10 =	vadd.s32 v10, v19;
	v18 =	vor.u32 v32, v33  }
0x228: {  	v13 =	vadd.s32 v13, v15;
	v9 =	vadd.s32 v9, v20;
	v12 =	vadd.s32 v12, v16  }
0x229: {  	v8 =	vadd.s32 v8, v22;
	v11 =	vadd.s32 v11, v17;
	v15 =	vor.u32 v34, v24  }
0x22a: {  	v16 =	vxor.u32 v14, v21;
	v17 =	vxor.u32 v10, v23;
	v19 =	vxor.u32 v13, v25  }
0x22b: {  	v20 =	vxor.u32 v9, v26;
	v21 =	vxor.u32 v12, v27;
	v18 =	vxor.u32 v8, v18  }
0x22c: {  	v16 =	vadd.s32 $0x1BD11BF4, v16;
	v17 =	vadd.s32 $0x1BD11BF4, v17;
	v15 =	vxor.u32 v11, v15  }
0x22d: {  	v19 =	vadd.s32 $0x1BD11BF4, v19;
	v20 =	vadd.s32 $0x1BD11BF4, v20;
	v21 =	vadd.s32 $0x1BD11BF4, v21  }
0x22e: {  	v18 =	vadd.s32 $0x1BD11BF4, v18;
	v14 =	vadd.s32 v16, v14;
	v15 =	vadd.s32 $0x1BD11BF4, v15  }
0x22f: {  	v22 =	vshrl.u32 v16, $0x13;
	v16 =	vshll.u32 v16, $0xD;
	v10 =	vadd.s32 v17, v10  }
0x230: {  	v23 =	vshrl.u32 v17, $0x13;
	v17 =	vshll.u32 v17, $0xD;
	v13 =	vadd.s32 v19, v13  }
0x231: {  	v24 =	vshrl.u32 v19, $0x13;
	v19 =	vshll.u32 v19, $0xD;
	v9 =	vadd.s32 v20, v9  }
0x232: {  	v25 =	vshrl.u32 v20, $0x13;
	v20 =	vshll.u32 v20, $0xD;
	v12 =	vadd.s32 v21, v12  }
0x233: {  	v26 =	vshrl.u32 v21, $0x13;
	v21 =	vshll.u32 v21, $0xD;
	v8 =	vadd.s32 v18, v8  }
0x234: {  	v27 =	vshrl.u32 v18, $0x13;
	v18 =	vshll.u32 v18, $0xD;
	v11 =	vadd.s32 v15, v11  }
0x235: {  	v14 =	vadd.s32 $0x2A, v14;
	v28 =	vshrl.u32 v15, $0x13;
	v15 =	vshll.u32 v15, $0xD  }
0x236: {  	v16 =	vor.u32 v22, v16;
	v10 =	vadd.s32 $0x2A, v10;
	v17 =	vor.u32 v23, v17  }
0x237: {  	v13 =	vadd.s32 $0x2A, v13;
	v19 =	vor.u32 v24, v19;
	v9 =	vadd.s32 $0x2A, v9  }
0x238: {  	v20 =	vor.u32 v25, v20;
	v12 =	vadd.s32 $0x2A, v12;
	v21 =	vor.u32 v26, v21  }
0x239: {  	v8 =	vadd.s32 $0x2A, v8;
	v18 =	vor.u32 v27, v18;
	v11 =	vadd.s32 $0x2A, v11  }
0x23a: {  	v16 =	vxor.u32 v14, v16;
	v17 =	vxor.u32 v10, v17;
	v15 =	vor.u32 v28, v15  }
0x23b: {  	v19 =	vxor.u32 v13, v19;
	v20 =	vxor.u32 v9, v20;
	v21 =	vxor.u32 v12, v21  }
0x23c: {  	v18 =	vxor.u32 v8, v18;
	v22 =	vshrl.u32 v16, $0x11;
	v15 =	vxor.u32 v11, v15  }
0x23d: {  	v23 =	vshll.u32 v16, $0xF;
	v24 =	vshrl.u32 v17, $0x11;
	v25 =	vshll.u32 v17, $0xF  }
0x23e: {  	v26 =	vshrl.u32 v19, $0x11;
	v27 =	vshll.u32 v19, $0xF;
	v28 =	vshrl.u32 v20, $0x11  }
0x23f: {  	v29 =	vshll.u32 v20, $0xF;
	v30 =	vshrl.u32 v21, $0x11;
	v31 =	vshll.u32 v21, $0xF  }
0x240: {  	v32 =	vshrl.u32 v18, $0x11;
	v33 =	vshll.u32 v18, $0xF;
	v34 =	vshrl.u32 v15, $0x11  }
0x241: {  	v22 =	vor.u32 v22, v23;
	v23 =	vor.u32 v24, v25;
	v24 =	vshll.u32 v15, $0xF  }
0x242: {  	v25 =	vor.u32 v26, v27;
	v26 =	vor.u32 v28, v29;
	v27 =	vor.u32 v30, v31  }
0x243: {  	v14 =	vadd.s32 v14, v16;
	v10 =	vadd.s32 v10, v17;
	v16 =	vor.u32 v32, v33  }
0x244: {  	v13 =	vadd.s32 v13, v19;
	v9 =	vadd.s32 v9, v20;
	v12 =	vadd.s32 v12, v21  }
0x245: {  	v8 =	vadd.s32 v8, v18;
	v11 =	vadd.s32 v11, v15;
	v15 =	vor.u32 v34, v24  }
0x246: {  	v17 =	vxor.u32 v14, v22;
	v18 =	vxor.u32 v10, v23;
	v19 =	vxor.u32 v13, v25  }
0x247: {  	v20 =	vxor.u32 v9, v26;
	v21 =	vxor.u32 v12, v27;
	v16 =	vxor.u32 v8, v16  }
0x248: {  	v22 =	vshrl.u32 v17, $0x6;
	v23 =	vshll.u32 v17, $0x1A;
	v15 =	vxor.u32 v11, v15  }
0x249: {  	v24 =	vshrl.u32 v18, $0x6;
	v25 =	vshll.u32 v18, $0x1A;
	v26 =	vshrl.u32 v19, $0x6  }
0x24a: {  	v27 =	vshll.u32 v19, $0x1A;
	v28 =	vshrl.u32 v20, $0x6;
	v29 =	vshll.u32 v20, $0x1A  }
0x24b: {  	v30 =	vshrl.u32 v21, $0x6;
	v31 =	vshll.u32 v21, $0x1A;
	v32 =	vshrl.u32 v16, $0x6  }
0x24c: {  	v33 =	vshll.u32 v16, $0x1A;
	v34 =	vshrl.u32 v15, $0x6;
	v35 =	vshll.u32 v15, $0x1A  }
0x24d: {  	v22 =	vor.u32 v22, v23;
	v23 =	vor.u32 v24, v25;
	v24 =	vor.u32 v26, v27  }
0x24e: {  	v25 =	vor.u32 v28, v29;
	v26 =	vor.u32 v30, v31;
	v27 =	vor.u32 v32, v33  }
0x24f: {  	v14 =	vadd.s32 v14, v17;
	v10 =	vadd.s32 v10, v18;
	v13 =	vadd.s32 v13, v19  }
0x250: {  	v9 =	vadd.s32 v9, v20;
	v12 =	vadd.s32 v12, v21;
	v8 =	vadd.s32 v8, v16  }
0x251: {  	v11 =	vadd.s32 v11, v15;
	v16 =	vxor.u32 v14, v22;
	v15 =	vor.u32 v34, v35  }
0x252: {  	v17 =	vxor.u32 v10, v23;
	v18 =	vxor.u32 v13, v24;
	v19 =	vxor.u32 v9, v25  }
0x253: {  	v20 =	vxor.u32 v12, v26;
	v21 =	vxor.u32 v8, v27;
	v15 =	vxor.u32 v11, v15  }
0x254: {  	v22 =	vshrl.u32 v16, $0x1A;
	v23 =	vshll.u32 v16, $0x6;
	v24 =	vshrl.u32 v17, $0x1A  }
0x255: {  	v25 =	vshll.u32 v17, $0x6;
	v26 =	vshrl.u32 v18, $0x1A;
	v27 =	vshll.u32 v18, $0x6  }
0x256: {  	v28 =	vshrl.u32 v19, $0x1A;
	v29 =	vshll.u32 v19, $0x6;
	v30 =	vshrl.u32 v20, $0x1A  }
0x257: {  	v31 =	vshll.u32 v20, $0x6;
	v32 =	vshrl.u32 v21, $0x1A;
	v33 =	vshll.u32 v21, $0x6  }
0x258: {  	v22 =	vor.u32 v22, v23;
	v23 =	vshrl.u32 v15, $0x1A;
	v34 =	vshll.u32 v15, $0x6  }
0x259: {  	v24 =	vor.u32 v24, v25;
	v25 =	vor.u32 v26, v27;
	v26 =	vor.u32 v28, v29  }
0x25a: {  	v14 =	vadd.s32 v14, v16;
	v16 =	vor.u32 v30, v31;
	v27 =	vor.u32 v32, v33  }
0x25b: {  	v10 =	vadd.s32 v10, v17;
	v13 =	vadd.s32 v13, v18;
	v9 =	vadd.s32 v9, v19  }
0x25c: {  	v12 =	vadd.s32 v12, v20;
	v8 =	vadd.s32 v8, v21;
	v17 =	vor.u32 v23, v34  }
0x25d: {  	v11 =	vadd.s32 v11, v15;
	v18 =	vxor.u32 v14, v22;
	v19 =	vxor.u32 v10, v24  }
0x25e: {  	v15 =	vxor.u32 v13, v25;
	v20 =	vxor.u32 v9, v26;
	v16 =	vxor.u32 v12, v16  }
0x25f: {  	v21 =	vxor.u32 v8, v27;
	v18 =	vadd.s32 $0x5, v18;
	v17 =	vxor.u32 v11, v17  }
0x260: {  	v19 =	vadd.s32 $0x5, v19;
	v15 =	vadd.s32 $0x5, v15;
	v20 =	vadd.s32 $0x5, v20  }
0x261: {  	v16 =	vadd.s32 $0x5, v16;
	v21 =	vadd.s32 $0x5, v21;
	v17 =	vadd.s32 $0x5, v17  }
0x262: {  	v14 =	vadd.s32 $0x1BD11BF0, v14;
	v10 =	vadd.s32 $0x1BD11BF0, v10;
	v13 =	vadd.s32 $0x1BD11BF0, v13  }
0x263: {  	v9 =	vadd.s32 $0x1BD11BF0, v9;
	v12 =	vadd.s32 $0x1BD11BF0, v12;
	v8 =	vadd.s32 $0x1BD11BF0, v8  }
0x264: {  	v11 =	vadd.s32 $0x1BD11BF0, v11;
	v14 =	vxor.u32 v14, v18;
	v10 =	vxor.u32 v10, v19  }
0x265: {  	v13 =	vxor.u32 v13, v15;
	v9 =	vxor.u32 v9, v20;
	v12 =	vxor.u32 v12, v16  }
0x266: {  	v1 =	vmul.f32 $1.111111160e+00, v1;
	v8 =	vxor.u32 v8, v21;
	v11 =	vxor.u32 v11, v17  }
0x267: {  	v15 =	vmul.f32 $1.111111160e+00, v3;
	vm1 =	vgt.u32 v14, $0x199999FF;
	v14 =	vmul.f32 $1.111111160e+00, v2  }
.Ltmp2:
0x268: {  	v4 =	vmul.f32 $1.111111160e+00, v4;
	vm2 =	vgt.u32 v10, $0x199999FF;
	v10 =	vmul.f32 $1.111111160e+00, v5;
	(pc) =	sbr.rel @p1 .LBB2_3-.Ltmp2, $4  }
0x269: {  	v3 =	vmul.f32 $1.111111160e+00, v6;
	vm3 =	vgt.u32 v13, $0x199999FF;
	v2 =	vmul.f32 $1.111111160e+00, v7  }
0x26a: {  	vm4 =	vgt.u32 v9, $0x199999FF;
	vm5 =	vgt.u32 v12, $0x199999FF;
	vm0 =	vgt.u32 v8, $0x199999FF  }
0x26b: {  	v1 =	vnsel vm1, $0x0, v1;
	vm1 =	vgt.u32 v11, $0x199999FF;
	v7 =	vnsel vm2, $0x0, v14  }
0x26c: {  	s20 =	sadd.s32 $0x80, s20;
	v6 =	vnsel vm3, $0x0, v15;
	v5 =	vnsel vm4, $0x0, v4;
	v4 =	vnsel vm5, $0x0, v10;
	[tilespmem:s18+$0xFFFFFFC0] =	vst v1  }
0x26d: {  	[tilespmem:s18+$0xFFFFFFD0] =	vst v7  }
0x26e: {  	[tilespmem:s18+$0xFFFFFFE0] =	vst v6  }
0x26f: {  	[tilespmem:s18+$0xFFFFFFF0] =	vst v5  }
0x270: {  	v1 =	vnsel vm0, $0x0, v3;
	[tilespmem:s18+$0x0] =	vst v4;
	s15 =	sadd.s32 $0x1, s15  }
0x271: {  	v2 =	vnsel vm1, $0x0, v2;
	s16 =	sshrl.u32 s16, $0x3;
	[tilespmem:s18+$0x10] =	vst v1;
	p1 =	sne.s32 s15, s8  }
.Ltmp3:
0x272: {  	[tilespmem:s18+$0x30] =	vst v2;
	s16 =	sadd.s32 s3, s16;
	(pc) =	sbr.rel @p1 .LBB2_2-.Ltmp3, $4  }
0x273: {  	[hbm4b:s16+s4] =	stream.linear.scatter [tilespmem:s12], [sflag:$0x1], $0x1000, $0x38;
	[tilespmem:$0x2000] =	vst v63  }
0x274: {  	_ =	swait.ge [sflag:s11], $0x1000  }
0x275: {  	[sflag:s11] =	ssyncset.done $0x0  }
0x276: {  	s14 =	sadd.s32 $0x20000, s14;
	[sflag:s11] =	ssyncadd.s32 $0xFFFFF000  }
.Ltmp4:
0x277: {  	(pc) =	sbr.rel @p0 .LBB2_11-.Ltmp4, $1  }
0x278: {  	_ =	sdelay $0x3  }
0x279: {  	s14 =	simm.s32 $0x28F070  }
0x27a: {  	s15 =	simm.s32 $0x28F010;
	s16 =	simm.s32 $0x28F060  }
0x27b: {  	s26 =	simm.s32 $0x28F020;
	s28 =	simm.s32 $0x28F030;
	v1 =	vadd.s32 s14, v0  }
0x27c: {  	s29 =	simm.s32 $0x28F000;
	s30 =	simm.s32 $0x28F040;
	v2 =	vadd.s32 s15, v0;
	v3 =	vadd.s32 s16, v0;
	v5 =	vadd.s32 s26, v0  }
0x27d: {  	s31 =	simm.s32 $0x28F050;
	v6 =	vadd.s32 s28, v0;
	v8 =	vor.u32 s29, v0;
	v9 =	vor.u32 s30, v0  }
0x27e: {  	v11 =	vadd.s32 s31, v0;
	v4 =	vshll.u32 v1, $0xD;
	v7 =	vshll.u32 v3, $0xD  }
0x27f: {  	v10 =	vshll.u32 v8, $0xD;
	v12 =	vshll.u32 v2, $0xD;
	v15 =	vshll.u32 v5, $0xD  }
0x280: {  	v25 =	vshll.u32 v6, $0xD;
	v26 =	vshll.u32 v9, $0xD;
	v16 =	vshll.u32 v11, $0xD  }
0x281: {  	v7 =	vor.u32 $0x5, v7;
	v10 =	vor.u32 $0x5, v10;
	v12 =	vor.u32 $0x5, v12  }
0x282: {  	v15 =	vor.u32 $0x5, v15;
	v16 =	vor.u32 $0x5, v16;
	v4 =	vor.u32 $0x5, v4  }
0x283: {  	v7 =	vxor.u32 v3, v7;
	v10 =	vxor.u32 v8, v10;
	v12 =	vxor.u32 v2, v12  }
0x284: {  	v15 =	vxor.u32 v5, v15;
	v16 =	vxor.u32 v11, v16;
	v4 =	vxor.u32 v1, v4  }
0x285: {  	v13 =	vshrl.u32 v7, $0x11;
	v14 =	vshll.u32 v7, $0xF;
	v3 =	vadd.s32 v3, v7  }
0x286: {  	v32 =	vshrl.u32 v10, $0x11;
	v33 =	vshll.u32 v10, $0xF;
	v19 =	vshrl.u32 v12, $0x11  }
0x287: {  	v22 =	vshll.u32 v12, $0xF;
	v34 =	vshrl.u32 v15, $0x11;
	v35 =	vshll.u32 v15, $0xF  }
0x288: {  	v38 =	vshrl.u32 v4, $0x11;
	v39 =	vshll.u32 v4, $0xF;
	v8 =	vadd.s32 v8, v10  }
0x289: {  	v2 =	vadd.s32 v2, v12;
	v5 =	vadd.s32 v5, v15;
	v1 =	vadd.s32 v1, v4  }
0x28a: {  	v7 =	vor.u32 v13, v14;
	v13 =	vor.u32 $0x5, v25;
	v14 =	vor.u32 $0x5, v26  }
0x28b: {  	v19 =	vor.u32 v19, v22;
	v7 =	vxor.u32 v3, v7;
	v13 =	vxor.u32 v6, v13  }
0x28c: {  	v14 =	vxor.u32 v9, v14;
	v4 =	vxor.u32 v2, v19;
	v17 =	vshrl.u32 v7, $0x6  }
0x28d: {  	v18 =	vshll.u32 v7, $0x1A;
	v3 =	vadd.s32 v3, v7;
	v23 =	vshrl.u32 v13, $0x11  }
0x28e: {  	v26 =	vshll.u32 v13, $0xF;
	v36 =	vshrl.u32 v14, $0x11;
	v7 =	vor.u32 v17, v18  }
0x28f: {  	v37 =	vshll.u32 v14, $0xF;
	v6 =	vadd.s32 v6, v13;
	v7 =	vxor.u32 v3, v7  }
0x290: {  	v9 =	vadd.s32 v9, v14;
	v27 =	vshrl.u32 v7, $0x1A;
	v28 =	vshll.u32 v7, $0x6  }
0x291: {  	v19 =	vshrl.u32 v4, $0x6;
	v3 =	vadd.s32 v3, v7;
	v7 =	vor.u32 v27, v28  }
0x292: {  	v57 =	vshll.u32 v4, $0x1A;
	v2 =	vadd.s32 v2, v4;
	v7 =	vxor.u32 v3, v7  }
0x293: {  	v17 =	vor.u32 v32, v33;
	v41 =	vor.u32 v23, v26;
	v7 =	vadd.s32 $0x1BD11BF1, v7  }
0x294: {  	v3 =	vadd.s32 v7, v3;
	v29 =	vshrl.u32 v7, $0xF;
	v7 =	vshll.u32 v7, $0x11  }
0x295: {  	v42 =	vor.u32 v36, v37;
	v3 =	vadd.s32 $0x2A, v3;
	v7 =	vor.u32 v29, v7  }
0x296: {  	v19 =	vor.u32 v19, v57;
	v12 =	vxor.u32 v8, v17;
	v7 =	vxor.u32 v3, v7  }
0x297: {  	v49 =	vxor.u32 v6, v41;
	v30 =	vshrl.u32 v7, $0x3;
	v31 =	vshll.u32 v7, $0x1D  }
0x298: {  	v50 =	vxor.u32 v9, v42;
	v3 =	vadd.s32 v3, v7;
	v7 =	vor.u32 v30, v31  }
0x299: {  	v53 =	vshrl.u32 v12, $0x6;
	v54 =	vshll.u32 v12, $0x1A;
	v7 =	vxor.u32 v3, v7  }
0x29a: {  	v60 =	vshrl.u32 v49, $0x6;
	v20 =	vshrl.u32 v7, $0x10;
	v21 =	vshll.u32 v7, $0x10  }
0x29b: {  	v63 =	vshll.u32 v49, $0x1A;
	v3 =	vadd.s32 v3, v7;
	v7 =	vor.u32 v20, v21  }
0x29c: {  	v33 =	vshrl.u32 v50, $0x6;
	v8 =	vadd.s32 v8, v12;
	v7 =	vxor.u32 v3, v7  }
0x29d: {  	v6 =	vadd.s32 v6, v49;
	v24 =	vshrl.u32 v7, $0x8;
	v25 =	vshll.u32 v7, $0x18  }
0x29e: {  	v9 =	vadd.s32 v9, v50;
	v3 =	vadd.s32 v3, v7;
	v7 =	vor.u32 v24, v25  }
0x29f: {  	v27 =	vshrl.u32 v16, $0x11;
	v28 =	vshll.u32 v16, $0xF;
	v7 =	vxor.u32 v3, v7  }
0x2a0: {  	v17 =	vor.u32 v53, v54;
	v42 =	vor.u32 v60, v63;
	v7 =	vadd.s32 $0x2, v7  }
0x2a1: {  	v3 =	vadd.s32 v7, v3;
	v29 =	vshrl.u32 v7, $0x13;
	v7 =	vshll.u32 v7, $0xD  }
0x2a2: {  	v43 =	vor.u32 v27, v28;
	v3 =	vadd.s32 $0x1BD11BF0, v3;
	v7 =	vor.u32 v29, v7  }
0x2a3: {  	v20 =	vor.u32 v34, v35;
	v34 =	vshll.u32 v50, $0x1A;
	v7 =	vxor.u32 v3, v7  }
0x2a4: {  	v50 =	vxor.u32 v8, v17;
	v40 =	vshrl.u32 v7, $0x11;
	v30 =	vshll.u32 v7, $0xF  }
0x2a5: {  	v15 =	vxor.u32 v5, v20;
	v3 =	vadd.s32 v3, v7;
	v7 =	vor.u32 v40, v30  }
0x2a6: {  	v17 =	vshll.u32 v50, $0x6;
	v8 =	vadd.s32 v8, v50;
	v7 =	vxor.u32 v3, v7  }
0x2a7: {  	v58 =	vshrl.u32 v15, $0x6;
	v44 =	vshrl.u32 v7, $0x6;
	v45 =	vshll.u32 v7, $0x1A  }
0x2a8: {  	v59 =	vshll.u32 v15, $0x1A;
	v3 =	vadd.s32 v3, v7;
	v7 =	vor.u32 v44, v45  }
0x2a9: {  	v4 =	vadd.s32 v5, v15;
	v20 =	vor.u32 v58, v59;
	v7 =	vxor.u32 v3, v7  }
0x2aa: {  	v10 =	vshrl.u32 v7, $0x1A;
	v46 =	vshll.u32 v7, $0x6;
	v3 =	vadd.s32 v3, v7  }
0x2ab: {  	v7 =	vor.u32 v10, v46;
	v10 =	vadd.s32 v11, v16;
	v11 =	vor.u32 v38, v39  }
0x2ac: {  	v7 =	vxor.u32 v3, v7;
	v16 =	vxor.u32 v10, v43;
	v11 =	vxor.u32 v1, v11  }
0x2ad: {  	v43 =	vor.u32 v33, v34;
	v7 =	vadd.s32 $0x2D, v7;
	v35 =	vshrl.u32 v16, $0x6  }
0x2ae: {  	v36 =	vshll.u32 v16, $0x1A;
	v47 =	vshrl.u32 v7, $0xF;
	v48 =	vshll.u32 v7, $0x11  }
0x2af: {  	v38 =	vshrl.u32 v11, $0x6;
	v3 =	vadd.s32 v3, v7;
	v7 =	vor.u32 v47, v48  }
0x2b0: {  	v39 =	vshll.u32 v11, $0x1A;
	v10 =	vadd.s32 v10, v16;
	v7 =	vxor.u32 v3, v7  }
0x2b1: {  	v11 =	vadd.s32 v1, v11;
	v51 =	vshrl.u32 v7, $0x3;
	v52 =	vshll.u32 v7, $0x1D  }
0x2b2: {  	v44 =	vor.u32 v35, v36;
	v3 =	vadd.s32 v3, v7;
	v7 =	vor.u32 v51, v52  }
0x2b3: {  	v49 =	vor.u32 v38, v39;
	v16 =	vxor.u32 v10, v44;
	v7 =	vxor.u32 v3, v7  }
0x2b4: {  	v12 =	vxor.u32 v11, v49;
	v55 =	vshrl.u32 v7, $0x10;
	v56 =	vshll.u32 v7, $0x10  }
0x2b5: {  	v59 =	vshrl.u32 v16, $0x1A;
	v3 =	vadd.s32 v3, v7;
	v7 =	vor.u32 v55, v56  }
0x2b6: {  	v60 =	vshll.u32 v16, $0x6;
	v63 =	vshll.u32 v12, $0x6;
	v7 =	vxor.u32 v3, v7  }
0x2b7: {  	v51 =	vxor.u32 v6, v42;
	v61 =	vshrl.u32 v7, $0x8;
	v62 =	vshll.u32 v7, $0x18  }
0x2b8: {  	v52 =	vxor.u32 v9, v43;
	v3 =	vadd.s32 v3, v7;
	v7 =	vor.u32 v61, v62  }
0x2b9: {  	v57 =	vshrl.u32 v52, $0x1A;
	v58 =	vshll.u32 v52, $0x6;
	v7 =	vxor.u32 v3, v7  }
0x2ba: {  	v6 =	vadd.s32 v6, v51;
	v55 =	vshrl.u32 v51, $0x1A;
	v7 =	vadd.s32 $0x1BD11BF4, v7  }
0x2bb: {  	v3 =	vadd.s32 v7, v3;
	v37 =	vshrl.u32 v7, $0x13;
	v7 =	vshll.u32 v7, $0xD  }
0x2bc: {  	v56 =	vshll.u32 v51, $0x6;
	v3 =	vadd.s32 $0x2A, v3;
	v7 =	vor.u32 v37, v7  }
0x2bd: {  	v31 =	vor.u32 v57, v58;
	v30 =	vor.u32 v55, v56;
	v7 =	vxor.u32 v3, v7  }
0x2be: {  	v14 =	vxor.u32 v6, v30;
	v40 =	vshrl.u32 v7, $0x11;
	v41 =	vshll.u32 v7, $0xF  }
0x2bf: {  	[tilespmem:s4], [sflag:$0x1] =	stream.linear.gather [hbm4b:s6+s4], $0x5C2, $0x38;
	v14 =	vadd.s32 $0x1BD11BF1, v14;
	v3 =	vadd.s32 v3, v7;
	v7 =	vor.u32 v40, v41;
	[tilespmem:$0x2000] =	vst v63  }
0x2c0: {  	_ =	swait.ge [sflag:s11], $0x5C2;
	v61 =	vshrl.u32 v12, $0x1A;
	v6 =	vadd.s32 v14, v6;
	v7 =	vxor.u32 v3, v7  }
0x2c1: {  	[sflag:s11] =	ssyncset.done $0x0;
	v37 =	vshrl.u32 v14, $0xF;
	v45 =	vshrl.u32 v7, $0x6;
	v46 =	vshll.u32 v7, $0x1A  }
0x2c2: {  	s14 =	simm.s32 $0x40;
	[sflag:s11] =	ssyncadd.s32 $0xFFFFFA3E;
	v14 =	vshll.u32 v14, $0x11;
	v3 =	vadd.s32 v3, v7;
	v7 =	vor.u32 v45, v46  }
0x2c3: {  	v6 =	vadd.s32 $0x2A, v6;
	v14 =	vor.u32 v37, v14;
	v5 =	vxor.u32 v3, v7;
	v7 =	vld [tilespmem:s14+$0x20]  }
0x2c4: {  	v14 =	vxor.u32 v6, v14;
	v47 =	vshrl.u32 v5, $0x1A;
	v48 =	vshll.u32 v5, $0x6  }
0x2c5: {  	v6 =	vadd.s32 v6, v14;
	v3 =	vadd.s32 v3, v5;
	v5 =	vor.u32 v47, v48  }
0x2c6: {  	v47 =	vshrl.u32 v14, $0x3;
	v48 =	vshll.u32 v14, $0x1D;
	v5 =	vxor.u32 v3, v5  }
0x2c7: {  	v3 =	vadd.s32 $0x1BD11BF0, v3;
	v57 =	vor.u32 v47, v48;
	v5 =	vadd.s32 $0x5, v5  }
0x2c8: {  	v14 =	vxor.u32 v6, v57;
	v1 =	vxor.u32 v3, v5;
	v3 =	vmul.f32 $1.111111160e+00, v7  }
0x2c9: {  	v5 =	vxor.u32 v2, v19;
	v7 =	vxor.u32 v4, v20;
	v6 =	vadd.s32 v6, v14  }
0x2ca: {  	vm0 =	vgt.u32 v1, $0x199999FF;
	v53 =	vshrl.u32 v5, $0x1A;
	v19 =	vshll.u32 v5, $0x6  }
0x2cb: {  	v20 =	vshrl.u32 v7, $0x1A;
	v54 =	vshll.u32 v7, $0x6;
	v2 =	vadd.s32 v2, v5  }
0x2cc: {  	v5 =	vor.u32 v59, v60;
	v4 =	vadd.s32 v4, v7;
	v7 =	vadd.s32 v9, v52  }
0x2cd: {  	v9 =	vadd.s32 v10, v16;
	v10 =	vadd.s32 v11, v12;
	v11 =	vor.u32 v61, v63  }
0x2ce: {  	v1 =	vnsel vm0, $0x0, v3;
	v3 =	vshrl.u32 v50, $0x1A;
	v62 =	vor.u32 v53, v19  }
0x2cf: {  	v29 =	vor.u32 v20, v54;
	v15 =	vxor.u32 v7, v31;
	v5 =	vxor.u32 v9, v5  }
0x2d0: {  	v11 =	vxor.u32 v10, v11;
	v3 =	vor.u32 v3, v17;
	v32 =	vxor.u32 v2, v62  }
0x2d1: {  	v33 =	vxor.u32 v4, v29;
	v15 =	vadd.s32 $0x1BD11BF1, v15;
	v5 =	vadd.s32 $0x1BD11BF1, v5  }
0x2d2: {  	v11 =	vadd.s32 $0x1BD11BF1, v11;
	v3 =	vxor.u32 v8, v3;
	v12 =	vadd.s32 $0x1BD11BF1, v32  }
0x2d3: {  	v13 =	vadd.s32 $0x1BD11BF1, v33;
	v7 =	vadd.s32 v15, v7;
	v38 =	vshrl.u32 v15, $0xF  }
0x2d4: {  	v15 =	vshll.u32 v15, $0x11;
	v9 =	vadd.s32 v5, v9;
	v39 =	vshrl.u32 v5, $0xF  }
0x2d5: {  	v5 =	vshll.u32 v5, $0x11;
	v10 =	vadd.s32 v11, v10;
	v40 =	vshrl.u32 v11, $0xF  }
0x2d6: {  	v11 =	vshll.u32 v11, $0x11;
	v32 =	vshrl.u32 v14, $0x10;
	v33 =	vshll.u32 v14, $0x10  }
0x2d7: {  	v3 =	vadd.s32 $0x1BD11BF1, v3;
	v2 =	vadd.s32 v12, v2;
	v35 =	vshrl.u32 v12, $0xF  }
0x2d8: {  	v12 =	vshll.u32 v12, $0x11;
	v4 =	vadd.s32 v13, v4;
	v36 =	vshrl.u32 v13, $0xF  }
0x2d9: {  	v13 =	vshll.u32 v13, $0x11;
	v7 =	vadd.s32 $0x2A, v7;
	v15 =	vor.u32 v38, v15  }
0x2da: {  	v9 =	vadd.s32 $0x2A, v9;
	v5 =	vor.u32 v39, v5;
	v10 =	vadd.s32 $0x2A, v10  }
0x2db: {  	v11 =	vor.u32 v40, v11;
	v8 =	vadd.s32 v3, v8;
	v34 =	vshrl.u32 v3, $0xF  }
0x2dc: {  	v3 =	vshll.u32 v3, $0x11;
	v2 =	vadd.s32 $0x2A, v2;
	v12 =	vor.u32 v35, v12  }
0x2dd: {  	v4 =	vadd.s32 $0x2A, v4;
	v13 =	vor.u32 v36, v13;
	v15 =	vxor.u32 v7, v15  }
0x2de: {  	v5 =	vxor.u32 v9, v5;
	v11 =	vxor.u32 v10, v11;
	v8 =	vadd.s32 $0x2A, v8  }
0x2df: {  	v3 =	vor.u32 v34, v3;
	v12 =	vxor.u32 v2, v12;
	v13 =	vxor.u32 v4, v13  }
0x2e0: {  	v49 =	vshrl.u32 v15, $0x3;
	v50 =	vshll.u32 v15, $0x1D;
	v51 =	vshrl.u32 v5, $0x3  }
0x2e1: {  	v52 =	vshll.u32 v5, $0x1D;
	v53 =	vshrl.u32 v11, $0x3;
	v55 =	vshll.u32 v11, $0x1D  }
0x2e2: {  	v7 =	vadd.s32 v7, v15;
	v5 =	vadd.s32 v9, v5;
	v9 =	vadd.s32 v10, v11  }
0x2e3: {  	v3 =	vxor.u32 v8, v3;
	v43 =	vshrl.u32 v12, $0x3;
	v44 =	vshll.u32 v12, $0x1D  }
0x2e4: {  	v45 =	vshrl.u32 v13, $0x3;
	v46 =	vshll.u32 v13, $0x1D;
	v58 =	vor.u32 v49, v50  }
0x2e5: {  	v2 =	vadd.s32 v2, v12;
	v4 =	vadd.s32 v4, v13;
	v10 =	vor.u32 v53, v55  }
0x2e6: {  	v41 =	vshrl.u32 v3, $0x3;
	v42 =	vshll.u32 v3, $0x1D;
	v54 =	vor.u32 v43, v44  }
0x2e7: {  	v56 =	vor.u32 v45, v46;
	v3 =	vadd.s32 v8, v3;
	v8 =	vor.u32 v51, v52  }
0x2e8: {  	v15 =	vxor.u32 v7, v58;
	v10 =	vxor.u32 v9, v10;
	v16 =	vor.u32 v41, v42  }
0x2e9: {  	v12 =	vxor.u32 v2, v54;
	v13 =	vxor.u32 v4, v56;
	v8 =	vxor.u32 v5, v8  }
0x2ea: {  	v34 =	vshrl.u32 v15, $0x10;
	v35 =	vshll.u32 v15, $0x10;
	v38 =	vshrl.u32 v10, $0x10  }
0x2eb: {  	v39 =	vshll.u32 v10, $0x10;
	v42 =	vor.u32 v32, v33;
	v7 =	vadd.s32 v7, v15  }
0x2ec: {  	v9 =	vadd.s32 v9, v10;
	v11 =	vxor.u32 v3, v16;
	v60 =	vshrl.u32 v12, $0x10  }
0x2ed: {  	v61 =	vshll.u32 v12, $0x10;
	v62 =	vshrl.u32 v13, $0x10;
	v63 =	vshll.u32 v13, $0x10  }
0x2ee: {  	v36 =	vshrl.u32 v8, $0x10;
	v37 =	vshll.u32 v8, $0x10;
	v43 =	vor.u32 v34, v35  }
0x2ef: {  	v2 =	vadd.s32 v2, v12;
	v4 =	vadd.s32 v4, v13;
	v5 =	vadd.s32 v5, v8  }
0x2f0: {  	v10 =	vor.u32 v38, v39;
	v46 =	vxor.u32 v6, v42;
	v16 =	vshrl.u32 v11, $0x10  }
0x2f1: {  	v59 =	vshll.u32 v11, $0x10;
	v40 =	vor.u32 v60, v61;
	v41 =	vor.u32 v62, v63  }
0x2f2: {  	v44 =	vor.u32 v36, v37;
	v3 =	vadd.s32 v3, v11;
	v47 =	vxor.u32 v7, v43  }
0x2f3: {  	v10 =	vxor.u32 v9, v10;
	v54 =	vshrl.u32 v46, $0x8;
	v55 =	vshll.u32 v46, $0x18  }
0x2f4: {  	v6 =	vadd.s32 v6, v46;
	v16 =	vor.u32 v16, v59;
	v11 =	vxor.u32 v2, v40  }
0x2f5: {  	v45 =	vxor.u32 v4, v41;
	v48 =	vxor.u32 v5, v44;
	v56 =	vshrl.u32 v47, $0x8  }
0x2f6: {  	v57 =	vshll.u32 v47, $0x18;
	v60 =	vshrl.u32 v10, $0x8;
	v61 =	vshll.u32 v10, $0x18  }
0x2f7: {  	v63 =	vor.u32 v54, v55;
	v7 =	vadd.s32 v7, v47;
	v9 =	vadd.s32 v9, v10  }
0x2f8: {  	v8 =	vxor.u32 v3, v16;
	v50 =	vshrl.u32 v11, $0x8;
	v51 =	vshll.u32 v11, $0x18  }
0x2f9: {  	v52 =	vshrl.u32 v45, $0x8;
	v53 =	vshll.u32 v45, $0x18;
	v58 =	vshrl.u32 v48, $0x8  }
0x2fa: {  	v59 =	vshll.u32 v48, $0x18;
	v2 =	vadd.s32 v2, v11;
	v4 =	vadd.s32 v4, v45  }
0x2fb: {  	v5 =	vadd.s32 v5, v48;
	v11 =	vor.u32 v60, v61;
	v32 =	vxor.u32 v6, v63  }
0x2fc: {  	v16 =	vshrl.u32 v8, $0x8;
	v49 =	vshll.u32 v8, $0x18;
	v18 =	vor.u32 v50, v51  }
0x2fd: {  	v62 =	vor.u32 v52, v53;
	v3 =	vadd.s32 v3, v8;
	v8 =	vor.u32 v56, v57  }
0x2fe: {  	v29 =	vor.u32 v58, v59;
	v11 =	vxor.u32 v9, v11;
	v14 =	vadd.s32 $0x2, v32  }
0x2ff: {  	v16 =	vor.u32 v16, v49;
	v31 =	vxor.u32 v2, v18;
	v10 =	vxor.u32 v4, v62  }
0x300: {  	v8 =	vxor.u32 v7, v8;
	v15 =	vxor.u32 v5, v29;
	v11 =	vadd.s32 $0x2, v11  }
0x301: {  	v6 =	vadd.s32 v14, v6;
	v36 =	vshrl.u32 v14, $0x13;
	v14 =	vshll.u32 v14, $0xD  }
0x302: {  	v30 =	vxor.u32 v3, v16;
	v13 =	vadd.s32 $0x2, v31;
	v10 =	vadd.s32 $0x2, v10  }
0x303: {  	v8 =	vadd.s32 $0x2, v8;
	v15 =	vadd.s32 $0x2, v15;
	v9 =	vadd.s32 v11, v9  }
0x304: {  	v39 =	vshrl.u32 v11, $0x13;
	v11 =	vshll.u32 v11, $0xD;
	v6 =	vadd.s32 $0x1BD11BF0, v6  }
0x305: {  	v14 =	vor.u32 v36, v14;
	v12 =	vadd.s32 $0x2, v30;
	v2 =	vadd.s32 v13, v2  }
0x306: {  	v34 =	vshrl.u32 v13, $0x13;
	v13 =	vshll.u32 v13, $0xD;
	v4 =	vadd.s32 v10, v4  }
0x307: {  	v35 =	vshrl.u32 v10, $0x13;
	v10 =	vshll.u32 v10, $0xD;
	v7 =	vadd.s32 v8, v7  }
0x308: {  	v37 =	vshrl.u32 v8, $0x13;
	v8 =	vshll.u32 v8, $0xD;
	v5 =	vadd.s32 v15, v5  }
0x309: {  	v38 =	vshrl.u32 v15, $0x13;
	v15 =	vshll.u32 v15, $0xD;
	v9 =	vadd.s32 $0x1BD11BF0, v9  }
0x30a: {  	v11 =	vor.u32 v39, v11;
	v14 =	vxor.u32 v6, v14;
	v3 =	vadd.s32 v12, v3  }
0x30b: {  	v33 =	vshrl.u32 v12, $0x13;
	v12 =	vshll.u32 v12, $0xD;
	v2 =	vadd.s32 $0x1BD11BF0, v2  }
0x30c: {  	v13 =	vor.u32 v34, v13;
	v4 =	vadd.s32 $0x1BD11BF0, v4;
	v10 =	vor.u32 v35, v10  }
0x30d: {  	v7 =	vadd.s32 $0x1BD11BF0, v7;
	v8 =	vor.u32 v37, v8;
	v5 =	vadd.s32 $0x1BD11BF0, v5  }
0x30e: {  	v15 =	vor.u32 v38, v15;
	v11 =	vxor.u32 v9, v11;
	v46 =	vshrl.u32 v14, $0x11  }
0x30f: {  	v47 =	vshll.u32 v14, $0xF;
	v6 =	vadd.s32 v6, v14;
	v3 =	vadd.s32 $0x1BD11BF0, v3  }
0x310: {  	v12 =	vor.u32 v33, v12;
	v13 =	vxor.u32 v2, v13;
	v10 =	vxor.u32 v4, v10  }
0x311: {  	v8 =	vxor.u32 v7, v8;
	v15 =	vxor.u32 v5, v15;
	v52 =	vshrl.u32 v11, $0x11  }
0x312: {  	v53 =	vshll.u32 v11, $0xF;
	v55 =	vor.u32 v46, v47;
	v9 =	vadd.s32 v9, v11  }
0x313: {  	v12 =	vxor.u32 v3, v12;
	v42 =	vshrl.u32 v13, $0x11;
	v43 =	vshll.u32 v13, $0xF  }
0x314: {  	v44 =	vshrl.u32 v10, $0x11;
	v45 =	vshll.u32 v10, $0xF;
	v48 =	vshrl.u32 v8, $0x11  }
0x315: {  	v49 =	vshll.u32 v8, $0xF;
	v50 =	vshrl.u32 v15, $0x11;
	v51 =	vshll.u32 v15, $0xF  }
0x316: {  	v2 =	vadd.s32 v2, v13;
	v4 =	vadd.s32 v4, v10;
	v7 =	vadd.s32 v7, v8  }
0x317: {  	v5 =	vadd.s32 v5, v15;
	v8 =	vor.u32 v52, v53;
	v14 =	vxor.u32 v6, v55  }
0x318: {  	v40 =	vshrl.u32 v12, $0x11;
	v41 =	vshll.u32 v12, $0xF;
	v18 =	vor.u32 v42, v43  }
0x319: {  	v54 =	vor.u32 v44, v45;
	v3 =	vadd.s32 v3, v12;
	v56 =	vor.u32 v48, v49  }
0x31a: {  	v57 =	vor.u32 v50, v51;
	v8 =	vxor.u32 v9, v8;
	v32 =	vshrl.u32 v14, $0x6  }
0x31b: {  	v33 =	vshll.u32 v14, $0x1A;
	v6 =	vadd.s32 v6, v14;
	v16 =	vor.u32 v40, v41  }
0x31c: {  	v13 =	vxor.u32 v2, v18;
	v11 =	vxor.u32 v4, v54;
	v12 =	vxor.u32 v7, v56  }
0x31d: {  	v59 =	vxor.u32 v5, v57;
	v38 =	vshrl.u32 v8, $0x6;
	v40 =	vshll.u32 v8, $0x1A  }
0x31e: {  	v42 =	vor.u32 v32, v33;
	v8 =	vadd.s32 v9, v8;
	v10 =	vxor.u32 v3, v16  }
0x31f: {  	v18 =	vshrl.u32 v13, $0x6;
	v61 =	vshll.u32 v13, $0x1A;
	v62 =	vshrl.u32 v11, $0x6  }
0x320: {  	v63 =	vshll.u32 v11, $0x1A;
	v34 =	vshrl.u32 v12, $0x6;
	v35 =	vshll.u32 v12, $0x1A  }
0x321: {  	v36 =	vshrl.u32 v59, $0x6;
	v37 =	vshll.u32 v59, $0x1A;
	v2 =	vadd.s32 v2, v13  }
0x322: {  	v4 =	vadd.s32 v4, v11;
	v7 =	vadd.s32 v7, v12;
	v5 =	vadd.s32 v5, v59  }
0x323: {  	v9 =	vor.u32 v38, v40;
	v14 =	vxor.u32 v6, v42;
	v58 =	vshrl.u32 v10, $0x6  }
0x324: {  	v60 =	vshll.u32 v10, $0x1A;
	v39 =	vor.u32 v18, v61;
	v41 =	vor.u32 v62, v63  }
0x325: {  	v43 =	vor.u32 v34, v35;
	v3 =	vadd.s32 v3, v10;
	v10 =	vor.u32 v36, v37  }
0x326: {  	v9 =	vxor.u32 v8, v9;
	v53 =	vshrl.u32 v14, $0x1A;
	v54 =	vshll.u32 v14, $0x6  }
0x327: {  	v6 =	vadd.s32 v6, v14;
	v15 =	vor.u32 v58, v60;
	v44 =	vxor.u32 v2, v39  }
0x328: {  	v45 =	vxor.u32 v4, v41;
	v46 =	vxor.u32 v7, v43;
	v10 =	vxor.u32 v5, v10  }
0x329: {  	v59 =	vshrl.u32 v9, $0x1A;
	v60 =	vshll.u32 v9, $0x6;
	v63 =	vor.u32 v53, v54  }
0x32a: {  	v8 =	vadd.s32 v8, v9;
	v11 =	vxor.u32 v3, v15;
	v49 =	vshrl.u32 v44, $0x1A  }
0x32b: {  	v50 =	vshll.u32 v44, $0x6;
	v51 =	vshrl.u32 v45, $0x1A;
	v52 =	vshll.u32 v45, $0x6  }
0x32c: {  	v55 =	vshrl.u32 v46, $0x1A;
	v56 =	vshll.u32 v46, $0x6;
	v57 =	vshrl.u32 v10, $0x1A  }
0x32d: {  	v58 =	vshll.u32 v10, $0x6;
	v2 =	vadd.s32 v2, v44;
	v4 =	vadd.s32 v4, v45  }
0x32e: {  	v7 =	vadd.s32 v7, v46;
	v5 =	vadd.s32 v5, v10;
	v9 =	vor.u32 v59, v60  }
0x32f: {  	v31 =	vxor.u32 v6, v63;
	v47 =	vshrl.u32 v11, $0x1A;
	v48 =	vshll.u32 v11, $0x6  }
0x330: {  	v61 =	vor.u32 v49, v50;
	v62 =	vor.u32 v51, v52;
	v25 =	vor.u32 v55, v56  }
0x331: {  	v27 =	vor.u32 v57, v58;
	v3 =	vadd.s32 v3, v11;
	v9 =	vxor.u32 v8, v9  }
0x332: {  	v13 =	vadd.s32 $0x2D, v31;
	v16 =	vor.u32 v47, v48;
	v11 =	vxor.u32 v2, v61  }
0x333: {  	v30 =	vxor.u32 v4, v62;
	v32 =	vxor.u32 v7, v25;
	v33 =	vxor.u32 v5, v27  }
0x334: {  	v9 =	vadd.s32 $0x2D, v9;
	v40 =	vshrl.u32 v13, $0xF;
	v41 =	vshll.u32 v13, $0x11  }
0x335: {  	v6 =	vadd.s32 v6, v13;
	v10 =	vxor.u32 v3, v16;
	v11 =	vadd.s32 $0x2D, v11  }
0x336: {  	v12 =	vadd.s32 $0x2D, v30;
	v14 =	vadd.s32 $0x2D, v32;
	v15 =	vadd.s32 $0x2D, v33  }
0x337: {  	v46 =	vshrl.u32 v9, $0xF;
	v47 =	vshll.u32 v9, $0x11;
	v50 =	vor.u32 v40, v41  }
0x338: {  	v8 =	vadd.s32 v8, v9;
	v10 =	vadd.s32 $0x2D, v10;
	v36 =	vshrl.u32 v11, $0xF  }
0x339: {  	v37 =	vshll.u32 v11, $0x11;
	v38 =	vshrl.u32 v12, $0xF;
	v39 =	vshll.u32 v12, $0x11  }
0x33a: {  	v42 =	vshrl.u32 v14, $0xF;
	v43 =	vshll.u32 v14, $0x11;
	v44 =	vshrl.u32 v15, $0xF  }
0x33b: {  	v45 =	vshll.u32 v15, $0x11;
	v2 =	vadd.s32 v2, v11;
	v4 =	vadd.s32 v4, v12  }
0x33c: {  	v7 =	vadd.s32 v7, v14;
	v5 =	vadd.s32 v5, v15;
	v9 =	vor.u32 v46, v47  }
0x33d: {  	v13 =	vxor.u32 v6, v50;
	v34 =	vshrl.u32 v10, $0xF;
	v35 =	vshll.u32 v10, $0x11  }
0x33e: {  	v48 =	vor.u32 v36, v37;
	v49 =	vor.u32 v38, v39;
	v51 =	vor.u32 v42, v43  }
0x33f: {  	v52 =	vor.u32 v44, v45;
	v3 =	vadd.s32 v3, v10;
	v9 =	vxor.u32 v8, v9  }
0x340: {  	v58 =	vshrl.u32 v13, $0x3;
	v59 =	vshll.u32 v13, $0x1D;
	v6 =	vadd.s32 v6, v13  }
0x341: {  	v16 =	vor.u32 v34, v35;
	v11 =	vxor.u32 v2, v48;
	v12 =	vxor.u32 v4, v49  }
0x342: {  	v14 =	vxor.u32 v7, v51;
	v15 =	vxor.u32 v5, v52;
	v32 =	vshrl.u32 v9, $0x3  }
0x343: {  	v33 =	vshll.u32 v9, $0x1D;
	v35 =	vor.u32 v58, v59;
	v8 =	vadd.s32 v8, v9  }
0x344: {  	v10 =	vxor.u32 v3, v16;
	v54 =	vshrl.u32 v11, $0x3;
	v55 =	vshll.u32 v11, $0x1D  }
0x345: {  	v56 =	vshrl.u32 v12, $0x3;
	v57 =	vshll.u32 v12, $0x1D;
	v60 =	vshrl.u32 v14, $0x3  }
0x346: {  	v61 =	vshll.u32 v14, $0x1D;
	v62 =	vshrl.u32 v15, $0x3;
	v63 =	vshll.u32 v15, $0x1D  }
0x347: {  	v2 =	vadd.s32 v2, v11;
	v4 =	vadd.s32 v4, v12;
	v7 =	vadd.s32 v7, v14  }
0x348: {  	v5 =	vadd.s32 v5, v15;
	v11 =	vor.u32 v32, v33;
	v39 =	vxor.u32 v6, v35  }
0x349: {  	v16 =	vshrl.u32 v10, $0x3;
	v53 =	vshll.u32 v10, $0x1D;
	v18 =	vor.u32 v54, v55  }
0x34a: {  	v34 =	vor.u32 v56, v57;
	v3 =	vadd.s32 v3, v10;
	v10 =	vor.u32 v60, v61  }
0x34b: {  	v36 =	vor.u32 v62, v63;
	v11 =	vxor.u32 v8, v11;
	v46 =	vshrl.u32 v39, $0x10  }
0x34c: {  	v47 =	vshll.u32 v39, $0x10;
	v6 =	vadd.s32 v6, v39;
	v16 =	vor.u32 v16, v53  }
0x34d: {  	v38 =	vxor.u32 v2, v18;
	v9 =	vxor.u32 v4, v34;
	v10 =	vxor.u32 v7, v10  }
0x34e: {  	v41 =	vxor.u32 v5, v36;
	v52 =	vshrl.u32 v11, $0x10;
	v54 =	vshll.u32 v11, $0x10  }
0x34f: {  	v56 =	vor.u32 v46, v47;
	v8 =	vadd.s32 v8, v11;
	v37 =	vxor.u32 v3, v16  }
0x350: {  	v18 =	vshrl.u32 v38, $0x10;
	v43 =	vshll.u32 v38, $0x10;
	v44 =	vshrl.u32 v9, $0x10  }
0x351: {  	v45 =	vshll.u32 v9, $0x10;
	v48 =	vshrl.u32 v10, $0x10;
	v49 =	vshll.u32 v10, $0x10  }
0x352: {  	v50 =	vshrl.u32 v41, $0x10;
	v51 =	vshll.u32 v41, $0x10;
	v2 =	vadd.s32 v2, v38  }
0x353: {  	v4 =	vadd.s32 v4, v9;
	v7 =	vadd.s32 v7, v10;
	v5 =	vadd.s32 v5, v41  }
0x354: {  	v9 =	vor.u32 v52, v54;
	v14 =	vxor.u32 v6, v56;
	v40 =	vshrl.u32 v37, $0x10  }
0x355: {  	v42 =	vshll.u32 v37, $0x10;
	v53 =	vor.u32 v18, v43;
	v55 =	vor.u32 v44, v45  }
0x356: {  	v57 =	vor.u32 v48, v49;
	v3 =	vadd.s32 v3, v37;
	v58 =	vor.u32 v50, v51  }
0x357: {  	v9 =	vxor.u32 v8, v9;
	v35 =	vshrl.u32 v14, $0x8;
	v36 =	vshll.u32 v14, $0x18  }
0x358: {  	v6 =	vadd.s32 v6, v14;
	v15 =	vor.u32 v40, v42;
	v11 =	vxor.u32 v2, v53  }
0x359: {  	v59 =	vxor.u32 v4, v55;
	v60 =	vxor.u32 v7, v57;
	v12 =	vxor.u32 v5, v58  }
0x35a: {  	v41 =	vshrl.u32 v9, $0x8;
	v42 =	vshll.u32 v9, $0x18;
	v45 =	vor.u32 v35, v36  }
0x35b: {  	v8 =	vadd.s32 v8, v9;
	v10 =	vxor.u32 v3, v15;
	v63 =	vshrl.u32 v11, $0x8  }
0x35c: {  	v32 =	vshll.u32 v11, $0x18;
	v33 =	vshrl.u32 v59, $0x8;
	v34 =	vshll.u32 v59, $0x18  }
0x35d: {  	v37 =	vshrl.u32 v60, $0x8;
	v38 =	vshll.u32 v60, $0x18;
	v39 =	vshrl.u32 v12, $0x8  }
0x35e: {  	v40 =	vshll.u32 v12, $0x18;
	v2 =	vadd.s32 v2, v11;
	v4 =	vadd.s32 v4, v59  }
0x35f: {  	v7 =	vadd.s32 v7, v60;
	v5 =	vadd.s32 v5, v12;
	v9 =	vor.u32 v41, v42  }
0x360: {  	v49 =	vxor.u32 v6, v45;
	v61 =	vshrl.u32 v10, $0x8;
	v62 =	vshll.u32 v10, $0x18  }
0x361: {  	v43 =	vor.u32 v63, v32;
	v44 =	vor.u32 v33, v34;
	v46 =	vor.u32 v37, v38  }
0x362: {  	v47 =	vor.u32 v39, v40;
	v3 =	vadd.s32 v3, v10;
	v9 =	vxor.u32 v8, v9  }
0x363: {  	v13 =	vadd.s32 $0x1BD11BF4, v49;
	v16 =	vor.u32 v61, v62;
	v11 =	vxor.u32 v2, v43  }
0x364: {  	v48 =	vxor.u32 v4, v44;
	v50 =	vxor.u32 v7, v46;
	v51 =	vxor.u32 v5, v47  }
0x365: {  	v9 =	vadd.s32 $0x1BD11BF4, v9;
	v6 =	vadd.s32 v13, v6;
	v55 =	vshrl.u32 v13, $0x13  }
0x366: {  	v13 =	vshll.u32 v13, $0xD;
	v10 =	vxor.u32 v3, v16;
	v11 =	vadd.s32 $0x1BD11BF4, v11  }
0x367: {  	v12 =	vadd.s32 $0x1BD11BF4, v48;
	v14 =	vadd.s32 $0x1BD11BF4, v50;
	v15 =	vadd.s32 $0x1BD11BF4, v51  }
0x368: {  	v8 =	vadd.s32 v9, v8;
	v58 =	vshrl.u32 v9, $0x13;
	v9 =	vshll.u32 v9, $0xD  }
0x369: {  	v6 =	vadd.s32 $0x2A, v6;
	v13 =	vor.u32 v55, v13;
	v10 =	vadd.s32 $0x1BD11BF4, v10  }
0x36a: {  	v2 =	vadd.s32 v11, v2;
	v53 =	vshrl.u32 v11, $0x13;
	v11 =	vshll.u32 v11, $0xD  }
0x36b: {  	v4 =	vadd.s32 v12, v4;
	v54 =	vshrl.u32 v12, $0x13;
	v12 =	vshll.u32 v12, $0xD  }
0x36c: {  	v7 =	vadd.s32 v14, v7;
	v56 =	vshrl.u32 v14, $0x13;
	v14 =	vshll.u32 v14, $0xD  }
0x36d: {  	v5 =	vadd.s32 v15, v5;
	v57 =	vshrl.u32 v15, $0x13;
	v15 =	vshll.u32 v15, $0xD  }
0x36e: {  	v8 =	vadd.s32 $0x2A, v8;
	v9 =	vor.u32 v58, v9;
	v13 =	vxor.u32 v6, v13  }
0x36f: {  	v3 =	vadd.s32 v10, v3;
	v52 =	vshrl.u32 v10, $0x13;
	v10 =	vshll.u32 v10, $0xD  }
0x370: {  	v2 =	vadd.s32 $0x2A, v2;
	v11 =	vor.u32 v53, v11;
	v4 =	vadd.s32 $0x2A, v4  }
0x371: {  	v12 =	vor.u32 v54, v12;
	v7 =	vadd.s32 $0x2A, v7;
	v14 =	vor.u32 v56, v14  }
0x372: {  	v5 =	vadd.s32 $0x2A, v5;
	v15 =	vor.u32 v57, v15;
	v9 =	vxor.u32 v8, v9  }
0x373: {  	v33 =	vshrl.u32 v13, $0x11;
	v34 =	vshll.u32 v13, $0xF;
	v6 =	vadd.s32 v6, v13  }
0x374: {  	v3 =	vadd.s32 $0x2A, v3;
	v10 =	vor.u32 v52, v10;
	v11 =	vxor.u32 v2, v11  }
0x375: {  	v12 =	vxor.u32 v4, v12;
	v14 =	vxor.u32 v7, v14;
	v15 =	vxor.u32 v5, v15  }
0x376: {  	v39 =	vshrl.u32 v9, $0x11;
	v40 =	vshll.u32 v9, $0xF;
	v43 =	vor.u32 v33, v34  }
0x377: {  	v8 =	vadd.s32 v8, v9;
	v10 =	vxor.u32 v3, v10;
	v61 =	vshrl.u32 v11, $0x11  }
0x378: {  	v62 =	vshll.u32 v11, $0xF;
	v63 =	vshrl.u32 v12, $0x11;
	v32 =	vshll.u32 v12, $0xF  }
0x379: {  	v35 =	vshrl.u32 v14, $0x11;
	v36 =	vshll.u32 v14, $0xF;
	v37 =	vshrl.u32 v15, $0x11  }
0x37a: {  	v38 =	vshll.u32 v15, $0xF;
	v2 =	vadd.s32 v2, v11;
	v4 =	vadd.s32 v4, v12  }
0x37b: {  	v7 =	vadd.s32 v7, v14;
	v5 =	vadd.s32 v5, v15;
	v9 =	vor.u32 v39, v40  }
0x37c: {  	v13 =	vxor.u32 v6, v43;
	v59 =	vshrl.u32 v10, $0x11;
	v60 =	vshll.u32 v10, $0xF  }
0x37d: {  	v41 =	vor.u32 v61, v62;
	v42 =	vor.u32 v63, v32;
	v44 =	vor.u32 v35, v36  }
0x37e: {  	v45 =	vor.u32 v37, v38;
	v3 =	vadd.s32 v3, v10;
	v9 =	vxor.u32 v8, v9  }
0x37f: {  	v51 =	vshrl.u32 v13, $0x6;
	v52 =	vshll.u32 v13, $0x1A;
	v6 =	vadd.s32 v6, v13  }
0x380: {  	v16 =	vor.u32 v59, v60;
	v11 =	vxor.u32 v2, v41;
	v12 =	vxor.u32 v4, v42  }
0x381: {  	v14 =	vxor.u32 v7, v44;
	v15 =	vxor.u32 v5, v45;
	v57 =	vshrl.u32 v9, $0x6  }
0x382: {  	v58 =	vshll.u32 v9, $0x1A;
	v60 =	vor.u32 v51, v52;
	v8 =	vadd.s32 v8, v9  }
0x383: {  	v10 =	vxor.u32 v3, v16;
	v47 =	vshrl.u32 v11, $0x6;
	v48 =	vshll.u32 v11, $0x1A  }
0x384: {  	v49 =	vshrl.u32 v12, $0x6;
	v50 =	vshll.u32 v12, $0x1A;
	v53 =	vshrl.u32 v14, $0x6  }
0x385: {  	v54 =	vshll.u32 v14, $0x1A;
	v55 =	vshrl.u32 v15, $0x6;
	v56 =	vshll.u32 v15, $0x1A  }
0x386: {  	v2 =	vadd.s32 v2, v11;
	v4 =	vadd.s32 v4, v12;
	v7 =	vadd.s32 v7, v14  }
0x387: {  	v5 =	vadd.s32 v5, v15;
	v11 =	vor.u32 v57, v58;
	v32 =	vxor.u32 v6, v60  }
0x388: {  	v16 =	vshrl.u32 v10, $0x6;
	v46 =	vshll.u32 v10, $0x1A;
	v18 =	vor.u32 v47, v48  }
0x389: {  	v59 =	vor.u32 v49, v50;
	v3 =	vadd.s32 v3, v10;
	v10 =	vor.u32 v53, v54  }
0x38a: {  	v61 =	vor.u32 v55, v56;
	v11 =	vxor.u32 v8, v11;
	v39 =	vshrl.u32 v32, $0x1A  }
0x38b: {  	v40 =	vshll.u32 v32, $0x6;
	v6 =	vadd.s32 v6, v32;
	v16 =	vor.u32 v16, v46  }
0x38c: {  	v63 =	vxor.u32 v2, v18;
	v9 =	vxor.u32 v4, v59;
	v10 =	vxor.u32 v7, v10  }
0x38d: {  	v34 =	vxor.u32 v5, v61;
	v45 =	vshrl.u32 v11, $0x1A;
	v47 =	vshll.u32 v11, $0x6  }
0x38e: {  	v49 =	vor.u32 v39, v40;
	v8 =	vadd.s32 v8, v11;
	v62 =	vxor.u32 v3, v16  }
0x38f: {  	v18 =	vshrl.u32 v63, $0x1A;
	v36 =	vshll.u32 v63, $0x6;
	v37 =	vshrl.u32 v9, $0x1A  }
0x390: {  	v38 =	vshll.u32 v9, $0x6;
	v41 =	vshrl.u32 v10, $0x1A;
	v42 =	vshll.u32 v10, $0x6  }
0x391: {  	v43 =	vshrl.u32 v34, $0x1A;
	v44 =	vshll.u32 v34, $0x6;
	v2 =	vadd.s32 v2, v63  }
0x392: {  	v4 =	vadd.s32 v4, v9;
	v7 =	vadd.s32 v7, v10;
	v5 =	vadd.s32 v5, v34  }
0x393: {  	v9 =	vor.u32 v45, v47;
	v54 =	vxor.u32 v6, v49;
	v6 =	vadd.s32 $0x1BD11BF0, v6  }
0x394: {  	v33 =	vshrl.u32 v62, $0x1A;
	v35 =	vshll.u32 v62, $0x6;
	v46 =	vor.u32 v18, v36  }
0x395: {  	v60 =	vld [tilespmem:s14+$0x10];
	v48 =	vor.u32 v37, v38;
	v50 =	vor.u32 v41, v42;
	v3 =	vadd.s32 v3, v62  }
0x396: {  	v51 =	vor.u32 v43, v44;
	v9 =	vxor.u32 v8, v9;
	v8 =	vadd.s32 $0x1BD11BF0, v8  }
0x397: {  	v15 =	vor.u32 v33, v35;
	v11 =	vxor.u32 v2, v46;
	v52 =	vxor.u32 v4, v48  }
0x398: {  	v58 =	vld [tilespmem:s14+$0xFFFFFFF0];
	v55 =	vxor.u32 v7, v50;
	v12 =	vxor.u32 v5, v51;
	v9 =	vadd.s32 $0x5, v9  }
0x399: {  	v2 =	vadd.s32 $0x1BD11BF0, v2;
	v4 =	vadd.s32 $0x1BD11BF0, v4;
	v7 =	vadd.s32 $0x1BD11BF0, v7  }
0x39a: {  	v56 =	vld [tilespmem:s14+$0xFFFFFFD0];
	v5 =	vadd.s32 $0x1BD11BF0, v5;
	v63 =	vmul.f32 $1.111111160e+00, v60;
	v10 =	vxor.u32 v3, v15  }
0x39b: {  	v59 =	vld [tilespmem:s14+$0x0];
	v11 =	vadd.s32 $0x5, v11;
	v13 =	vadd.s32 $0x5, v52;
	v15 =	vadd.s32 $0x5, v54  }
0x39c: {  	v53 =	vld [tilespmem:s14+$0xFFFFFFC0];
	v16 =	vadd.s32 $0x5, v55;
	v3 =	vadd.s32 $0x1BD11BF0, v3;
	v12 =	vadd.s32 $0x5, v12  }
0x39d: {  	v61 =	vld [tilespmem:s14+$0x30];
	v8 =	vxor.u32 v8, v9;
	v9 =	vmul.f32 $1.111111160e+00, v58;
	v10 =	vadd.s32 $0x5, v10  }
0x39e: {  	v57 =	vld [tilespmem:s14+$0xFFFFFFE0];
	v2 =	vxor.u32 v2, v11;
	v4 =	vxor.u32 v4, v13;
	v6 =	vxor.u32 v6, v15  }
0x39f: {  	v7 =	vxor.u32 v7, v16;
	v5 =	vxor.u32 v5, v12;
	v11 =	vmul.f32 $1.111111160e+00, v56  }
0x3a0: {  	v62 =	vmul.f32 $1.111111160e+00, v59;
	vm0 =	vgt.u32 v8, $0x199999FF;
	v3 =	vxor.u32 v3, v10  }
0x3a1: {  	v10 =	vmul.f32 $1.111111160e+00, v53;
	vm2 =	vgt.u32 v2, $0x199999FF;
	vm3 =	vgt.u32 v4, $0x199999FF  }
0x3a2: {  	vm4 =	vgt.u32 v6, $0x199999FF;
	v2 =	vmul.f32 $1.111111160e+00, v61;
	vm5 =	vgt.u32 v7, $0x199999FF  }
0x3a3: {  	s18 =	simm.s32 $0x1040;
	vm6 =	vgt.u32 v5, $0x199999FF;
	vm1 =	vgt.u32 v3, $0x199999FF;
	v3 =	vmul.f32 $1.111111160e+00, v57  }
0x3a4: {  	s19 =	simm.s32 $0x0;
	s20 =	simm.s32 $0x28F0F0;
	[tilespmem:s18+$0x20] =	vst v1;
	v4 =	vnsel vm2, $0x0, v11;
	v5 =	vnsel vm4, $0x0, v9;
	v1 =	vnsel vm1, $0x0, v10  }
0x3a5: {  	s17 =	simm.s32 $0x1580;
	s15 =	simm.s32 $0x28F580;
	s16 =	simm.s32 $0x580;
	v6 =	vnsel vm5, $0x0, v62;
	v8 =	vnsel vm6, $0x0, v63;
	v3 =	vnsel vm3, $0x0, v3;
	[tilespmem:s18+$0xFFFFFFC0] =	vst v1  }
.LBB2_7:
0x3a6: {  	s21 =	sadd.s32 $0xFFFFFFA0, s20;
	s22 =	sadd.s32 $0xFFFFFFF0, s20;
	v1 =	vadd.s32 s20, v0;
	s19 =	sadd.s32 $0x8, s19;
	[tilespmem:s18+$0xFFFFFFD0] =	vst v4;
	v9 =	vnsel vm0, $0x0, v2  }
0x3a7: {  	s23 =	sadd.s32 $0xFFFFFFC0, s20;
	v2 =	vadd.s32 s21, v0;
	s21 =	sadd.s32 $0xFFFFFFB0, s20;
	v10 =	vadd.s32 s22, v0;
	v11 =	vshll.u32 v1, $0xD;
	p1 =	slt.u32 s19, $0x50;
	[tilespmem:s18+$0xFFFFFFE0] =	vst v3  }
0x3a8: {  	s22 =	sadd.s32 $0xFFFFFF90, s20;
	v3 =	vadd.s32 s23, v0;
	s23 =	sadd.s32 $0xFFFFFFE0, s20;
	v4 =	vadd.s32 s21, v0;
	s21 =	sadd.s32 $0xFFFFFFD0, s20;
	v12 =	vshll.u32 v10, $0xD;
	[tilespmem:s18+$0xFFFFFFF0] =	vst v5  }
0x3a9: {  	v7 =	vor.u32 s22, v0;
	v5 =	vor.u32 s21, v0;
	v12 =	vor.u32 $0x5, v12;
	[tilespmem:s18+$0x0] =	vst v6  }
0x3aa: {  	v13 =	vshll.u32 v7, $0xD;
	v6 =	vadd.s32 s23, v0;
	v12 =	vxor.u32 v10, v12;
	[tilespmem:s18+$0x10] =	vst v8  }
0x3ab: {  	v8 =	vshll.u32 v2, $0xD;
	v14 =	vshrl.u32 v12, $0x11;
	v15 =	vshll.u32 v12, $0xF;
	[tilespmem:s18+$0x30] =	vst v9  }
0x3ac: {  	v9 =	vshll.u32 v4, $0xD;
	v10 =	vadd.s32 v10, v12;
	v12 =	vor.u32 v14, v15  }
0x3ad: {  	v14 =	vshll.u32 v3, $0xD;
	v15 =	vshll.u32 v5, $0xD;
	v12 =	vxor.u32 v10, v12  }
0x3ae: {  	v16 =	vshll.u32 v6, $0xD;
	v17 =	vshrl.u32 v12, $0x6;
	v18 =	vshll.u32 v12, $0x1A  }
0x3af: {  	v13 =	vor.u32 $0x5, v13;
	v10 =	vadd.s32 v10, v12;
	v12 =	vor.u32 v17, v18  }
0x3b0: {  	v8 =	vor.u32 $0x5, v8;
	v9 =	vor.u32 $0x5, v9;
	v12 =	vxor.u32 v10, v12  }
0x3b1: {  	v14 =	vor.u32 $0x5, v14;
	v17 =	vshrl.u32 v12, $0x1A;
	v18 =	vshll.u32 v12, $0x6  }
0x3b2: {  	v15 =	vor.u32 $0x5, v15;
	v10 =	vadd.s32 v10, v12;
	v12 =	vor.u32 v17, v18  }
0x3b3: {  	v11 =	vor.u32 $0x5, v11;
	v16 =	vor.u32 $0x5, v16;
	v12 =	vxor.u32 v10, v12  }
0x3b4: {  	v13 =	vxor.u32 v7, v13;
	v8 =	vxor.u32 v2, v8;
	v12 =	vadd.s32 $0x1BD11BF1, v12  }
0x3b5: {  	v10 =	vadd.s32 v12, v10;
	v17 =	vshrl.u32 v12, $0xF;
	v12 =	vshll.u32 v12, $0x11  }
0x3b6: {  	v9 =	vxor.u32 v4, v9;
	v10 =	vadd.s32 $0x2A, v10;
	v12 =	vor.u32 v17, v12  }
0x3b7: {  	v14 =	vxor.u32 v3, v14;
	v15 =	vxor.u32 v5, v15;
	v12 =	vxor.u32 v10, v12  }
0x3b8: {  	v16 =	vxor.u32 v6, v16;
	v17 =	vshrl.u32 v12, $0x3;
	v18 =	vshll.u32 v12, $0x1D  }
0x3b9: {  	v11 =	vxor.u32 v1, v11;
	v10 =	vadd.s32 v10, v12;
	v12 =	vor.u32 v17, v18  }
0x3ba: {  	v17 =	vshrl.u32 v13, $0x11;
	v18 =	vshll.u32 v13, $0xF;
	v12 =	vxor.u32 v10, v12  }
0x3bb: {  	v19 =	vshrl.u32 v8, $0x11;
	v20 =	vshrl.u32 v12, $0x10;
	v21 =	vshll.u32 v12, $0x10  }
0x3bc: {  	v22 =	vshll.u32 v8, $0xF;
	v10 =	vadd.s32 v10, v12;
	v12 =	vor.u32 v20, v21  }
0x3bd: {  	v20 =	vshrl.u32 v9, $0x11;
	v21 =	vshll.u32 v9, $0xF;
	v12 =	vxor.u32 v10, v12  }
0x3be: {  	v23 =	vshrl.u32 v14, $0x11;
	v24 =	vshrl.u32 v12, $0x8;
	v25 =	vshll.u32 v12, $0x18  }
0x3bf: {  	v26 =	vshll.u32 v14, $0xF;
	v10 =	vadd.s32 v10, v12;
	v12 =	vor.u32 v24, v25  }
0x3c0: {  	v24 =	vshrl.u32 v15, $0x11;
	v25 =	vshll.u32 v15, $0xF;
	v12 =	vxor.u32 v10, v12  }
0x3c1: {  	v27 =	vshrl.u32 v16, $0x11;
	v28 =	vshll.u32 v16, $0xF;
	v12 =	vadd.s32 $0x2, v12  }
0x3c2: {  	v10 =	vadd.s32 v12, v10;
	v29 =	vshrl.u32 v12, $0x13;
	v12 =	vshll.u32 v12, $0xD  }
0x3c3: {  	v10 =	vadd.s32 $0x1BD11BF0, v10;
	v12 =	vor.u32 v29, v12;
	v29 =	vshrl.u32 v11, $0x11  }
0x3c4: {  	v17 =	vor.u32 v17, v18;
	v18 =	vshll.u32 v11, $0xF;
	v12 =	vxor.u32 v10, v12  }
0x3c5: {  	v19 =	vor.u32 v19, v22;
	v22 =	vshrl.u32 v12, $0x11;
	v30 =	vshll.u32 v12, $0xF  }
0x3c6: {  	v20 =	vor.u32 v20, v21;
	v10 =	vadd.s32 v10, v12;
	v12 =	vor.u32 v22, v30  }
0x3c7: {  	v21 =	vor.u32 v23, v26;
	v22 =	vor.u32 v24, v25;
	v12 =	vxor.u32 v10, v12  }
0x3c8: {  	v23 =	vor.u32 v27, v28;
	v24 =	vshrl.u32 v12, $0x6;
	v25 =	vshll.u32 v12, $0x1A  }
0x3c9: {  	v7 =	vadd.s32 v7, v13;
	v10 =	vadd.s32 v10, v12;
	v12 =	vor.u32 v24, v25  }
0x3ca: {  	v2 =	vadd.s32 v2, v8;
	v4 =	vadd.s32 v4, v9;
	v8 =	vxor.u32 v10, v12  }
0x3cb: {  	v3 =	vadd.s32 v3, v14;
	v9 =	vshrl.u32 v8, $0x1A;
	v12 =	vshll.u32 v8, $0x6  }
0x3cc: {  	v5 =	vadd.s32 v5, v15;
	v8 =	vadd.s32 v10, v8;
	v9 =	vor.u32 v9, v12  }
0x3cd: {  	v6 =	vadd.s32 v6, v16;
	v10 =	vor.u32 v29, v18;
	v9 =	vxor.u32 v8, v9  }
0x3ce: {  	v11 =	vadd.s32 v1, v11;
	v12 =	vxor.u32 v7, v17;
	v9 =	vadd.s32 $0x2D, v9  }
0x3cf: {  	v1 =	vxor.u32 v2, v19;
	v13 =	vshrl.u32 v9, $0xF;
	v14 =	vshll.u32 v9, $0x11  }
0x3d0: {  	v15 =	vxor.u32 v4, v20;
	v8 =	vadd.s32 v8, v9;
	v9 =	vor.u32 v13, v14  }
0x3d1: {  	v13 =	vxor.u32 v3, v21;
	v14 =	vxor.u32 v5, v22;
	v9 =	vxor.u32 v8, v9  }
0x3d2: {  	v16 =	vxor.u32 v6, v23;
	v17 =	vshrl.u32 v9, $0x3;
	v18 =	vshll.u32 v9, $0x1D  }
0x3d3: {  	v10 =	vxor.u32 v11, v10;
	v8 =	vadd.s32 v8, v9;
	v9 =	vor.u32 v17, v18  }
0x3d4: {  	v17 =	vshrl.u32 v12, $0x6;
	v18 =	vshll.u32 v12, $0x1A;
	v9 =	vxor.u32 v8, v9  }
0x3d5: {  	v19 =	vshrl.u32 v1, $0x6;
	v20 =	vshrl.u32 v9, $0x10;
	v21 =	vshll.u32 v9, $0x10  }
0x3d6: {  	v22 =	vshll.u32 v1, $0x1A;
	v8 =	vadd.s32 v8, v9;
	v9 =	vor.u32 v20, v21  }
0x3d7: {  	v20 =	vshrl.u32 v15, $0x6;
	v21 =	vshll.u32 v15, $0x1A;
	v9 =	vxor.u32 v8, v9  }
0x3d8: {  	v23 =	vshrl.u32 v13, $0x6;
	v24 =	vshrl.u32 v9, $0x8;
	v25 =	vshll.u32 v9, $0x18  }
0x3d9: {  	v26 =	vshll.u32 v13, $0x1A;
	v8 =	vadd.s32 v8, v9;
	v9 =	vor.u32 v24, v25  }
0x3da: {  	v24 =	vshrl.u32 v14, $0x6;
	v25 =	vshll.u32 v14, $0x1A;
	v9 =	vxor.u32 v8, v9  }
0x3db: {  	v27 =	vshrl.u32 v16, $0x6;
	v28 =	vshll.u32 v16, $0x1A;
	v9 =	vadd.s32 $0x1BD11BF4, v9  }
0x3dc: {  	v8 =	vadd.s32 v9, v8;
	v29 =	vshrl.u32 v9, $0x13;
	v9 =	vshll.u32 v9, $0xD  }
0x3dd: {  	v8 =	vadd.s32 $0x2A, v8;
	v9 =	vor.u32 v29, v9;
	v29 =	vshrl.u32 v10, $0x6  }
0x3de: {  	v17 =	vor.u32 v17, v18;
	v18 =	vshll.u32 v10, $0x1A;
	v9 =	vxor.u32 v8, v9  }
0x3df: {  	v19 =	vor.u32 v19, v22;
	v22 =	vshrl.u32 v9, $0x11;
	v30 =	vshll.u32 v9, $0xF  }
0x3e0: {  	v20 =	vor.u32 v20, v21;
	v8 =	vadd.s32 v8, v9;
	v9 =	vor.u32 v22, v30  }
0x3e1: {  	v21 =	vor.u32 v23, v26;
	v22 =	vor.u32 v24, v25;
	v9 =	vxor.u32 v8, v9  }
0x3e2: {  	v23 =	vor.u32 v27, v28;
	v24 =	vshrl.u32 v9, $0x6;
	v25 =	vshll.u32 v9, $0x1A  }
0x3e3: {  	s14 =	sadd.s32 $0x80, s14;
	v12 =	vadd.s32 v7, v12;
	v7 =	vadd.s32 v8, v9;
	v8 =	vor.u32 v24, v25  }
0x3e4: {  	v15 =	vadd.s32 v4, v15;
	v9 =	vadd.s32 v2, v1;
	v4 =	vxor.u32 v7, v8;
	v8 =	vld [tilespmem:s14+$0x20]  }
0x3e5: {  	v13 =	vadd.s32 v3, v13;
	v1 =	vld [tilespmem:s14+$0xFFFFFFC0];
	v3 =	vshrl.u32 v4, $0x1A;
	v24 =	vshll.u32 v4, $0x6  }
0x3e6: {  	v14 =	vadd.s32 v5, v14;
	v5 =	vadd.s32 v7, v4;
	v2 =	vld [tilespmem:s14+$0xFFFFFFD0];
	v4 =	vor.u32 v3, v24  }
0x3e7: {  	v16 =	vadd.s32 v6, v16;
	v18 =	vor.u32 v29, v18;
	v3 =	vld [tilespmem:s14+$0xFFFFFFE0];
	v6 =	vxor.u32 v5, v4  }
0x3e8: {  	v10 =	vadd.s32 v11, v10;
	v7 =	vadd.s32 $0x1BD11BF0, v5;
	v4 =	vld [tilespmem:s14+$0xFFFFFFF0];
	v6 =	vadd.s32 $0x5, v6  }
0x3e9: {  	v11 =	vxor.u32 v12, v17;
	v5 =	vld [tilespmem:s14+$0x0];
	v7 =	vxor.u32 v7, v6;
	v8 =	vmul.f32 $1.111111160e+00, v8  }
0x3ea: {  	v17 =	vxor.u32 v9, v19;
	v19 =	vxor.u32 v15, v20;
	v6 =	vld [tilespmem:s14+$0x10];
	vm0 =	vgt.u32 v7, $0x199999FF  }
0x3eb: {  	s18 =	sadd.s32 $0x80, s18;
	v20 =	vxor.u32 v13, v21;
	v21 =	vxor.u32 v14, v22;
	v8 =	vnsel vm0, $0x0, v8;
	v7 =	vld [tilespmem:s14+$0x30]  }
0x3ec: {  	v23 =	vxor.u32 v16, v23;
	v22 =	vshrl.u32 v11, $0x1A;
	[tilespmem:s18+$0x20] =	vst v8;
	v8 =	vxor.u32 v10, v18  }
0x3ed: {  	v25 =	vshll.u32 v17, $0x6;
	v24 =	vshrl.u32 v17, $0x1A;
	v18 =	vshll.u32 v11, $0x6  }
0x3ee: {  	v26 =	vshrl.u32 v19, $0x1A;
	v27 =	vshll.u32 v19, $0x6;
	v28 =	vshrl.u32 v20, $0x1A  }
0x3ef: {  	v29 =	vshll.u32 v20, $0x6;
	v30 =	vshrl.u32 v21, $0x1A;
	v31 =	vshll.u32 v21, $0x6  }
0x3f0: {  	v32 =	vshrl.u32 v23, $0x1A;
	v33 =	vshll.u32 v23, $0x6;
	v34 =	vshrl.u32 v8, $0x1A  }
0x3f1: {  	v18 =	vor.u32 v22, v18;
	v22 =	vor.u32 v24, v25;
	v24 =	vshll.u32 v8, $0x6  }
0x3f2: {  	v25 =	vor.u32 v26, v27;
	v26 =	vor.u32 v28, v29;
	v27 =	vor.u32 v30, v31  }
0x3f3: {  	v9 =	vadd.s32 v9, v17;
	v11 =	vadd.s32 v12, v11;
	v12 =	vor.u32 v32, v33  }
0x3f4: {  	v15 =	vadd.s32 v15, v19;
	v13 =	vadd.s32 v13, v20;
	v14 =	vadd.s32 v14, v21  }
0x3f5: {  	v16 =	vadd.s32 v16, v23;
	v8 =	vadd.s32 v10, v8;
	v10 =	vor.u32 v34, v24  }
0x3f6: {  	v17 =	vxor.u32 v11, v18;
	v18 =	vxor.u32 v9, v22;
	v19 =	vxor.u32 v15, v25  }
0x3f7: {  	v12 =	vxor.u32 v16, v12;
	v20 =	vxor.u32 v13, v26;
	v21 =	vxor.u32 v14, v27  }
0x3f8: {  	v17 =	vadd.s32 $0x1BD11BF1, v17;
	v18 =	vadd.s32 $0x1BD11BF1, v18;
	v10 =	vxor.u32 v8, v10  }
0x3f9: {  	v19 =	vadd.s32 $0x1BD11BF1, v19;
	v20 =	vadd.s32 $0x1BD11BF1, v20;
	v21 =	vadd.s32 $0x1BD11BF1, v21  }
0x3fa: {  	v12 =	vadd.s32 $0x1BD11BF1, v12;
	v11 =	vadd.s32 v17, v11;
	v10 =	vadd.s32 $0x1BD11BF1, v10  }
0x3fb: {  	v22 =	vshrl.u32 v17, $0xF;
	v17 =	vshll.u32 v17, $0x11;
	v9 =	vadd.s32 v18, v9  }
0x3fc: {  	v23 =	vshrl.u32 v18, $0xF;
	v18 =	vshll.u32 v18, $0x11;
	v15 =	vadd.s32 v19, v15  }
0x3fd: {  	v24 =	vshrl.u32 v19, $0xF;
	v19 =	vshll.u32 v19, $0x11;
	v13 =	vadd.s32 v20, v13  }
0x3fe: {  	v25 =	vshrl.u32 v20, $0xF;
	v20 =	vshll.u32 v20, $0x11;
	v14 =	vadd.s32 v21, v14  }
0x3ff: {  	v16 =	vadd.s32 v12, v16;
	v26 =	vshrl.u32 v21, $0xF;
	v21 =	vshll.u32 v21, $0x11  }
0x400: {  	v27 =	vshrl.u32 v12, $0xF;
	v12 =	vshll.u32 v12, $0x11;
	v8 =	vadd.s32 v10, v8  }
0x401: {  	v11 =	vadd.s32 $0x2A, v11;
	v28 =	vshrl.u32 v10, $0xF;
	v10 =	vshll.u32 v10, $0x11  }
0x402: {  	v17 =	vor.u32 v22, v17;
	v9 =	vadd.s32 $0x2A, v9;
	v18 =	vor.u32 v23, v18  }
0x403: {  	v15 =	vadd.s32 $0x2A, v15;
	v19 =	vor.u32 v24, v19;
	v13 =	vadd.s32 $0x2A, v13  }
0x404: {  	v20 =	vor.u32 v25, v20;
	v14 =	vadd.s32 $0x2A, v14;
	v21 =	vor.u32 v26, v21  }
0x405: {  	v16 =	vadd.s32 $0x2A, v16;
	v12 =	vor.u32 v27, v12;
	v8 =	vadd.s32 $0x2A, v8  }
0x406: {  	v17 =	vxor.u32 v11, v17;
	v18 =	vxor.u32 v9, v18;
	v10 =	vor.u32 v28, v10  }
0x407: {  	v19 =	vxor.u32 v15, v19;
	v20 =	vxor.u32 v13, v20;
	v21 =	vxor.u32 v14, v21  }
0x408: {  	v12 =	vxor.u32 v16, v12;
	v22 =	vshrl.u32 v17, $0x3;
	v10 =	vxor.u32 v8, v10  }
0x409: {  	v23 =	vshll.u32 v17, $0x1D;
	v24 =	vshrl.u32 v18, $0x3;
	v25 =	vshll.u32 v18, $0x1D  }
0x40a: {  	v26 =	vshrl.u32 v19, $0x3;
	v27 =	vshll.u32 v19, $0x1D;
	v28 =	vshrl.u32 v20, $0x3  }
0x40b: {  	v29 =	vshll.u32 v20, $0x1D;
	v30 =	vshrl.u32 v21, $0x3;
	v31 =	vshll.u32 v21, $0x1D  }
0x40c: {  	v32 =	vshrl.u32 v12, $0x3;
	v33 =	vshll.u32 v12, $0x1D;
	v34 =	vshrl.u32 v10, $0x3  }
0x40d: {  	v22 =	vor.u32 v22, v23;
	v23 =	vor.u32 v24, v25;
	v24 =	vshll.u32 v10, $0x1D  }
0x40e: {  	v25 =	vor.u32 v26, v27;
	v26 =	vor.u32 v28, v29;
	v27 =	vor.u32 v30, v31  }
0x40f: {  	v11 =	vadd.s32 v11, v17;
	v9 =	vadd.s32 v9, v18;
	v17 =	vor.u32 v32, v33  }
0x410: {  	v15 =	vadd.s32 v15, v19;
	v13 =	vadd.s32 v13, v20;
	v14 =	vadd.s32 v14, v21  }
0x411: {  	v12 =	vadd.s32 v16, v12;
	v8 =	vadd.s32 v8, v10;
	v10 =	vor.u32 v34, v24  }
0x412: {  	v16 =	vxor.u32 v11, v22;
	v18 =	vxor.u32 v9, v23;
	v19 =	vxor.u32 v15, v25  }
0x413: {  	v17 =	vxor.u32 v12, v17;
	v20 =	vxor.u32 v13, v26;
	v21 =	vxor.u32 v14, v27  }
0x414: {  	v22 =	vshrl.u32 v16, $0x10;
	v23 =	vshll.u32 v16, $0x10;
	v10 =	vxor.u32 v8, v10  }
0x415: {  	v24 =	vshrl.u32 v18, $0x10;
	v25 =	vshll.u32 v18, $0x10;
	v26 =	vshrl.u32 v19, $0x10  }
0x416: {  	v27 =	vshll.u32 v19, $0x10;
	v28 =	vshrl.u32 v20, $0x10;
	v29 =	vshll.u32 v20, $0x10  }
0x417: {  	v32 =	vshrl.u32 v17, $0x10;
	v30 =	vshrl.u32 v21, $0x10;
	v31 =	vshll.u32 v21, $0x10  }
0x418: {  	v33 =	vshll.u32 v17, $0x10;
	v34 =	vshrl.u32 v10, $0x10;
	v35 =	vshll.u32 v10, $0x10  }
0x419: {  	v22 =	vor.u32 v22, v23;
	v23 =	vor.u32 v24, v25;
	v24 =	vor.u32 v26, v27  }
0x41a: {  	v25 =	vor.u32 v28, v29;
	v26 =	vor.u32 v30, v31;
	v27 =	vor.u32 v32, v33  }
0x41b: {  	v11 =	vadd.s32 v11, v16;
	v9 =	vadd.s32 v9, v18;
	v15 =	vadd.s32 v15, v19  }
0x41c: {  	v12 =	vadd.s32 v12, v17;
	v13 =	vadd.s32 v13, v20;
	v14 =	vadd.s32 v14, v21  }
0x41d: {  	v8 =	vadd.s32 v8, v10;
	v16 =	vxor.u32 v11, v22;
	v10 =	vor.u32 v34, v35  }
0x41e: {  	v17 =	vxor.u32 v9, v23;
	v18 =	vxor.u32 v15, v24;
	v19 =	vxor.u32 v13, v25  }
0x41f: {  	v20 =	vxor.u32 v14, v26;
	v21 =	vxor.u32 v12, v27;
	v10 =	vxor.u32 v8, v10  }
0x420: {  	v22 =	vshrl.u32 v16, $0x8;
	v23 =	vshll.u32 v16, $0x18;
	v24 =	vshrl.u32 v17, $0x8  }
0x421: {  	v25 =	vshll.u32 v17, $0x18;
	v26 =	vshrl.u32 v18, $0x8;
	v27 =	vshll.u32 v18, $0x18  }
0x422: {  	v28 =	vshrl.u32 v19, $0x8;
	v29 =	vshll.u32 v19, $0x18;
	v30 =	vshrl.u32 v20, $0x8  }
0x423: {  	v31 =	vshll.u32 v20, $0x18;
	v32 =	vshrl.u32 v21, $0x8;
	v33 =	vshll.u32 v21, $0x18  }
0x424: {  	v22 =	vor.u32 v22, v23;
	v23 =	vshrl.u32 v10, $0x8;
	v34 =	vshll.u32 v10, $0x18  }
0x425: {  	v24 =	vor.u32 v24, v25;
	v25 =	vor.u32 v26, v27;
	v26 =	vor.u32 v28, v29  }
0x426: {  	v11 =	vadd.s32 v11, v16;
	v16 =	vor.u32 v30, v31;
	v27 =	vor.u32 v32, v33  }
0x427: {  	v9 =	vadd.s32 v9, v17;
	v15 =	vadd.s32 v15, v18;
	v13 =	vadd.s32 v13, v19  }
0x428: {  	v14 =	vadd.s32 v14, v20;
	v12 =	vadd.s32 v12, v21;
	v17 =	vor.u32 v23, v34  }
0x429: {  	v8 =	vadd.s32 v8, v10;
	v18 =	vxor.u32 v11, v22;
	v19 =	vxor.u32 v9, v24  }
0x42a: {  	v10 =	vxor.u32 v15, v25;
	v20 =	vxor.u32 v13, v26;
	v16 =	vxor.u32 v14, v16  }
0x42b: {  	v21 =	vxor.u32 v12, v27;
	v18 =	vadd.s32 $0x2, v18;
	v17 =	vxor.u32 v8, v17  }
0x42c: {  	v19 =	vadd.s32 $0x2, v19;
	v10 =	vadd.s32 $0x2, v10;
	v20 =	vadd.s32 $0x2, v20  }
0x42d: {  	v16 =	vadd.s32 $0x2, v16;
	v21 =	vadd.s32 $0x2, v21;
	v17 =	vadd.s32 $0x2, v17  }
0x42e: {  	v11 =	vadd.s32 v18, v11;
	v22 =	vshrl.u32 v18, $0x13;
	v18 =	vshll.u32 v18, $0xD  }
0x42f: {  	v9 =	vadd.s32 v19, v9;
	v23 =	vshrl.u32 v19, $0x13;
	v19 =	vshll.u32 v19, $0xD  }
0x430: {  	v15 =	vadd.s32 v10, v15;
	v24 =	vshrl.u32 v10, $0x13;
	v10 =	vshll.u32 v10, $0xD  }
0x431: {  	v13 =	vadd.s32 v20, v13;
	v25 =	vshrl.u32 v20, $0x13;
	v20 =	vshll.u32 v20, $0xD  }
0x432: {  	v14 =	vadd.s32 v16, v14;
	v26 =	vshrl.u32 v16, $0x13;
	v16 =	vshll.u32 v16, $0xD  }
0x433: {  	v12 =	vadd.s32 v21, v12;
	v27 =	vshrl.u32 v21, $0x13;
	v21 =	vshll.u32 v21, $0xD  }
0x434: {  	v8 =	vadd.s32 v17, v8;
	v28 =	vshrl.u32 v17, $0x13;
	v17 =	vshll.u32 v17, $0xD  }
0x435: {  	v11 =	vadd.s32 $0x1BD11BF0, v11;
	v18 =	vor.u32 v22, v18;
	v9 =	vadd.s32 $0x1BD11BF0, v9  }
0x436: {  	v19 =	vor.u32 v23, v19;
	v15 =	vadd.s32 $0x1BD11BF0, v15;
	v10 =	vor.u32 v24, v10  }
0x437: {  	v13 =	vadd.s32 $0x1BD11BF0, v13;
	v20 =	vor.u32 v25, v20;
	v14 =	vadd.s32 $0x1BD11BF0, v14  }
0x438: {  	v16 =	vor.u32 v26, v16;
	v12 =	vadd.s32 $0x1BD11BF0, v12;
	v21 =	vor.u32 v27, v21  }
0x439: {  	v18 =	vxor.u32 v11, v18;
	v8 =	vadd.s32 $0x1BD11BF0, v8;
	v17 =	vor.u32 v28, v17  }
0x43a: {  	v19 =	vxor.u32 v9, v19;
	v10 =	vxor.u32 v15, v10;
	v20 =	vxor.u32 v13, v20  }
0x43b: {  	v16 =	vxor.u32 v14, v16;
	v21 =	vxor.u32 v12, v21;
	v17 =	vxor.u32 v8, v17  }
0x43c: {  	v22 =	vshrl.u32 v18, $0x11;
	v23 =	vshll.u32 v18, $0xF;
	v24 =	vshrl.u32 v19, $0x11  }
0x43d: {  	v25 =	vshll.u32 v19, $0xF;
	v26 =	vshrl.u32 v10, $0x11;
	v27 =	vshll.u32 v10, $0xF  }
0x43e: {  	v28 =	vshrl.u32 v20, $0x11;
	v29 =	vshll.u32 v20, $0xF;
	v30 =	vshrl.u32 v16, $0x11  }
0x43f: {  	v31 =	vshll.u32 v16, $0xF;
	v32 =	vshrl.u32 v21, $0x11;
	v33 =	vshll.u32 v21, $0xF  }
0x440: {  	v22 =	vor.u32 v22, v23;
	v23 =	vshrl.u32 v17, $0x11;
	v34 =	vshll.u32 v17, $0xF  }
0x441: {  	v24 =	vor.u32 v24, v25;
	v25 =	vor.u32 v26, v27;
	v26 =	vor.u32 v28, v29  }
0x442: {  	v11 =	vadd.s32 v11, v18;
	v18 =	vor.u32 v30, v31;
	v27 =	vor.u32 v32, v33  }
0x443: {  	v9 =	vadd.s32 v9, v19;
	v10 =	vadd.s32 v15, v10;
	v13 =	vadd.s32 v13, v20  }
0x444: {  	v14 =	vadd.s32 v14, v16;
	v12 =	vadd.s32 v12, v21;
	v15 =	vor.u32 v23, v34  }
0x445: {  	v8 =	vadd.s32 v8, v17;
	v16 =	vxor.u32 v11, v22;
	v19 =	vxor.u32 v9, v24  }
0x446: {  	v17 =	vxor.u32 v10, v25;
	v20 =	vxor.u32 v13, v26;
	v18 =	vxor.u32 v14, v18  }
0x447: {  	v22 =	vxor.u32 v12, v27;
	v21 =	vshrl.u32 v16, $0x6;
	v15 =	vxor.u32 v8, v15  }
0x448: {  	v23 =	vshll.u32 v16, $0x1A;
	v24 =	vshrl.u32 v19, $0x6;
	v25 =	vshll.u32 v19, $0x1A  }
0x449: {  	v26 =	vshrl.u32 v17, $0x6;
	v27 =	vshll.u32 v17, $0x1A;
	v28 =	vshrl.u32 v20, $0x6  }
0x44a: {  	v29 =	vshll.u32 v20, $0x1A;
	v30 =	vshrl.u32 v18, $0x6;
	v31 =	vshll.u32 v18, $0x1A  }
0x44b: {  	v32 =	vshrl.u32 v22, $0x6;
	v33 =	vshll.u32 v22, $0x1A;
	v34 =	vshrl.u32 v15, $0x6  }
0x44c: {  	v21 =	vor.u32 v21, v23;
	v23 =	vor.u32 v24, v25;
	v24 =	vshll.u32 v15, $0x1A  }
0x44d: {  	v25 =	vor.u32 v26, v27;
	v26 =	vor.u32 v28, v29;
	v27 =	vor.u32 v30, v31  }
0x44e: {  	v11 =	vadd.s32 v11, v16;
	v9 =	vadd.s32 v9, v19;
	v16 =	vor.u32 v32, v33  }
0x44f: {  	v10 =	vadd.s32 v10, v17;
	v13 =	vadd.s32 v13, v20;
	v14 =	vadd.s32 v14, v18  }
0x450: {  	v12 =	vadd.s32 v12, v22;
	v8 =	vadd.s32 v8, v15;
	v15 =	vor.u32 v34, v24  }
0x451: {  	v17 =	vxor.u32 v11, v21;
	v18 =	vxor.u32 v9, v23;
	v19 =	vxor.u32 v10, v25  }
0x452: {  	v20 =	vxor.u32 v13, v26;
	v21 =	vxor.u32 v14, v27;
	v16 =	vxor.u32 v12, v16  }
0x453: {  	v22 =	vshrl.u32 v17, $0x1A;
	v23 =	vshll.u32 v17, $0x6;
	v15 =	vxor.u32 v8, v15  }
0x454: {  	v24 =	vshrl.u32 v18, $0x1A;
	v25 =	vshll.u32 v18, $0x6;
	v26 =	vshrl.u32 v19, $0x1A  }
0x455: {  	v27 =	vshll.u32 v19, $0x6;
	v28 =	vshrl.u32 v20, $0x1A;
	v29 =	vshll.u32 v20, $0x6  }
0x456: {  	v30 =	vshrl.u32 v21, $0x1A;
	v31 =	vshll.u32 v21, $0x6;
	v32 =	vshrl.u32 v16, $0x1A  }
0x457: {  	v33 =	vshll.u32 v16, $0x6;
	v34 =	vshrl.u32 v15, $0x1A;
	v35 =	vshll.u32 v15, $0x6  }
0x458: {  	v22 =	vor.u32 v22, v23;
	v23 =	vor.u32 v24, v25;
	v24 =	vor.u32 v26, v27  }
0x459: {  	v25 =	vor.u32 v28, v29;
	v26 =	vor.u32 v30, v31;
	v27 =	vor.u32 v32, v33  }
0x45a: {  	v11 =	vadd.s32 v11, v17;
	v9 =	vadd.s32 v9, v18;
	v10 =	vadd.s32 v10, v19  }
0x45b: {  	v13 =	vadd.s32 v13, v20;
	v14 =	vadd.s32 v14, v21;
	v12 =	vadd.s32 v12, v16  }
0x45c: {  	v8 =	vadd.s32 v8, v15;
	v16 =	vxor.u32 v11, v22;
	v15 =	vor.u32 v34, v35  }
0x45d: {  	v17 =	vxor.u32 v9, v23;
	v18 =	vxor.u32 v10, v24;
	v19 =	vxor.u32 v13, v25  }
0x45e: {  	v20 =	vxor.u32 v14, v26;
	v21 =	vxor.u32 v12, v27;
	v15 =	vxor.u32 v8, v15  }
0x45f: {  	v16 =	vadd.s32 $0x2D, v16;
	v17 =	vadd.s32 $0x2D, v17;
	v18 =	vadd.s32 $0x2D, v18  }
0x460: {  	v19 =	vadd.s32 $0x2D, v19;
	v20 =	vadd.s32 $0x2D, v20;
	v21 =	vadd.s32 $0x2D, v21  }
0x461: {  	v22 =	vshrl.u32 v16, $0xF;
	v23 =	vshll.u32 v16, $0x11;
	v15 =	vadd.s32 $0x2D, v15  }
0x462: {  	v24 =	vshrl.u32 v17, $0xF;
	v25 =	vshll.u32 v17, $0x11;
	v26 =	vshrl.u32 v18, $0xF  }
0x463: {  	v27 =	vshll.u32 v18, $0x11;
	v28 =	vshrl.u32 v19, $0xF;
	v29 =	vshll.u32 v19, $0x11  }
0x464: {  	v30 =	vshrl.u32 v20, $0xF;
	v31 =	vshll.u32 v20, $0x11;
	v32 =	vshrl.u32 v21, $0xF  }
0x465: {  	v33 =	vshll.u32 v21, $0x11;
	v34 =	vshrl.u32 v15, $0xF;
	v35 =	vshll.u32 v15, $0x11  }
0x466: {  	v22 =	vor.u32 v22, v23;
	v23 =	vor.u32 v24, v25;
	v24 =	vor.u32 v26, v27  }
0x467: {  	v25 =	vor.u32 v28, v29;
	v26 =	vor.u32 v30, v31;
	v27 =	vor.u32 v32, v33  }
0x468: {  	v11 =	vadd.s32 v11, v16;
	v9 =	vadd.s32 v9, v17;
	v10 =	vadd.s32 v10, v18  }
0x469: {  	v13 =	vadd.s32 v13, v19;
	v14 =	vadd.s32 v14, v20;
	v12 =	vadd.s32 v12, v21  }
0x46a: {  	v8 =	vadd.s32 v8, v15;
	v16 =	vxor.u32 v11, v22;
	v15 =	vor.u32 v34, v35  }
0x46b: {  	v17 =	vxor.u32 v9, v23;
	v18 =	vxor.u32 v10, v24;
	v19 =	vxor.u32 v13, v25  }
0x46c: {  	v20 =	vxor.u32 v14, v26;
	v21 =	vxor.u32 v12, v27;
	v15 =	vxor.u32 v8, v15  }
0x46d: {  	v22 =	vshrl.u32 v16, $0x3;
	v23 =	vshll.u32 v16, $0x1D;
	v24 =	vshrl.u32 v17, $0x3  }
0x46e: {  	v25 =	vshll.u32 v17, $0x1D;
	v26 =	vshrl.u32 v18, $0x3;
	v27 =	vshll.u32 v18, $0x1D  }
0x46f: {  	v28 =	vshrl.u32 v19, $0x3;
	v29 =	vshll.u32 v19, $0x1D;
	v30 =	vshrl.u32 v20, $0x3  }
0x470: {  	v31 =	vshll.u32 v20, $0x1D;
	v32 =	vshrl.u32 v21, $0x3;
	v33 =	vshll.u32 v21, $0x1D  }
0x471: {  	v22 =	vor.u32 v22, v23;
	v23 =	vshrl.u32 v15, $0x3;
	v34 =	vshll.u32 v15, $0x1D  }
0x472: {  	v24 =	vor.u32 v24, v25;
	v25 =	vor.u32 v26, v27;
	v26 =	vor.u32 v28, v29  }
0x473: {  	v11 =	vadd.s32 v11, v16;
	v16 =	vor.u32 v30, v31;
	v27 =	vor.u32 v32, v33  }
0x474: {  	v9 =	vadd.s32 v9, v17;
	v10 =	vadd.s32 v10, v18;
	v13 =	vadd.s32 v13, v19  }
0x475: {  	v14 =	vadd.s32 v14, v20;
	v12 =	vadd.s32 v12, v21;
	v17 =	vor.u32 v23, v34  }
0x476: {  	v8 =	vadd.s32 v8, v15;
	v18 =	vxor.u32 v11, v22;
	v19 =	vxor.u32 v9, v24  }
0x477: {  	v15 =	vxor.u32 v10, v25;
	v20 =	vxor.u32 v13, v26;
	v16 =	vxor.u32 v14, v16  }
0x478: {  	v22 =	vxor.u32 v12, v27;
	v21 =	vshrl.u32 v18, $0x10;
	v17 =	vxor.u32 v8, v17  }
0x479: {  	v23 =	vshll.u32 v18, $0x10;
	v24 =	vshrl.u32 v19, $0x10;
	v25 =	vshll.u32 v19, $0x10  }
0x47a: {  	v26 =	vshrl.u32 v15, $0x10;
	v27 =	vshll.u32 v15, $0x10;
	v28 =	vshrl.u32 v20, $0x10  }
0x47b: {  	v29 =	vshll.u32 v20, $0x10;
	v30 =	vshrl.u32 v16, $0x10;
	v31 =	vshll.u32 v16, $0x10  }
0x47c: {  	v32 =	vshrl.u32 v22, $0x10;
	v33 =	vshll.u32 v22, $0x10;
	v34 =	vshrl.u32 v17, $0x10  }
0x47d: {  	v21 =	vor.u32 v21, v23;
	v23 =	vor.u32 v24, v25;
	v24 =	vshll.u32 v17, $0x10  }
0x47e: {  	v25 =	vor.u32 v26, v27;
	v26 =	vor.u32 v28, v29;
	v27 =	vor.u32 v30, v31  }
0x47f: {  	v11 =	vadd.s32 v11, v18;
	v9 =	vadd.s32 v9, v19;
	v18 =	vor.u32 v32, v33  }
0x480: {  	v10 =	vadd.s32 v10, v15;
	v13 =	vadd.s32 v13, v20;
	v14 =	vadd.s32 v14, v16  }
0x481: {  	v12 =	vadd.s32 v12, v22;
	v8 =	vadd.s32 v8, v17;
	v15 =	vor.u32 v34, v24  }
0x482: {  	v16 =	vxor.u32 v11, v21;
	v17 =	vxor.u32 v9, v23;
	v19 =	vxor.u32 v10, v25  }
0x483: {  	v20 =	vxor.u32 v13, v26;
	v21 =	vxor.u32 v14, v27;
	v18 =	vxor.u32 v12, v18  }
0x484: {  	v22 =	vshrl.u32 v16, $0x8;
	v23 =	vshll.u32 v16, $0x18;
	v15 =	vxor.u32 v8, v15  }
0x485: {  	v24 =	vshrl.u32 v17, $0x8;
	v25 =	vshll.u32 v17, $0x18;
	v26 =	vshrl.u32 v19, $0x8  }
0x486: {  	v27 =	vshll.u32 v19, $0x18;
	v28 =	vshrl.u32 v20, $0x8;
	v29 =	vshll.u32 v20, $0x18  }
0x487: {  	v30 =	vshrl.u32 v21, $0x8;
	v31 =	vshll.u32 v21, $0x18;
	v32 =	vshrl.u32 v18, $0x8  }
0x488: {  	v33 =	vshll.u32 v18, $0x18;
	v34 =	vshrl.u32 v15, $0x8;
	v35 =	vshll.u32 v15, $0x18  }
0x489: {  	v22 =	vor.u32 v22, v23;
	v23 =	vor.u32 v24, v25;
	v24 =	vor.u32 v26, v27  }
0x48a: {  	v25 =	vor.u32 v28, v29;
	v26 =	vor.u32 v30, v31;
	v27 =	vor.u32 v32, v33  }
0x48b: {  	v11 =	vadd.s32 v11, v16;
	v9 =	vadd.s32 v9, v17;
	v10 =	vadd.s32 v10, v19  }
0x48c: {  	v13 =	vadd.s32 v13, v20;
	v14 =	vadd.s32 v14, v21;
	v12 =	vadd.s32 v12, v18  }
0x48d: {  	v8 =	vadd.s32 v8, v15;
	v16 =	vxor.u32 v11, v22;
	v15 =	vor.u32 v34, v35  }
0x48e: {  	v17 =	vxor.u32 v9, v23;
	v18 =	vxor.u32 v10, v24;
	v19 =	vxor.u32 v13, v25  }
0x48f: {  	v20 =	vxor.u32 v14, v26;
	v21 =	vxor.u32 v12, v27;
	v15 =	vxor.u32 v8, v15  }
0x490: {  	v16 =	vadd.s32 $0x1BD11BF4, v16;
	v17 =	vadd.s32 $0x1BD11BF4, v17;
	v18 =	vadd.s32 $0x1BD11BF4, v18  }
0x491: {  	v19 =	vadd.s32 $0x1BD11BF4, v19;
	v20 =	vadd.s32 $0x1BD11BF4, v20;
	v21 =	vadd.s32 $0x1BD11BF4, v21  }
0x492: {  	v11 =	vadd.s32 v16, v11;
	v22 =	vshrl.u32 v16, $0x13;
	v15 =	vadd.s32 $0x1BD11BF4, v15  }
0x493: {  	v16 =	vshll.u32 v16, $0xD;
	v9 =	vadd.s32 v17, v9;
	v23 =	vshrl.u32 v17, $0x13  }
0x494: {  	v17 =	vshll.u32 v17, $0xD;
	v10 =	vadd.s32 v18, v10;
	v24 =	vshrl.u32 v18, $0x13  }
0x495: {  	v18 =	vshll.u32 v18, $0xD;
	v13 =	vadd.s32 v19, v13;
	v25 =	vshrl.u32 v19, $0x13  }
0x496: {  	v19 =	vshll.u32 v19, $0xD;
	v14 =	vadd.s32 v20, v14;
	v26 =	vshrl.u32 v20, $0x13  }
0x497: {  	v20 =	vshll.u32 v20, $0xD;
	v12 =	vadd.s32 v21, v12;
	v27 =	vshrl.u32 v21, $0x13  }
0x498: {  	v21 =	vshll.u32 v21, $0xD;
	v8 =	vadd.s32 v15, v8;
	v28 =	vshrl.u32 v15, $0x13  }
0x499: {  	v11 =	vadd.s32 $0x2A, v11;
	v16 =	vor.u32 v22, v16;
	v15 =	vshll.u32 v15, $0xD  }
0x49a: {  	v9 =	vadd.s32 $0x2A, v9;
	v17 =	vor.u32 v23, v17;
	v10 =	vadd.s32 $0x2A, v10  }
0x49b: {  	v18 =	vor.u32 v24, v18;
	v13 =	vadd.s32 $0x2A, v13;
	v19 =	vor.u32 v25, v19  }
0x49c: {  	v14 =	vadd.s32 $0x2A, v14;
	v20 =	vor.u32 v26, v20;
	v12 =	vadd.s32 $0x2A, v12  }
0x49d: {  	v21 =	vor.u32 v27, v21;
	v8 =	vadd.s32 $0x2A, v8;
	v15 =	vor.u32 v28, v15  }
0x49e: {  	v16 =	vxor.u32 v11, v16;
	v17 =	vxor.u32 v9, v17;
	v18 =	vxor.u32 v10, v18  }
0x49f: {  	v19 =	vxor.u32 v13, v19;
	v20 =	vxor.u32 v14, v20;
	v21 =	vxor.u32 v12, v21  }
0x4a0: {  	v22 =	vshrl.u32 v16, $0x11;
	v23 =	vshll.u32 v16, $0xF;
	v15 =	vxor.u32 v8, v15  }
0x4a1: {  	v24 =	vshrl.u32 v17, $0x11;
	v25 =	vshll.u32 v17, $0xF;
	v26 =	vshrl.u32 v18, $0x11  }
0x4a2: {  	v27 =	vshll.u32 v18, $0xF;
	v28 =	vshrl.u32 v19, $0x11;
	v29 =	vshll.u32 v19, $0xF  }
0x4a3: {  	v30 =	vshrl.u32 v20, $0x11;
	v31 =	vshll.u32 v20, $0xF;
	v32 =	vshrl.u32 v21, $0x11  }
0x4a4: {  	v33 =	vshll.u32 v21, $0xF;
	v34 =	vshrl.u32 v15, $0x11;
	v35 =	vshll.u32 v15, $0xF  }
0x4a5: {  	v22 =	vor.u32 v22, v23;
	v23 =	vor.u32 v24, v25;
	v24 =	vor.u32 v26, v27  }
0x4a6: {  	v25 =	vor.u32 v28, v29;
	v26 =	vor.u32 v30, v31;
	v27 =	vor.u32 v32, v33  }
0x4a7: {  	v11 =	vadd.s32 v11, v16;
	v9 =	vadd.s32 v9, v17;
	v10 =	vadd.s32 v10, v18  }
0x4a8: {  	v13 =	vadd.s32 v13, v19;
	v14 =	vadd.s32 v14, v20;
	v12 =	vadd.s32 v12, v21  }
0x4a9: {  	v8 =	vadd.s32 v8, v15;
	v16 =	vxor.u32 v11, v22;
	v15 =	vor.u32 v34, v35  }
0x4aa: {  	v17 =	vxor.u32 v9, v23;
	v18 =	vxor.u32 v10, v24;
	v19 =	vxor.u32 v13, v25  }
0x4ab: {  	v20 =	vxor.u32 v14, v26;
	v21 =	vxor.u32 v12, v27;
	v15 =	vxor.u32 v8, v15  }
0x4ac: {  	v22 =	vshrl.u32 v16, $0x6;
	v23 =	vshll.u32 v16, $0x1A;
	v24 =	vshrl.u32 v17, $0x6  }
0x4ad: {  	v25 =	vshll.u32 v17, $0x1A;
	v26 =	vshrl.u32 v18, $0x6;
	v27 =	vshll.u32 v18, $0x1A  }
0x4ae: {  	v28 =	vshrl.u32 v19, $0x6;
	v29 =	vshll.u32 v19, $0x1A;
	v30 =	vshrl.u32 v20, $0x6  }
0x4af: {  	v31 =	vshll.u32 v20, $0x1A;
	v32 =	vshrl.u32 v21, $0x6;
	v33 =	vshll.u32 v21, $0x1A  }
0x4b0: {  	v22 =	vor.u32 v22, v23;
	v23 =	vshrl.u32 v15, $0x6;
	v34 =	vshll.u32 v15, $0x1A  }
0x4b1: {  	v24 =	vor.u32 v24, v25;
	v25 =	vor.u32 v26, v27;
	v26 =	vor.u32 v28, v29  }
0x4b2: {  	v11 =	vadd.s32 v11, v16;
	v16 =	vor.u32 v30, v31;
	v27 =	vor.u32 v32, v33  }
0x4b3: {  	v9 =	vadd.s32 v9, v17;
	v10 =	vadd.s32 v10, v18;
	v13 =	vadd.s32 v13, v19  }
0x4b4: {  	v14 =	vadd.s32 v14, v20;
	v12 =	vadd.s32 v12, v21;
	v17 =	vor.u32 v23, v34  }
0x4b5: {  	v8 =	vadd.s32 v8, v15;
	v18 =	vxor.u32 v11, v22;
	v19 =	vxor.u32 v9, v24  }
0x4b6: {  	v15 =	vxor.u32 v10, v25;
	v20 =	vxor.u32 v13, v26;
	v16 =	vxor.u32 v14, v16  }
0x4b7: {  	v22 =	vxor.u32 v12, v27;
	v21 =	vshrl.u32 v18, $0x1A;
	v17 =	vxor.u32 v8, v17  }
0x4b8: {  	v23 =	vshll.u32 v18, $0x6;
	v24 =	vshrl.u32 v19, $0x1A;
	v25 =	vshll.u32 v19, $0x6  }
0x4b9: {  	v26 =	vshrl.u32 v15, $0x1A;
	v27 =	vshll.u32 v15, $0x6;
	v28 =	vshrl.u32 v20, $0x1A  }
0x4ba: {  	v29 =	vshll.u32 v20, $0x6;
	v30 =	vshrl.u32 v16, $0x1A;
	v31 =	vshll.u32 v16, $0x6  }
0x4bb: {  	v32 =	vshrl.u32 v22, $0x1A;
	v33 =	vshll.u32 v22, $0x6;
	v34 =	vshrl.u32 v17, $0x1A  }
0x4bc: {  	v21 =	vor.u32 v21, v23;
	v23 =	vor.u32 v24, v25;
	v24 =	vshll.u32 v17, $0x6  }
0x4bd: {  	v25 =	vor.u32 v26, v27;
	v26 =	vor.u32 v28, v29;
	v27 =	vor.u32 v30, v31  }
0x4be: {  	v11 =	vadd.s32 v11, v18;
	v9 =	vadd.s32 v9, v19;
	v18 =	vor.u32 v32, v33  }
0x4bf: {  	v10 =	vadd.s32 v10, v15;
	v13 =	vadd.s32 v13, v20;
	v14 =	vadd.s32 v14, v16  }
0x4c0: {  	v12 =	vadd.s32 v12, v22;
	v8 =	vadd.s32 v8, v17;
	v15 =	vor.u32 v34, v24  }
0x4c1: {  	v16 =	vxor.u32 v11, v21;
	v17 =	vxor.u32 v9, v23;
	v19 =	vxor.u32 v10, v25  }
0x4c2: {  	v20 =	vxor.u32 v13, v26;
	v21 =	vxor.u32 v14, v27;
	v18 =	vxor.u32 v12, v18  }
0x4c3: {  	v16 =	vadd.s32 $0x5, v16;
	v17 =	vadd.s32 $0x5, v17;
	v15 =	vxor.u32 v8, v15  }
0x4c4: {  	v19 =	vadd.s32 $0x5, v19;
	v20 =	vadd.s32 $0x5, v20;
	v21 =	vadd.s32 $0x5, v21  }
0x4c5: {  	v11 =	vadd.s32 $0x1BD11BF0, v11;
	v18 =	vadd.s32 $0x5, v18;
	v15 =	vadd.s32 $0x5, v15  }
0x4c6: {  	v9 =	vadd.s32 $0x1BD11BF0, v9;
	v10 =	vadd.s32 $0x1BD11BF0, v10;
	v13 =	vadd.s32 $0x1BD11BF0, v13  }
0x4c7: {  	v14 =	vadd.s32 $0x1BD11BF0, v14;
	v12 =	vadd.s32 $0x1BD11BF0, v12;
	v8 =	vadd.s32 $0x1BD11BF0, v8  }
0x4c8: {  	v11 =	vxor.u32 v11, v16;
	v9 =	vxor.u32 v9, v17;
	v10 =	vxor.u32 v10, v19  }
0x4c9: {  	v13 =	vxor.u32 v13, v20;
	v14 =	vxor.u32 v14, v21;
	v12 =	vxor.u32 v12, v18  }
0x4ca: {  	v1 =	vmul.f32 $1.111111160e+00, v1;
	v16 =	vmul.f32 $1.111111160e+00, v2;
	v8 =	vxor.u32 v8, v15  }
0x4cb: {  	v3 =	vmul.f32 $1.111111160e+00, v3;
	vm1 =	vgt.u32 v11, $0x199999FF;
	v11 =	vmul.f32 $1.111111160e+00, v4  }
.Ltmp5:
0x4cc: {  	vm2 =	vgt.u32 v9, $0x199999FF;
	v9 =	vmul.f32 $1.111111160e+00, v5;
	v15 =	vmul.f32 $1.111111160e+00, v6;
	(pc) =	sbr.rel @p1 .LBB2_7-.Ltmp5, $4  }
0x4cd: {  	v2 =	vmul.f32 $1.111111160e+00, v7;
	vm3 =	vgt.u32 v10, $0x199999FF;
	vm4 =	vgt.u32 v13, $0x199999FF  }
0x4ce: {  	vm5 =	vgt.u32 v14, $0x199999FF;
	vm6 =	vgt.u32 v12, $0x199999FF;
	vm0 =	vgt.u32 v8, $0x199999FF  }
0x4cf: {  	v1 =	vnsel vm1, $0x0, v1;
	v4 =	vnsel vm2, $0x0, v16;
	v3 =	vnsel vm3, $0x0, v3  }
0x4d0: {  	s20 =	sadd.s32 $0x80, s20;
	v5 =	vnsel vm4, $0x0, v11;
	v6 =	vnsel vm5, $0x0, v9;
	v8 =	vnsel vm6, $0x0, v15;
	[tilespmem:s18+$0xFFFFFFC0] =	vst v1  }
0x4d1: {  	[tilespmem:s18+$0xFFFFFFD0] =	vst v4  }
0x4d2: {  	[tilespmem:s18+$0xFFFFFFE0] =	vst v3  }
0x4d3: {  	[tilespmem:s18+$0xFFFFFFF0] =	vst v5  }
0x4d4: {  	[tilespmem:s18+$0x0] =	vst v6  }
0x4d5: {  	v1 =	vnsel vm0, $0x0, v2;
	[tilespmem:s18+$0x10] =	vst v8  }
0x4d6: {  	[tilespmem:s18+$0x30] =	vst v1  }
.LBB2_9:
0x4d7: {  	v1 =	vadd.s32 s15, v0  }
0x4d8: {  	v2 =	vshll.u32 v1, $0xD  }
0x4d9: {  	v2 =	vor.u32 $0x5, v2  }
0x4da: {  	v2 =	vxor.u32 v1, v2  }
0x4db: {  	v3 =	vshrl.u32 v2, $0x11;
	v4 =	vshll.u32 v2, $0xF  }
0x4dc: {  	v1 =	vadd.s32 v1, v2;
	v2 =	vor.u32 v3, v4  }
0x4dd: {  	v2 =	vxor.u32 v1, v2  }
0x4de: {  	v3 =	vshrl.u32 v2, $0x6;
	v49 =	vshll.u32 v2, $0x1A  }
0x4df: {  	v1 =	vadd.s32 v1, v2;
	v2 =	vor.u32 v3, v49  }
0x4e0: {  	v2 =	vxor.u32 v1, v2  }
0x4e1: {  	v3 =	vshrl.u32 v2, $0x1A;
	v50 =	vshll.u32 v2, $0x6  }
0x4e2: {  	v1 =	vadd.s32 v1, v2;
	v2 =	vor.u32 v3, v50  }
0x4e3: {  	v2 =	vxor.u32 v1, v2  }
0x4e4: {  	v2 =	vadd.s32 $0x1BD11BF1, v2  }
0x4e5: {  	v1 =	vadd.s32 v2, v1;
	v3 =	vshrl.u32 v2, $0xF;
	v2 =	vshll.u32 v2, $0x11  }
0x4e6: {  	v1 =	vadd.s32 $0x2A, v1;
	v2 =	vor.u32 v3, v2  }
0x4e7: {  	v2 =	vxor.u32 v1, v2  }
0x4e8: {  	v3 =	vshrl.u32 v2, $0x3;
	v51 =	vshll.u32 v2, $0x1D  }
0x4e9: {  	v1 =	vadd.s32 v1, v2;
	v2 =	vor.u32 v3, v51  }
0x4ea: {  	v2 =	vxor.u32 v1, v2  }
0x4eb: {  	v3 =	vshrl.u32 v2, $0x10;
	v52 =	vshll.u32 v2, $0x10  }
0x4ec: {  	v1 =	vadd.s32 v1, v2;
	v2 =	vor.u32 v3, v52  }
0x4ed: {  	v2 =	vxor.u32 v1, v2  }
0x4ee: {  	v3 =	vshrl.u32 v2, $0x8;
	v53 =	vshll.u32 v2, $0x18  }
0x4ef: {  	v1 =	vadd.s32 v1, v2;
	v2 =	vor.u32 v3, v53  }
0x4f0: {  	v2 =	vxor.u32 v1, v2  }
0x4f1: {  	v2 =	vadd.s32 $0x2, v2  }
0x4f2: {  	v1 =	vadd.s32 v2, v1;
	v3 =	vshrl.u32 v2, $0x13;
	v2 =	vshll.u32 v2, $0xD  }
0x4f3: {  	v1 =	vadd.s32 $0x1BD11BF0, v1;
	v2 =	vor.u32 v3, v2  }
0x4f4: {  	v2 =	vxor.u32 v1, v2  }
0x4f5: {  	v3 =	vshrl.u32 v2, $0x11;
	v54 =	vshll.u32 v2, $0xF  }
0x4f6: {  	v1 =	vadd.s32 v1, v2;
	v2 =	vor.u32 v3, v54  }
0x4f7: {  	v2 =	vxor.u32 v1, v2  }
0x4f8: {  	v3 =	vshrl.u32 v2, $0x6;
	v55 =	vshll.u32 v2, $0x1A  }
0x4f9: {  	v1 =	vadd.s32 v1, v2;
	v2 =	vor.u32 v3, v55  }
0x4fa: {  	v2 =	vxor.u32 v1, v2  }
0x4fb: {  	v3 =	vshrl.u32 v2, $0x1A;
	v56 =	vshll.u32 v2, $0x6  }
0x4fc: {  	v1 =	vadd.s32 v1, v2;
	v2 =	vor.u32 v3, v56  }
0x4fd: {  	v2 =	vxor.u32 v1, v2  }
0x4fe: {  	v2 =	vadd.s32 $0x2D, v2  }
0x4ff: {  	v3 =	vshrl.u32 v2, $0xF;
	v57 =	vshll.u32 v2, $0x11  }
0x500: {  	v1 =	vadd.s32 v1, v2;
	v2 =	vor.u32 v3, v57  }
0x501: {  	v2 =	vxor.u32 v1, v2  }
0x502: {  	v3 =	vshrl.u32 v2, $0x3;
	v58 =	vshll.u32 v2, $0x1D  }
0x503: {  	v1 =	vadd.s32 v1, v2;
	v2 =	vor.u32 v3, v58  }
0x504: {  	v2 =	vxor.u32 v1, v2  }
0x505: {  	v3 =	vshrl.u32 v2, $0x10;
	v59 =	vshll.u32 v2, $0x10  }
0x506: {  	v1 =	vadd.s32 v1, v2;
	v2 =	vor.u32 v3, v59  }
0x507: {  	v2 =	vxor.u32 v1, v2  }
0x508: {  	v3 =	vshrl.u32 v2, $0x8;
	v60 =	vshll.u32 v2, $0x18  }
0x509: {  	v1 =	vadd.s32 v1, v2;
	v2 =	vor.u32 v3, v60  }
0x50a: {  	v2 =	vxor.u32 v1, v2  }
0x50b: {  	v2 =	vadd.s32 $0x1BD11BF4, v2  }
0x50c: {  	v1 =	vadd.s32 v2, v1;
	v3 =	vshrl.u32 v2, $0x13;
	v2 =	vshll.u32 v2, $0xD  }
0x50d: {  	v1 =	vadd.s32 $0x2A, v1;
	v2 =	vor.u32 v3, v2  }
0x50e: {  	v2 =	vxor.u32 v1, v2  }
0x50f: {  	v3 =	vshrl.u32 v2, $0x11;
	v61 =	vshll.u32 v2, $0xF  }
0x510: {  	v1 =	vadd.s32 v1, v2;
	v2 =	vor.u32 v3, v61  }
0x511: {  	v2 =	vxor.u32 v1, v2  }
0x512: {  	v3 =	vshrl.u32 v2, $0x6;
	v62 =	vshll.u32 v2, $0x1A  }
0x513: {  	v1 =	vadd.s32 v1, v2;
	v2 =	vor.u32 v3, v62  }
0x514: {  	v3 =	vld [tilespmem:s16+$0x0];
	v2 =	vxor.u32 v1, v2  }
0x515: {  	v63 =	vshrl.u32 v2, $0x1A;
	v5 =	vshll.u32 v2, $0x6  }
0x516: {  	v1 =	vadd.s32 v1, v2;
	v2 =	vor.u32 v63, v5  }
0x517: {  	p1 =	sne.s32 s15, $0x28F5C0;
	v2 =	vxor.u32 v1, v2  }
.Ltmp6:
0x518: {  	v1 =	vadd.s32 $0x1BD11BF0, v1;
	v2 =	vadd.s32 $0x5, v2;
	(pc) =	sbr.rel @p1 .LBB2_9-.Ltmp6, $4  }
0x519: {  	v1 =	vxor.u32 v1, v2;
	v2 =	vmul.f32 $1.111111160e+00, v3  }
0x51a: {  	vm0 =	vgt.u32 v1, $0x199999FF  }
0x51b: {  	v1 =	vnsel vm0, $0x0, v2  }
0x51c: {  	s15 =	sadd.s32 $0x10, s15;
	s16 =	sadd.s32 $0x10, s16;
	[tilespmem:s17+$0x0] =	vst v1;
	s17 =	sadd.s32 $0x10, s17  }
.Ltmp7:
0x51d: {  	(pc) =	sbr.rel .LBB2_11-.Ltmp7, $4  }
0x51e: {  	[hbm4b:s7+s4] =	stream.linear.scatter [tilespmem:s12], [sflag:$0x1], $0x5C2, $0x38;
	[tilespmem:$0x2000] =	vst v63  }
0x51f: {  	_ =	swait.ge [sflag:s11], $0x5C2  }
0x520: {  	[sflag:s11] =	ssyncset.done $0x0  }
0x521: {  	[sflag:s11] =	ssyncadd.s32 $0xFFFFFA3E  }
.LBB2_12:
0x522: {  	_ =	sfence.sel $0x180000  }
0x523: {  	[bflag:$0x0] =	sbarrier.arrive $0xFFFF  }
0x524: {  	p0 =	sne.s32 s2, $0x0;
	_ =	strace $0x90000047  }
0x525: {  	s0 =	sadd.s32 @!p0 $0x100000, s0;
	[bflag:$0x2] =	sbarrier.arrive $0xFFFF  }
0x526: {  	[sflag:s0] =	ssyncadd.tile.s32 @!p0 $0x1;
	_ =	shalt  }
.Lfunc_end2:
_tile_overlayer_lowered:
.L_overlay_start_2:
0x527: {  	(tag) =	ssettag $0x2  }
0x528: {  	s0 =	rddreg [dreg:$0x0];
	s2 =	stileid.u32  }
0x529: {  	s1 =	rddreg [dreg:$0x1];
	p0 =	sne.s32 s2, $0x0  }
0x52a: {  	s3 =	rddreg [dreg:$0x2];
	[bflag:$0x3] =	sbarrier.arrive $0xFFFF;
	s2 =	simm.s32 @!p0 $0x1C01  }
0x52b: {  	[timem:s3], [sflag:s2] =	dma.local @!p0 [hbm:s0], s1  }
0x52c: {  	s0 =	simm.s32 @!p0 $0x1  }
0x52d: {  	_ =	swait.ge @!p0 [sflag:s0], s1  }
0x52e: {  	s1 =	ssub.s32 @!p0 $0x0, s1;
	[sflag:s0] =	ssyncset.done @!p0 $0x0  }
0x52f: {  	[sflag:s0] =	ssyncadd.s32 @!p0 s1  }
0x530: {  	[bflag:$0x3] =	sbarrier.arrive $0xFFFF  }
0x531: {  	_ =	shalt  }

</sc_bundles>
